<compile_context>
chip_gen: v7x
topology: tpu7x:2x2x1
jax: 0.10.2.dev20260603
libtpu: 0.0.44.dev20260713+nightly
codegen_flags: <defaults>
</compile_context>

<pallas_src>
import jax
import jax.numpy as jnp
from jax import lax
from jax.experimental import pallas as pl
from jax.experimental.pallas import tpu as pltpu
from jax.experimental.pallas import tpu_sc as plsc

N = 10000
E = 320000
NC, NS = 2, 16
NW = NC * NS
EPW = E // NW
CH = 128
NCHUNK = -(-EPW // CH)
EPWP = NCHUNK * CH
NPAD = N + 8
RB = 80
NRB = N // RB
RB_ITERS = (NRB + NS - 1) // NS

_mesh = plsc.VectorSubcoreMesh(core_axis_name="c", subcore_axis_name="s",
                               num_cores=NC, num_subcores=NS)


def _leaky(x):
    return jnp.where(x > 0, x, 0.01 * x)



def _rows_loop(sid, fn):
    def body(k, _):
        j = jnp.minimum(sid + k * NS, NRB - 1)
        fn(pl.multiple_of(j * RB, RB))
        return 0
    lax.fori_loop(0, RB_ITERS, body, 0)


_DEG_OUT = jax.ShapeDtypeStruct((NC, N, 128), jnp.float32)
NBUFD = 4
_MAIND = (NCHUNK // NBUFD) * NBUFD
_DEG_SCRATCH = (
    [pltpu.VMEM((CH, 128), jnp.float32),
     pltpu.VMEM((RB, 128), jnp.float32)]
    + [pltpu.VMEM((CH,), jnp.int32)] * NBUFD
    + [pltpu.SemaphoreType.DMA] * (2 * NBUFD)
)


def _deg_body(dstp_hbm, ones_hbm, zero_hbm, out_hbm, ones_v, zero_v, *rest):
    dst_i = list(rest[:NBUFD])
    dsem, ssem = rest[NBUFD:2 * NBUFD], rest[2 * NBUFD:2 * NBUFD + NBUFD]
    acc_sh = rest[-1]
    cid = lax.axis_index("c")
    sid = lax.axis_index("s")
    wid = sid * NC + cid
    base = wid * EPWP
    pltpu.sync_copy(ones_hbm, ones_v)
    pltpu.sync_copy(zero_hbm, zero_v)
    _rows_loop(sid, lambda off: pltpu.sync_copy(zero_v, acc_sh.at[pl.ds(off, RB)]))
    plsc.subcore_barrier()

    def _idx(j, b):
        off = pl.multiple_of(base + j * CH, CH)
        return pltpu.async_copy(dstp_hbm.at[pl.ds(off, CH)], dst_i[b], dsem[b])

    def _scat(b):
        return pltpu.async_copy(ones_v, acc_sh.at[dst_i[b]], ssem[b], add=True)

    for b in range(NBUFD):
        _idx(b, b)

    def round_(r, _):
        for b in range(NBUFD):
            jc = r * NBUFD + b
            pltpu.make_async_copy(dstp_hbm.at[pl.ds(CH, CH)], dst_i[b],
                                  dsem[b]).wait()
            _scat(b).wait()
            _idx(jnp.minimum(jc + NBUFD, NCHUNK - 1), b)
        return 0
    lax.fori_loop(0, _MAIND // NBUFD, round_, 0)

    for b in range(NBUFD):
        jc = _MAIND + b
        pltpu.make_async_copy(dstp_hbm.at[pl.ds(CH, CH)], dst_i[b],
                              dsem[b]).wait()
        if jc < NCHUNK:
            pltpu.sync_copy(ones_v, acc_sh.at[dst_i[b]], add=True)
    plsc.subcore_barrier()

    def _read(off):
        pltpu.sync_copy(acc_sh.at[pl.ds(off, RB)], zero_v)
        pltpu.sync_copy(zero_v, out_hbm.at[cid, pl.ds(off, RB)])
    _rows_loop(sid, _read)


_CONV_OUT = jax.ShapeDtypeStruct((NC, N, 128), jnp.float32)
NBUF = 2
_MAIN = (NCHUNK // NBUF) * NBUF
_CONV_SCRATCH = (
    [pltpu.VMEM((NCHUNK, 1, CH), jnp.int32)]
    + [pltpu.VMEM((CH, 128), jnp.float32)] * NBUF
    + [pltpu.VMEM((CH,), jnp.int32)] * NBUF
    + [pltpu.SemaphoreType.DMA] * (3 * NBUF)
)


def _conv_body(hp_hbm, srcp_hbm, dstp_hbm, out_hbm, src_v, *rest):
    rows = list(rest[:NBUF])
    dst_i = list(rest[NBUF:2 * NBUF])
    gsem = rest[2 * NBUF:3 * NBUF]
    dsem = rest[3 * NBUF:4 * NBUF]
    ssem = rest[4 * NBUF:5 * NBUF]
    acc_sh = rest[-1]
    cid = lax.axis_index("c")
    sid = lax.axis_index("s")
    wid = sid * NC + cid
    base = wid * EPWP
    def _init(off):
        pltpu.sync_copy(hp_hbm.at[pl.ds(off, RB)], rows[0].at[pl.ds(0, RB)])
        pltpu.sync_copy(rows[0].at[pl.ds(0, RB)], acc_sh.at[pl.ds(off, RB)])
    _rows_loop(sid, _init)
    pltpu.sync_copy(srcp_hbm.at[pl.ds(wid * NCHUNK, NCHUNK)], src_v)
    plsc.subcore_barrier()

    def _idx(j, b):
        off = pl.multiple_of(base + j * CH, CH)
        return pltpu.async_copy(dstp_hbm.at[pl.ds(off, CH)], dst_i[b], dsem[b])

    def _gather(j, b):
        return pltpu.async_copy(hp_hbm.at[src_v.at[j, 0]], rows[b], gsem[b])

    for b in range(NBUF):
        _idx(b, b)
        _gather(b, b)

    def round_(r, _):
        for b in range(NBUF):
            jc = r * NBUF + b
            pltpu.make_async_copy(hp_hbm.at[src_v.at[jc, 0]], rows[b],
                                  gsem[b]).wait()
            pltpu.make_async_copy(dstp_hbm.at[pl.ds(CH, CH)], dst_i[b],
                                  dsem[b]).wait()
            pltpu.async_copy(rows[b], acc_sh.at[dst_i[b]],
                             ssem[b], add=True).wait()
            jn = jnp.minimum(jc + NBUF, NCHUNK - 1)
            _idx(jn, b)
            _gather(jn, b)
        return 0
    lax.fori_loop(0, _MAIN // NBUF, round_, 0)

    for b in range(NBUF):
        jc = _MAIN + b
        pltpu.make_async_copy(hp_hbm.at[src_v.at[min(jc, NCHUNK - 1), 0]],
                              rows[b], gsem[b]).wait()
        pltpu.make_async_copy(dstp_hbm.at[pl.ds(CH, CH)], dst_i[b],
                              dsem[b]).wait()
        if jc < NCHUNK:
            pltpu.sync_copy(rows[b], acc_sh.at[dst_i[b]], add=True)
    plsc.subcore_barrier()

    def _read(off):
        pltpu.sync_copy(acc_sh.at[pl.ds(off, RB)], rows[0].at[pl.ds(0, RB)])
        pltpu.sync_copy(rows[0].at[pl.ds(0, RB)],
                        out_hbm.at[cid, pl.ds(off, RB)])
    _rows_loop(sid, _read)


_deg = pl.kernel(_deg_body, out_type=_DEG_OUT, mesh=_mesh,
                 scratch_types=_DEG_SCRATCH
                 + [pltpu.VMEM_SHARED((NPAD, 128), jnp.float32)])
_conv = pl.kernel(_conv_body, out_type=_CONV_OUT, mesh=_mesh,
                  scratch_types=_CONV_SCRATCH
                  + [pltpu.VMEM_SHARED((NPAD, 128), jnp.float32)])



_BLK = 1000
_GRID = N // _BLK


def _row_spec(d):
    return pl.BlockSpec((_BLK, d), lambda i: (i, 0))


def _full_spec(shape):
    nd = len(shape)
    return pl.BlockSpec(shape, lambda i: (0,) * nd)


def _featA_body(des, tweet, sm, Wd, Wt, Ws, bc, Win, bin_, x_out):
    x = des[:] @ Wd[:] + tweet[:] @ Wt[:] + sm[:] @ Ws[:] + bc[:]
    x = _leaky(x)
    x_out[:] = _leaky(x @ Win[:] + bin_[:])


def _featA(des, tweet, sm, Wd, Wt, Ws, bc, Win, bin_):
    return pl.pallas_call(
        _featA_body,
        grid=(_GRID,),
        in_specs=[
            _row_spec(768), _row_spec(768), _row_spec(32),
            _full_spec((768, 128)), _full_spec((768, 128)),
            _full_spec((32, 128)), _full_spec((1, 128)),
            _full_spec((128, 128)), _full_spec((1, 128)),
        ],
        out_specs=_row_spec(128),
        out_shape=jax.ShapeDtypeStruct((N, 128), jnp.float32),
    )(des, tweet, sm, Wd, Wt, Ws, bc, Win, bin_)


def _featB_body(x, degp, Wg1, hp_out, dis_out):
    deg = degp[0, :, 0:8] + degp[1, :, 0:8] + 1.0
    dis8 = lax.rsqrt(deg)
    dis = dis8[:, 0:1]
    hp_out[:] = dis * (x[:] @ Wg1[:])
    dis_out[:] = dis8


def _featB(x, degp, Wg1):
    return pl.pallas_call(
        _featB_body,
        grid=(_GRID,),
        in_specs=[
            _row_spec(128),
            pl.BlockSpec((NC, _BLK, 128), lambda i: (0, i, 0)),
            _full_spec((128, 128)),
        ],
        out_specs=[_row_spec(128), _row_spec(8)],
        out_shape=[jax.ShapeDtypeStruct((N, 128), jnp.float32),
                   jax.ShapeDtypeStruct((N, 8), jnp.float32)],
    )(x, degp, Wg1)


def _mid_body(accp, hp, dis8, Wg2, bg1, out):
    acc = accp[0] + accp[1] - hp[:]
    dis = dis8[:, 0:1]
    x2 = dis * acc + bg1[:]
    out[:] = dis * (x2 @ Wg2[:])


def _mid(accp, hp, dis8, Wg2, bg1):
    return pl.pallas_call(
        _mid_body,
        grid=(_GRID,),
        in_specs=[
            pl.BlockSpec((NC, _BLK, 128), lambda i: (0, i, 0)),
            _row_spec(128), _row_spec(8),
            _full_spec((128, 128)), _full_spec((1, 128)),
        ],
        out_specs=_row_spec(128),
        out_shape=jax.ShapeDtypeStruct((N, 128), jnp.float32),
    )(accp, hp, dis8, Wg2, bg1)


def _fin_body(accp, hp, dis8, bg2, Wo1, bo1, Wo2, bo2, out):
    acc = accp[0] + accp[1] - hp[:]
    dis = dis8[:, 0:1]
    x3 = dis * acc + bg2[:]
    y = _leaky(x3 @ Wo1[:] + bo1[:])
    out[:] = y @ Wo2[:] + bo2[:]


def _fin(accp, hp, dis8, bg2, Wo1, bo1, Wo2, bo2):
    return pl.pallas_call(
        _fin_body,
        grid=(_GRID,),
        in_specs=[
            pl.BlockSpec((NC, _BLK, 128), lambda i: (0, i, 0)),
            _row_spec(128), _row_spec(8),
            _full_spec((1, 128)),
            _full_spec((128, 128)), _full_spec((1, 128)),
            _full_spec((128, 2)), _full_spec((1, 2)),
        ],
        out_specs=_row_spec(2),
        out_shape=jax.ShapeDtypeStruct((N, 2), jnp.float32),
    )(accp, hp, dis8, bg2, Wo1, bo1, Wo2, bo2)



def kernel(des, tweet, num_prop, cat_prop, new_feature, edge_index, edge_type,
           W_des, b_des, W_tw, b_tw, W_np, b_np, W_cp, b_cp, W_nf, b_nf,
           W_in, b_in, Wg1, bg1, Wg2, bg2, W_o1, b_o1, W_o2, b_o2):
    f32 = jnp.float32
    sm = jnp.concatenate(
        [num_prop, cat_prop, new_feature, jnp.zeros((N, 13), f32)], axis=1)
    Wd = jnp.zeros((768, 128), f32).at[:, 0:28].set(W_des)
    Wt = jnp.zeros((768, 128), f32).at[:, 28:64].set(W_tw)
    Ws = (jnp.zeros((32, 128), f32)
          .at[0:7, 64:76].set(W_np)
          .at[7:18, 76:116].set(W_cp)
          .at[18:19, 116:128].set(W_nf))
    bc = jnp.concatenate([b_des, b_tw, b_np, b_cp, b_nf]).reshape(1, 128)

    pad = ((0, 0), (0, EPWP - EPW))
    srcp = jnp.pad(edge_index[0].reshape(NW, EPW), pad).reshape(-1)
    dstp = jnp.pad(edge_index[1].reshape(NW, EPW), pad,
                   constant_values=N).reshape(-1)
    src3d = srcp.reshape(NW * NCHUNK, 1, CH)

    ones_blk = jnp.ones((CH, 128), f32)
    zero_blk = jnp.zeros((RB, 128), f32)
    degp = _deg(dstp, ones_blk, zero_blk)
    x = _featA(des, tweet, sm, Wd, Wt, Ws, bc, W_in, b_in.reshape(1, 128))
    hp1, dis8 = _featB(x, degp, Wg1)
    acc1 = _conv(hp1, src3d, dstp)
    hp2 = _mid(acc1, hp1, dis8, Wg2, bg1.reshape(1, 128))
    acc2 = _conv(hp2, src3d, dstp)
    return _fin(acc2, hp2, dis8, bg2.reshape(1, 128),
                W_o1, b_o1.reshape(1, 128), W_o2, b_o2.reshape(1, 2))

# --- scband reference (transcript-rebuilt; emitter-appended) ---
"""Pipeline reference for scband-esabot-gcn-32590211842598 (READ-ONLY COPY).

The authoritative reference and input builder live on the scoring server;
editing this copy changes nothing except your own understanding.
"""

import jax, jax.numpy as jnp
import numpy as np

N = 10000
E = 320000


def leaky(x):
    return jnp.where(x > 0, x, 0.01 * x)


def gcn_conv(x, src, dst, W, b):
    n = x.shape[0]
    sl = jnp.arange(n, dtype=src.dtype)
    s = jnp.concatenate([src, sl])
    d = jnp.concatenate([dst, sl])
    deg = jnp.zeros((n,), x.dtype).at[d].add(1.0)
    dis = jnp.where(deg > 0, jax.lax.rsqrt(deg), 0.0)
    norm = dis[s] * dis[d]
    h = x @ W
    out = jnp.zeros_like(h).at[d].add(h[s] * norm[:, None])
    return out + b


def setup_inputs(seed: int = 0):
    key = jax.random.key(seed)
    ks = iter(jax.random.split(key, 40))
    def nx(shape):
        return jax.random.normal(next(ks), shape, dtype=jnp.float32)
    def p(shape):
        return jax.random.normal(next(ks), shape, dtype=jnp.float32) * 0.05
    inp = dict(
        des=nx((N, 768)), tweet=nx((N, 768)), num_prop=nx((N, 7)),
        cat_prop=nx((N, 11)), new_feature=nx((N, 1)),
        edge_index=jax.random.randint(next(ks), (2, E), 0, N, dtype=jnp.int32),
        edge_type=jax.random.randint(next(ks), (E,), 0, 3, dtype=jnp.int32),
        W_des=p((768, 28)), b_des=p((28,)),
        W_tw=p((768, 36)), b_tw=p((36,)),
        W_np=p((7, 12)), b_np=p((12,)),
        W_cp=p((11, 40)), b_cp=p((40,)),
        W_nf=p((1, 12)), b_nf=p((12,)),
        W_in=p((128, 128)), b_in=p((128,)),
        Wg1=p((128, 128)), bg1=p((128,)),
        Wg2=p((128, 128)), bg2=p((128,)),
        W_o1=p((128, 128)), b_o1=p((128,)),
        W_o2=p((128, 2)), b_o2=p((2,)),
    )
    return inp


def reference(des, tweet, num_prop, cat_prop, new_feature, edge_index, edge_type,
              W_des, b_des, W_tw, b_tw, W_np, b_np, W_cp, b_cp, W_nf, b_nf,
              W_in, b_in, Wg1, bg1, Wg2, bg2, W_o1, b_o1, W_o2, b_o2):
    d = leaky(des @ W_des + b_des)
    t = leaky(tweet @ W_tw + b_tw)
    n = leaky(num_prop @ W_np + b_np)
    c = leaky(cat_prop @ W_cp + b_cp)
    nf = leaky(new_feature @ W_nf + b_nf)
    x = jnp.concatenate([d, t, n, c, nf], axis=1)
    x = leaky(x @ W_in + b_in)
    src, dst = edge_index[0], edge_index[1]
    x = gcn_conv(x, src, dst, Wg1, bg1)
    # dropout is identity in eval mode
    x = gcn_conv(x, src, dst, Wg2, bg2)
    x = leaky(x @ W_o1 + b_o1)
    x = x @ W_o2 + b_o2
    return x

if __name__ == "__main__":
    import jax
    _d = setup_inputs()
    print(jax.jit(kernel)(*tuple(_d.values())))

</pallas_src>

<mosaic_0001>
#map = affine_map<(d0, d1) -> (0, 0)>
#map1 = affine_map<(d0, d1) -> (0, 0, 0)>
#map2 = affine_map<(d0, d1) -> (0)>
module attributes {stable_mosaic.version = 14 : i64} {
  func.func @_conv_body(%arg0: i32, %arg1: i32, %arg2: memref<10000x128xf32, #tpu.memory_space<hbm>>, %arg3: memref<2528x1x128xi32, #tpu.memory_space<hbm>>, %arg4: memref<323584xi32, #tpu.memory_space<hbm>>, %arg5: memref<2x10000x128xf32, #tpu.memory_space<hbm>>, %arg6: memref<79x1x128xi32, #tpu.memory_space<vmem>>, %arg7: memref<128x128xf32, #tpu.memory_space<vmem>>, %arg8: memref<128x128xf32, #tpu.memory_space<vmem>>, %arg9: memref<128xi32, #tpu.memory_space<vmem>>, %arg10: memref<128xi32, #tpu.memory_space<vmem>>, %arg11: memref<!tpu.dma_semaphore, #tpu.memory_space<semaphore_mem>>, %arg12: memref<!tpu.dma_semaphore, #tpu.memory_space<semaphore_mem>>, %arg13: memref<!tpu.dma_semaphore, #tpu.memory_space<semaphore_mem>>, %arg14: memref<!tpu.dma_semaphore, #tpu.memory_space<semaphore_mem>>, %arg15: memref<!tpu.dma_semaphore, #tpu.memory_space<semaphore_mem>>, %arg16: memref<!tpu.dma_semaphore, #tpu.memory_space<semaphore_mem>>, %arg17: memref<10008x128xf32, #tpu.memory_space<vmem_shared>>) attributes {dimension_semantics = [#tpu.dimension_semantics<core_parallel>, #tpu.dimension_semantics<subcore_parallel>], iteration_bounds = array<i64: 2, 16>, scalar_prefetch = 0 : i64, scratch_operands = 12 : i64, tpu.core_type = #tpu.core_type<sc_vector_subcore>, window_params = [{transform_indices = #map}, {transform_indices = #map1}, {transform_indices = #map2}, {transform_indices = #map1}]} {
    %mul3A = arith.constant 2 : i32
    %mul3A_0 = arith.muli %arg1, %mul3A : i32
    %add3A = arith.addi %mul3A_0, %arg0 : i32
    %mul3A_1 = arith.constant 10112 : i32
    %mul3A_2 = arith.muli %add3A, %mul3A_1 : i32
    %scan3A = arith.constant 0 : i32
    %scan3A_3 = arith.constant 0 : i32
    %scan3A_4 = arith.constant 8 : i32
    %scan3A_5 = arith.addi %scan3A_3, %scan3A_4 : i32
    %scan3A_6 = arith.constant 1 : i32
    %scan3A_7 = scf.for %scan3A_73 = %scan3A_3 to %scan3A_5 step %scan3A_6 iter_args(%scan3A_74 = %scan3A) -> (i32)  : i32 {
      %mul3A_75 = arith.constant 16 : i32
      %mul3A_76 = arith.muli %scan3A_73, %mul3A_75 : i32
      %add3A_77 = arith.addi %arg1, %mul3A_76 : i32
      %min3A = arith.constant 124 : i32
      %min3A_78 = arith.minsi %add3A_77, %min3A : i32
      %mul3A_79 = arith.constant 80 : i32
      %mul3A_80 = arith.muli %min3A_78, %mul3A_79 : i32
      %multiple_of3A_81 = tpu.assume_multiple %mul3A_80, 80 : i32
      "tpu.region"() ({
        %run_scoped3A = tpu.sem_alloc : memref<!tpu.dma_semaphore, #tpu.memory_space<semaphore_mem>>
        %dma_start3A_83 = arith.constant 0 : i32
        %dma_start3A_84 = arith.constant 0 : i32
        %dma_start3A_85 = tpu.memref_slice %arg7[%dma_start3A_83, %dma_start3A_84] : memref<128x128xf32, #tpu.memory_space<vmem>> -> memref<80x128xf32, #tpu.memory_space<vmem>>
        %dma_start3A_86 = arith.constant 0 : i32
        %dma_start3A_87 = tpu.memref_slice %arg2[%multiple_of3A_81, %dma_start3A_86] : memref<10000x128xf32, #tpu.memory_space<hbm>> -> memref<80x128xf32, #tpu.memory_space<hbm>>
        %dma_start3A_88 = arith.constant 0 : i32
        %dma_start3A_89 = arith.constant 0 : i32
        %dma_start3A_90 = tpu.memref_slice %arg7[%dma_start3A_88, %dma_start3A_89] : memref<128x128xf32, #tpu.memory_space<vmem>> -> memref<80x128xf32, #tpu.memory_space<vmem>>
        %dma_start3A_91 = arith.constant 0 : i32
        %dma_start3A_92 = tpu.memref_slice %arg2[%multiple_of3A_81, %dma_start3A_91] : memref<10000x128xf32, #tpu.memory_space<hbm>> -> memref<80x128xf32, #tpu.memory_space<hbm>>
        tpu.enqueue_dma source(%dma_start3A_92 : memref<80x128xf32, #tpu.memory_space<hbm>>) target(%dma_start3A_90 : memref<80x128xf32, #tpu.memory_space<vmem>>) target_semaphore(%run_scoped3A : memref<!tpu.dma_semaphore, #tpu.memory_space<semaphore_mem>>)
        %dma_wait3A_93 = arith.constant 0 : i32
        %dma_wait3A_94 = arith.constant 0 : i32
        %dma_wait3A_95 = tpu.memref_slice %arg7[%dma_wait3A_93, %dma_wait3A_94] : memref<128x128xf32, #tpu.memory_space<vmem>> -> memref<80x128xf32, #tpu.memory_space<vmem>>
        %dma_wait3A_96 = arith.constant 0 : i32
        %dma_wait3A_97 = tpu.memref_slice %arg2[%multiple_of3A_81, %dma_wait3A_96] : memref<10000x128xf32, #tpu.memory_space<hbm>> -> memref<80x128xf32, #tpu.memory_space<hbm>>
        %dma_wait3A_98 = arith.constant 0 : i32
        %dma_wait3A_99 = arith.constant 0 : i32
        %dma_wait3A_100 = tpu.memref_slice %arg7[%dma_wait3A_98, %dma_wait3A_99] : memref<128x128xf32, #tpu.memory_space<vmem>> -> memref<80x128xf32, #tpu.memory_space<vmem>>
        %dma_wait3A_101 = arith.constant 0 : i32
        %dma_wait3A_102 = tpu.memref_slice %arg2[%multiple_of3A_81, %dma_wait3A_101] : memref<10000x128xf32, #tpu.memory_space<hbm>> -> memref<80x128xf32, #tpu.memory_space<hbm>>
        tpu.wait_dma2 semaphore(%run_scoped3A : memref<!tpu.dma_semaphore, #tpu.memory_space<semaphore_mem>>) src(%dma_wait3A_102 : memref<80x128xf32, #tpu.memory_space<hbm>>) dst(%dma_wait3A_100 : memref<80x128xf32, #tpu.memory_space<vmem>>)
        tpu.yield
      }) : () -> ()
      "tpu.region"() ({
        %run_scoped3A = tpu.sem_alloc : memref<!tpu.dma_semaphore, #tpu.memory_space<semaphore_mem>>
        %dma_start3A_83 = arith.constant 0 : i32
        %dma_start3A_84 = arith.constant 0 : i32
        %dma_start3A_85 = tpu.memref_slice %arg7[%dma_start3A_83, %dma_start3A_84] : memref<128x128xf32, #tpu.memory_space<vmem>> -> memref<80x128xf32, #tpu.memory_space<vmem>>
        %dma_start3A_86 = arith.constant 0 : i32
        %dma_start3A_87 = tpu.memref_slice %arg17[%multiple_of3A_81, %dma_start3A_86] : memref<10008x128xf32, #tpu.memory_space<vmem_shared>> -> memref<80x128xf32, #tpu.memory_space<vmem_shared>>
        %dma_start3A_88 = arith.constant 0 : i32
        %dma_start3A_89 = tpu.memref_slice %arg17[%multiple_of3A_81, %dma_start3A_88] : memref<10008x128xf32, #tpu.memory_space<vmem_shared>> -> memref<80x128xf32, #tpu.memory_space<vmem_shared>>
        %dma_start3A_90 = arith.constant 0 : i32
        %dma_start3A_91 = arith.constant 0 : i32
        %dma_start3A_92 = tpu.memref_slice %arg7[%dma_start3A_90, %dma_start3A_91] : memref<128x128xf32, #tpu.memory_space<vmem>> -> memref<80x128xf32, #tpu.memory_space<vmem>>
        tpu.enqueue_dma source(%dma_start3A_92 : memref<80x128xf32, #tpu.memory_space<vmem>>) target(%dma_start3A_89 : memref<80x128xf32, #tpu.memory_space<vmem_shared>>) target_semaphore(%run_scoped3A : memref<!tpu.dma_semaphore, #tpu.memory_space<semaphore_mem>>)
        %dma_wait3A_93 = arith.constant 0 : i32
        %dma_wait3A_94 = arith.constant 0 : i32
        %dma_wait3A_95 = tpu.memref_slice %arg7[%dma_wait3A_93, %dma_wait3A_94] : memref<128x128xf32, #tpu.memory_space<vmem>> -> memref<80x128xf32, #tpu.memory_space<vmem>>
        %dma_wait3A_96 = arith.constant 0 : i32
        %dma_wait3A_97 = tpu.memref_slice %arg17[%multiple_of3A_81, %dma_wait3A_96] : memref<10008x128xf32, #tpu.memory_space<vmem_shared>> -> memref<80x128xf32, #tpu.memory_space<vmem_shared>>
        %dma_wait3A_98 = arith.constant 0 : i32
        %dma_wait3A_99 = tpu.memref_slice %arg17[%multiple_of3A_81, %dma_wait3A_98] : memref<10008x128xf32, #tpu.memory_space<vmem_shared>> -> memref<80x128xf32, #tpu.memory_space<vmem_shared>>
        %dma_wait3A_100 = arith.constant 0 : i32
        %dma_wait3A_101 = arith.constant 0 : i32
        %dma_wait3A_102 = tpu.memref_slice %arg7[%dma_wait3A_100, %dma_wait3A_101] : memref<128x128xf32, #tpu.memory_space<vmem>> -> memref<80x128xf32, #tpu.memory_space<vmem>>
        tpu.wait_dma2 semaphore(%run_scoped3A : memref<!tpu.dma_semaphore, #tpu.memory_space<semaphore_mem>>) src(%dma_wait3A_102 : memref<80x128xf32, #tpu.memory_space<vmem>>) dst(%dma_wait3A_99 : memref<80x128xf32, #tpu.memory_space<vmem_shared>>)
        tpu.yield
      }) : () -> ()
      %scan3A_82 = arith.constant 0 : i32
      scf.yield %scan3A_82 : i32
    }
    %scan3A_8 = arith.constant 8 : i32
    %mul3A_9 = arith.constant 79 : i32
    %mul3A_10 = arith.muli %add3A, %mul3A_9 : i32
    "tpu.region"() ({
      %run_scoped3A = tpu.sem_alloc : memref<!tpu.dma_semaphore, #tpu.memory_space<semaphore_mem>>
      %dma_start3A_73 = arith.constant 0 : i32
      %dma_start3A_74 = arith.constant 0 : i32
      %dma_start3A_75 = tpu.memref_slice %arg3[%mul3A_10, %dma_start3A_73, %dma_start3A_74] : memref<2528x1x128xi32, #tpu.memory_space<hbm>> -> memref<79x1x128xi32, #tpu.memory_space<hbm>>
      %dma_start3A_76 = arith.constant 0 : i32
      %dma_start3A_77 = arith.constant 0 : i32
      %dma_start3A_78 = tpu.memref_slice %arg3[%mul3A_10, %dma_start3A_76, %dma_start3A_77] : memref<2528x1x128xi32, #tpu.memory_space<hbm>> -> memref<79x1x128xi32, #tpu.memory_space<hbm>>
      tpu.enqueue_dma source(%dma_start3A_78 : memref<79x1x128xi32, #tpu.memory_space<hbm>>) target(%arg6 : memref<79x1x128xi32, #tpu.memory_space<vmem>>) target_semaphore(%run_scoped3A : memref<!tpu.dma_semaphore, #tpu.memory_space<semaphore_mem>>)
      %dma_wait3A_79 = arith.constant 0 : i32
      %dma_wait3A_80 = arith.constant 0 : i32
      %dma_wait3A_81 = tpu.memref_slice %arg3[%mul3A_10, %dma_wait3A_79, %dma_wait3A_80] : memref<2528x1x128xi32, #tpu.memory_space<hbm>> -> memref<79x1x128xi32, #tpu.memory_space<hbm>>
      %dma_wait3A_82 = arith.constant 0 : i32
      %dma_wait3A_83 = arith.constant 0 : i32
      %dma_wait3A_84 = tpu.memref_slice %arg3[%mul3A_10, %dma_wait3A_82, %dma_wait3A_83] : memref<2528x1x128xi32, #tpu.memory_space<hbm>> -> memref<79x1x128xi32, #tpu.memory_space<hbm>>
      tpu.wait_dma2 semaphore(%run_scoped3A : memref<!tpu.dma_semaphore, #tpu.memory_space<semaphore_mem>>) src(%dma_wait3A_84 : memref<79x1x128xi32, #tpu.memory_space<hbm>>) dst(%arg6 : memref<79x1x128xi32, #tpu.memory_space<vmem>>)
      tpu.yield
    }) : () -> ()
    %barrier3A = arith.constant 0 : index
    tpu.barrier barrier_id(%barrier3A)
    %add3A_11 = arith.constant 0 : i32
    %add3A_12 = arith.addi %mul3A_2, %add3A_11 : i32
    %multiple_of3A = tpu.assume_multiple %add3A_12, 128 : i32
    %dma_start3A = tpu.memref_slice %arg4[%multiple_of3A] : memref<323584xi32, #tpu.memory_space<hbm>> -> memref<128xi32, #tpu.memory_space<hbm>>
    %dma_start3A_13 = tpu.memref_slice %arg4[%multiple_of3A] : memref<323584xi32, #tpu.memory_space<hbm>> -> memref<128xi32, #tpu.memory_space<hbm>>
    tpu.enqueue_dma source(%dma_start3A_13 : memref<128xi32, #tpu.memory_space<hbm>>) target(%arg9 : memref<128xi32, #tpu.memory_space<vmem>>) target_semaphore(%arg13 : memref<!tpu.dma_semaphore, #tpu.memory_space<semaphore_mem>>)
    %dma_start3A_14 = arith.constant 0 : i32
    %dma_start3A_15 = arith.constant 0 : i32
    %dma_start3A_16 = arith.constant 0 : i32
    %dma_start3A_17 = tpu.memref_slice %arg6[%dma_start3A_14, %dma_start3A_15, %dma_start3A_16] : memref<79x1x128xi32, #tpu.memory_space<vmem>> -> memref<1x1x128xi32, #tpu.memory_space<vmem>>
    %dma_start3A_18 = tpu.memref_squeeze %dma_start3A_17 : memref<1x1x128xi32, #tpu.memory_space<vmem>> -> memref<128xi32, #tpu.memory_space<vmem>>
    %dma_start3A_19 = arith.constant 0 : i32
    %dma_start3A_20 = arith.constant 0 : i32
    %dma_start3A_21 = tpu.memref_slice %arg2[%dma_start3A_19, %dma_start3A_20] : memref<10000x128xf32, #tpu.memory_space<hbm>> -> memref<10000x128xf32, #tpu.memory_space<hbm>>
    tpu.enqueue_indirect_dma source(%dma_start3A_21 : memref<10000x128xf32, #tpu.memory_space<hbm>>) target(%arg7 : memref<128x128xf32, #tpu.memory_space<vmem>>) offsets(%dma_start3A_18 : memref<128xi32, #tpu.memory_space<vmem>>) semaphore(%arg11 : memref<!tpu.dma_semaphore, #tpu.memory_space<semaphore_mem>>)
    %add3A_22 = arith.constant 128 : i32
    %add3A_23 = arith.addi %mul3A_2, %add3A_22 : i32
    %multiple_of3A_24 = tpu.assume_multiple %add3A_23, 128 : i32
    %dma_start3A_25 = tpu.memref_slice %arg4[%multiple_of3A_24] : memref<323584xi32, #tpu.memory_space<hbm>> -> memref<128xi32, #tpu.memory_space<hbm>>
    %dma_start3A_26 = tpu.memref_slice %arg4[%multiple_of3A_24] : memref<323584xi32, #tpu.memory_space<hbm>> -> memref<128xi32, #tpu.memory_space<hbm>>
    tpu.enqueue_dma source(%dma_start3A_26 : memref<128xi32, #tpu.memory_space<hbm>>) target(%arg10 : memref<128xi32, #tpu.memory_space<vmem>>) target_semaphore(%arg14 : memref<!tpu.dma_semaphore, #tpu.memory_space<semaphore_mem>>)
    %dma_start3A_27 = arith.constant 1 : i32
    %dma_start3A_28 = arith.constant 0 : i32
    %dma_start3A_29 = arith.constant 0 : i32
    %dma_start3A_30 = tpu.memref_slice %arg6[%dma_start3A_27, %dma_start3A_28, %dma_start3A_29] : memref<79x1x128xi32, #tpu.memory_space<vmem>> -> memref<1x1x128xi32, #tpu.memory_space<vmem>>
    %dma_start3A_31 = tpu.memref_squeeze %dma_start3A_30 : memref<1x1x128xi32, #tpu.memory_space<vmem>> -> memref<128xi32, #tpu.memory_space<vmem>>
    %dma_start3A_32 = arith.constant 0 : i32
    %dma_start3A_33 = arith.constant 0 : i32
    %dma_start3A_34 = tpu.memref_slice %arg2[%dma_start3A_32, %dma_start3A_33] : memref<10000x128xf32, #tpu.memory_space<hbm>> -> memref<10000x128xf32, #tpu.memory_space<hbm>>
    tpu.enqueue_indirect_dma source(%dma_start3A_34 : memref<10000x128xf32, #tpu.memory_space<hbm>>) target(%arg8 : memref<128x128xf32, #tpu.memory_space<vmem>>) offsets(%dma_start3A_31 : memref<128xi32, #tpu.memory_space<vmem>>) semaphore(%arg12 : memref<!tpu.dma_semaphore, #tpu.memory_space<semaphore_mem>>)
    %scan3A_35 = arith.constant 0 : i32
    %scan3A_36 = arith.constant 0 : i32
    %scan3A_37 = arith.constant 39 : i32
    %scan3A_38 = arith.addi %scan3A_36, %scan3A_37 : i32
    %scan3A_39 = arith.constant 1 : i32
    %scan3A_40 = scf.for %scan3A_73 = %scan3A_36 to %scan3A_38 step %scan3A_39 iter_args(%scan3A_74 = %scan3A_35) -> (i32)  : i32 {
      %mul3A_75 = arith.constant 2 : i32
      %mul3A_76 = arith.muli %scan3A_73, %mul3A_75 : i32
      %add3A_77 = arith.constant 0 : i32
      %add3A_78 = arith.addi %mul3A_76, %add3A_77 : i32
      %dma_wait3A_79 = arith.constant 0 : i32
      %dma_wait3A_80 = arith.constant 0 : i32
      %dma_wait3A_81 = tpu.memref_slice %arg6[%add3A_78, %dma_wait3A_79, %dma_wait3A_80] : memref<79x1x128xi32, #tpu.memory_space<vmem>> -> memref<1x1x128xi32, #tpu.memory_space<vmem>>
      %dma_wait3A_82 = tpu.memref_squeeze %dma_wait3A_81 : memref<1x1x128xi32, #tpu.memory_space<vmem>> -> memref<128xi32, #tpu.memory_space<vmem>>
      %dma_wait3A_83 = arith.constant 0 : i32
      %dma_wait3A_84 = arith.constant 0 : i32
      %dma_wait3A_85 = tpu.memref_slice %arg2[%dma_wait3A_83, %dma_wait3A_84] : memref<10000x128xf32, #tpu.memory_space<hbm>> -> memref<10000x128xf32, #tpu.memory_space<hbm>>
      tpu.wait_indirect_dma semaphore(%arg11 : memref<!tpu.dma_semaphore, #tpu.memory_space<semaphore_mem>>) src(%dma_wait3A_85 : memref<10000x128xf32, #tpu.memory_space<hbm>>) dst(%arg7 : memref<128x128xf32, #tpu.memory_space<vmem>>)
      %dma_wait3A_86 = arith.constant 128 : i32
      %dma_wait3A_87 = tpu.memref_slice %arg4[%dma_wait3A_86] : memref<323584xi32, #tpu.memory_space<hbm>> -> memref<128xi32, #tpu.memory_space<hbm>>
      %dma_wait3A_88 = arith.constant 128 : i32
      %dma_wait3A_89 = tpu.memref_slice %arg4[%dma_wait3A_88] : memref<323584xi32, #tpu.memory_space<hbm>> -> memref<128xi32, #tpu.memory_space<hbm>>
      tpu.wait_dma2 semaphore(%arg13 : memref<!tpu.dma_semaphore, #tpu.memory_space<semaphore_mem>>) src(%dma_wait3A_89 : memref<128xi32, #tpu.memory_space<hbm>>) dst(%arg9 : memref<128xi32, #tpu.memory_space<vmem>>)
      %dma_start3A_90 = arith.constant 0 : i32
      %dma_start3A_91 = arith.constant 0 : i32
      %dma_start3A_92 = tpu.memref_slice %arg17[%dma_start3A_90, %dma_start3A_91] : memref<10008x128xf32, #tpu.memory_space<vmem_shared>> -> memref<10008x128xf32, #tpu.memory_space<vmem_shared>>
      tpu.enqueue_indirect_dma source(%arg7 : memref<128x128xf32, #tpu.memory_space<vmem>>) target(%dma_start3A_92 : memref<10008x128xf32, #tpu.memory_space<vmem_shared>>) offsets(%arg9 : memref<128xi32, #tpu.memory_space<vmem>>) semaphore(%arg15 : memref<!tpu.dma_semaphore, #tpu.memory_space<semaphore_mem>>) {add = true}
      %dma_wait3A_93 = arith.constant 0 : i32
      %dma_wait3A_94 = arith.constant 0 : i32
      %dma_wait3A_95 = tpu.memref_slice %arg17[%dma_wait3A_93, %dma_wait3A_94] : memref<10008x128xf32, #tpu.memory_space<vmem_shared>> -> memref<10008x128xf32, #tpu.memory_space<vmem_shared>>
      tpu.wait_indirect_dma semaphore(%arg15 : memref<!tpu.dma_semaphore, #tpu.memory_space<semaphore_mem>>) src(%arg7 : memref<128x128xf32, #tpu.memory_space<vmem>>) dst(%dma_wait3A_95 : memref<10008x128xf32, #tpu.memory_space<vmem_shared>>)
      %add3A_96 = arith.constant 2 : i32
      %add3A_97 = arith.addi %add3A_78, %add3A_96 : i32
      %min3A = arith.constant 78 : i32
      %min3A_98 = arith.minsi %add3A_97, %min3A : i32
      %mul3A_99 = arith.constant 128 : i32
      %mul3A_100 = arith.muli %min3A_98, %mul3A_99 : i32
      %add3A_101 = arith.addi %mul3A_2, %mul3A_100 : i32
      %multiple_of3A_102 = tpu.assume_multiple %add3A_101, 128 : i32
      %dma_start3A_103 = tpu.memref_slice %arg4[%multiple_of3A_102] : memref<323584xi32, #tpu.memory_space<hbm>> -> memref<128xi32, #tpu.memory_space<hbm>>
      %dma_start3A_104 = tpu.memref_slice %arg4[%multiple_of3A_102] : memref<323584xi32, #tpu.memory_space<hbm>> -> memref<128xi32, #tpu.memory_space<hbm>>
      tpu.enqueue_dma source(%dma_start3A_104 : memref<128xi32, #tpu.memory_space<hbm>>) target(%arg9 : memref<128xi32, #tpu.memory_space<vmem>>) target_semaphore(%arg13 : memref<!tpu.dma_semaphore, #tpu.memory_space<semaphore_mem>>)
      %dma_start3A_105 = arith.constant 0 : i32
      %dma_start3A_106 = arith.constant 0 : i32
      %dma_start3A_107 = tpu.memref_slice %arg6[%min3A_98, %dma_start3A_105, %dma_start3A_106] : memref<79x1x128xi32, #tpu.memory_space<vmem>> -> memref<1x1x128xi32, #tpu.memory_space<vmem>>
      %dma_start3A_108 = tpu.memref_squeeze %dma_start3A_107 : memref<1x1x128xi32, #tpu.memory_space<vmem>> -> memref<128xi32, #tpu.memory_space<vmem>>
      %dma_start3A_109 = arith.constant 0 : i32
      %dma_start3A_110 = arith.constant 0 : i32
      %dma_start3A_111 = tpu.memref_slice %arg2[%dma_start3A_109, %dma_start3A_110] : memref<10000x128xf32, #tpu.memory_space<hbm>> -> memref<10000x128xf32, #tpu.memory_space<hbm>>
      tpu.enqueue_indirect_dma source(%dma_start3A_111 : memref<10000x128xf32, #tpu.memory_space<hbm>>) target(%arg7 : memref<128x128xf32, #tpu.memory_space<vmem>>) offsets(%dma_start3A_108 : memref<128xi32, #tpu.memory_space<vmem>>) semaphore(%arg11 : memref<!tpu.dma_semaphore, #tpu.memory_space<semaphore_mem>>)
      %mul3A_112 = arith.constant 2 : i32
      %mul3A_113 = arith.muli %scan3A_73, %mul3A_112 : i32
      %add3A_114 = arith.constant 1 : i32
      %add3A_115 = arith.addi %mul3A_113, %add3A_114 : i32
      %dma_wait3A_116 = arith.constant 0 : i32
      %dma_wait3A_117 = arith.constant 0 : i32
      %dma_wait3A_118 = tpu.memref_slice %arg6[%add3A_115, %dma_wait3A_116, %dma_wait3A_117] : memref<79x1x128xi32, #tpu.memory_space<vmem>> -> memref<1x1x128xi32, #tpu.memory_space<vmem>>
      %dma_wait3A_119 = tpu.memref_squeeze %dma_wait3A_118 : memref<1x1x128xi32, #tpu.memory_space<vmem>> -> memref<128xi32, #tpu.memory_space<vmem>>
      %dma_wait3A_120 = arith.constant 0 : i32
      %dma_wait3A_121 = arith.constant 0 : i32
      %dma_wait3A_122 = tpu.memref_slice %arg2[%dma_wait3A_120, %dma_wait3A_121] : memref<10000x128xf32, #tpu.memory_space<hbm>> -> memref<10000x128xf32, #tpu.memory_space<hbm>>
      tpu.wait_indirect_dma semaphore(%arg12 : memref<!tpu.dma_semaphore, #tpu.memory_space<semaphore_mem>>) src(%dma_wait3A_122 : memref<10000x128xf32, #tpu.memory_space<hbm>>) dst(%arg8 : memref<128x128xf32, #tpu.memory_space<vmem>>)
      %dma_wait3A_123 = arith.constant 128 : i32
      %dma_wait3A_124 = tpu.memref_slice %arg4[%dma_wait3A_123] : memref<323584xi32, #tpu.memory_space<hbm>> -> memref<128xi32, #tpu.memory_space<hbm>>
      %dma_wait3A_125 = arith.constant 128 : i32
      %dma_wait3A_126 = tpu.memref_slice %arg4[%dma_wait3A_125] : memref<323584xi32, #tpu.memory_space<hbm>> -> memref<128xi32, #tpu.memory_space<hbm>>
      tpu.wait_dma2 semaphore(%arg14 : memref<!tpu.dma_semaphore, #tpu.memory_space<semaphore_mem>>) src(%dma_wait3A_126 : memref<128xi32, #tpu.memory_space<hbm>>) dst(%arg10 : memref<128xi32, #tpu.memory_space<vmem>>)
      %dma_start3A_127 = arith.constant 0 : i32
      %dma_start3A_128 = arith.constant 0 : i32
      %dma_start3A_129 = tpu.memref_slice %arg17[%dma_start3A_127, %dma_start3A_128] : memref<10008x128xf32, #tpu.memory_space<vmem_shared>> -> memref<10008x128xf32, #tpu.memory_space<vmem_shared>>
      tpu.enqueue_indirect_dma source(%arg8 : memref<128x128xf32, #tpu.memory_space<vmem>>) target(%dma_start3A_129 : memref<10008x128xf32, #tpu.memory_space<vmem_shared>>) offsets(%arg10 : memref<128xi32, #tpu.memory_space<vmem>>) semaphore(%arg16 : memref<!tpu.dma_semaphore, #tpu.memory_space<semaphore_mem>>) {add = true}
      %dma_wait3A_130 = arith.constant 0 : i32
      %dma_wait3A_131 = arith.constant 0 : i32
      %dma_wait3A_132 = tpu.memref_slice %arg17[%dma_wait3A_130, %dma_wait3A_131] : memref<10008x128xf32, #tpu.memory_space<vmem_shared>> -> memref<10008x128xf32, #tpu.memory_space<vmem_shared>>
      tpu.wait_indirect_dma semaphore(%arg16 : memref<!tpu.dma_semaphore, #tpu.memory_space<semaphore_mem>>) src(%arg8 : memref<128x128xf32, #tpu.memory_space<vmem>>) dst(%dma_wait3A_132 : memref<10008x128xf32, #tpu.memory_space<vmem_shared>>)
      %add3A_133 = arith.constant 2 : i32
      %add3A_134 = arith.addi %add3A_115, %add3A_133 : i32
      %min3A_135 = arith.constant 78 : i32
      %min3A_136 = arith.minsi %add3A_134, %min3A_135 : i32
      %mul3A_137 = arith.constant 128 : i32
      %mul3A_138 = arith.muli %min3A_136, %mul3A_137 : i32
      %add3A_139 = arith.addi %mul3A_2, %mul3A_138 : i32
      %multiple_of3A_140 = tpu.assume_multiple %add3A_139, 128 : i32
      %dma_start3A_141 = tpu.memref_slice %arg4[%multiple_of3A_140] : memref<323584xi32, #tpu.memory_space<hbm>> -> memref<128xi32, #tpu.memory_space<hbm>>
      %dma_start3A_142 = tpu.memref_slice %arg4[%multiple_of3A_140] : memref<323584xi32, #tpu.memory_space<hbm>> -> memref<128xi32, #tpu.memory_space<hbm>>
      tpu.enqueue_dma source(%dma_start3A_142 : memref<128xi32, #tpu.memory_space<hbm>>) target(%arg10 : memref<128xi32, #tpu.memory_space<vmem>>) target_semaphore(%arg14 : memref<!tpu.dma_semaphore, #tpu.memory_space<semaphore_mem>>)
      %dma_start3A_143 = arith.constant 0 : i32
      %dma_start3A_144 = arith.constant 0 : i32
      %dma_start3A_145 = tpu.memref_slice %arg6[%min3A_136, %dma_start3A_143, %dma_start3A_144] : memref<79x1x128xi32, #tpu.memory_space<vmem>> -> memref<1x1x128xi32, #tpu.memory_space<vmem>>
      %dma_start3A_146 = tpu.memref_squeeze %dma_start3A_145 : memref<1x1x128xi32, #tpu.memory_space<vmem>> -> memref<128xi32, #tpu.memory_space<vmem>>
      %dma_start3A_147 = arith.constant 0 : i32
      %dma_start3A_148 = arith.constant 0 : i32
      %dma_start3A_149 = tpu.memref_slice %arg2[%dma_start3A_147, %dma_start3A_148] : memref<10000x128xf32, #tpu.memory_space<hbm>> -> memref<10000x128xf32, #tpu.memory_space<hbm>>
      tpu.enqueue_indirect_dma source(%dma_start3A_149 : memref<10000x128xf32, #tpu.memory_space<hbm>>) target(%arg8 : memref<128x128xf32, #tpu.memory_space<vmem>>) offsets(%dma_start3A_146 : memref<128xi32, #tpu.memory_space<vmem>>) semaphore(%arg12 : memref<!tpu.dma_semaphore, #tpu.memory_space<semaphore_mem>>)
      %scan3A_150 = arith.constant 0 : i32
      scf.yield %scan3A_150 : i32
    }
    %scan3A_41 = arith.constant 39 : i32
    %dma_wait3A = arith.constant 78 : i32
    %dma_wait3A_42 = arith.constant 0 : i32
    %dma_wait3A_43 = arith.constant 0 : i32
    %dma_wait3A_44 = tpu.memref_slice %arg6[%dma_wait3A, %dma_wait3A_42, %dma_wait3A_43] : memref<79x1x128xi32, #tpu.memory_space<vmem>> -> memref<1x1x128xi32, #tpu.memory_space<vmem>>
    %dma_wait3A_45 = tpu.memref_squeeze %dma_wait3A_44 : memref<1x1x128xi32, #tpu.memory_space<vmem>> -> memref<128xi32, #tpu.memory_space<vmem>>
    %dma_wait3A_46 = arith.constant 0 : i32
    %dma_wait3A_47 = arith.constant 0 : i32
    %dma_wait3A_48 = tpu.memref_slice %arg2[%dma_wait3A_46, %dma_wait3A_47] : memref<10000x128xf32, #tpu.memory_space<hbm>> -> memref<10000x128xf32, #tpu.memory_space<hbm>>
    tpu.wait_indirect_dma semaphore(%arg11 : memref<!tpu.dma_semaphore, #tpu.memory_space<semaphore_mem>>) src(%dma_wait3A_48 : memref<10000x128xf32, #tpu.memory_space<hbm>>) dst(%arg7 : memref<128x128xf32, #tpu.memory_space<vmem>>)
    %dma_wait3A_49 = arith.constant 128 : i32
    %dma_wait3A_50 = tpu.memref_slice %arg4[%dma_wait3A_49] : memref<323584xi32, #tpu.memory_space<hbm>> -> memref<128xi32, #tpu.memory_space<hbm>>
    %dma_wait3A_51 = arith.constant 128 : i32
    %dma_wait3A_52 = tpu.memref_slice %arg4[%dma_wait3A_51] : memref<323584xi32, #tpu.memory_space<hbm>> -> memref<128xi32, #tpu.memory_space<hbm>>
    tpu.wait_dma2 semaphore(%arg13 : memref<!tpu.dma_semaphore, #tpu.memory_space<semaphore_mem>>) src(%dma_wait3A_52 : memref<128xi32, #tpu.memory_space<hbm>>) dst(%arg9 : memref<128xi32, #tpu.memory_space<vmem>>)
    "tpu.region"() ({
      %run_scoped3A = tpu.sem_alloc : memref<!tpu.dma_semaphore, #tpu.memory_space<semaphore_mem>>
      %dma_start3A_73 = arith.constant 0 : i32
      %dma_start3A_74 = arith.constant 0 : i32
      %dma_start3A_75 = tpu.memref_slice %arg17[%dma_start3A_73, %dma_start3A_74] : memref<10008x128xf32, #tpu.memory_space<vmem_shared>> -> memref<10008x128xf32, #tpu.memory_space<vmem_shared>>
      tpu.enqueue_indirect_dma source(%arg7 : memref<128x128xf32, #tpu.memory_space<vmem>>) target(%dma_start3A_75 : memref<10008x128xf32, #tpu.memory_space<vmem_shared>>) offsets(%arg9 : memref<128xi32, #tpu.memory_space<vmem>>) semaphore(%run_scoped3A : memref<!tpu.dma_semaphore, #tpu.memory_space<semaphore_mem>>) {add = true}
      %dma_wait3A_76 = arith.constant 0 : i32
      %dma_wait3A_77 = arith.constant 0 : i32
      %dma_wait3A_78 = tpu.memref_slice %arg17[%dma_wait3A_76, %dma_wait3A_77] : memref<10008x128xf32, #tpu.memory_space<vmem_shared>> -> memref<10008x128xf32, #tpu.memory_space<vmem_shared>>
      tpu.wait_indirect_dma semaphore(%run_scoped3A : memref<!tpu.dma_semaphore, #tpu.memory_space<semaphore_mem>>) src(%arg7 : memref<128x128xf32, #tpu.memory_space<vmem>>) dst(%dma_wait3A_78 : memref<10008x128xf32, #tpu.memory_space<vmem_shared>>)
      tpu.yield
    }) : () -> ()
    %dma_wait3A_53 = arith.constant 78 : i32
    %dma_wait3A_54 = arith.constant 0 : i32
    %dma_wait3A_55 = arith.constant 0 : i32
    %dma_wait3A_56 = tpu.memref_slice %arg6[%dma_wait3A_53, %dma_wait3A_54, %dma_wait3A_55] : memref<79x1x128xi32, #tpu.memory_space<vmem>> -> memref<1x1x128xi32, #tpu.memory_space<vmem>>
    %dma_wait3A_57 = tpu.memref_squeeze %dma_wait3A_56 : memref<1x1x128xi32, #tpu.memory_space<vmem>> -> memref<128xi32, #tpu.memory_space<vmem>>
    %dma_wait3A_58 = arith.constant 0 : i32
    %dma_wait3A_59 = arith.constant 0 : i32
    %dma_wait3A_60 = tpu.memref_slice %arg2[%dma_wait3A_58, %dma_wait3A_59] : memref<10000x128xf32, #tpu.memory_space<hbm>> -> memref<10000x128xf32, #tpu.memory_space<hbm>>
    tpu.wait_indirect_dma semaphore(%arg12 : memref<!tpu.dma_semaphore, #tpu.memory_space<semaphore_mem>>) src(%dma_wait3A_60 : memref<10000x128xf32, #tpu.memory_space<hbm>>) dst(%arg8 : memref<128x128xf32, #tpu.memory_space<vmem>>)
    %dma_wait3A_61 = arith.constant 128 : i32
    %dma_wait3A_62 = tpu.memref_slice %arg4[%dma_wait3A_61] : memref<323584xi32, #tpu.memory_space<hbm>> -> memref<128xi32, #tpu.memory_space<hbm>>
    %dma_wait3A_63 = arith.constant 128 : i32
    %dma_wait3A_64 = tpu.memref_slice %arg4[%dma_wait3A_63] : memref<323584xi32, #tpu.memory_space<hbm>> -> memref<128xi32, #tpu.memory_space<hbm>>
    tpu.wait_dma2 semaphore(%arg14 : memref<!tpu.dma_semaphore, #tpu.memory_space<semaphore_mem>>) src(%dma_wait3A_64 : memref<128xi32, #tpu.memory_space<hbm>>) dst(%arg10 : memref<128xi32, #tpu.memory_space<vmem>>)
    %barrier3A_65 = arith.constant 0 : index
    tpu.barrier barrier_id(%barrier3A_65)
    %scan3A_66 = arith.constant 0 : i32
    %scan3A_67 = arith.constant 0 : i32
    %scan3A_68 = arith.constant 8 : i32
    %scan3A_69 = arith.addi %scan3A_67, %scan3A_68 : i32
    %scan3A_70 = arith.constant 1 : i32
    %scan3A_71 = scf.for %scan3A_73 = %scan3A_67 to %scan3A_69 step %scan3A_70 iter_args(%scan3A_74 = %scan3A_66) -> (i32)  : i32 {
      %mul3A_75 = arith.constant 16 : i32
      %mul3A_76 = arith.muli %scan3A_73, %mul3A_75 : i32
      %add3A_77 = arith.addi %arg1, %mul3A_76 : i32
      %min3A = arith.constant 124 : i32
      %min3A_78 = arith.minsi %add3A_77, %min3A : i32
      %mul3A_79 = arith.constant 80 : i32
      %mul3A_80 = arith.muli %min3A_78, %mul3A_79 : i32
      %multiple_of3A_81 = tpu.assume_multiple %mul3A_80, 80 : i32
      "tpu.region"() ({
        %run_scoped3A = tpu.sem_alloc : memref<!tpu.dma_semaphore, #tpu.memory_space<semaphore_mem>>
        %dma_start3A_83 = arith.constant 0 : i32
        %dma_start3A_84 = arith.constant 0 : i32
        %dma_start3A_85 = tpu.memref_slice %arg7[%dma_start3A_83, %dma_start3A_84] : memref<128x128xf32, #tpu.memory_space<vmem>> -> memref<80x128xf32, #tpu.memory_space<vmem>>
        %dma_start3A_86 = arith.constant 0 : i32
        %dma_start3A_87 = tpu.memref_slice %arg17[%multiple_of3A_81, %dma_start3A_86] : memref<10008x128xf32, #tpu.memory_space<vmem_shared>> -> memref<80x128xf32, #tpu.memory_space<vmem_shared>>
        %dma_start3A_88 = arith.constant 0 : i32
        %dma_start3A_89 = arith.constant 0 : i32
        %dma_start3A_90 = tpu.memref_slice %arg7[%dma_start3A_88, %dma_start3A_89] : memref<128x128xf32, #tpu.memory_space<vmem>> -> memref<80x128xf32, #tpu.memory_space<vmem>>
        %dma_start3A_91 = arith.constant 0 : i32
        %dma_start3A_92 = tpu.memref_slice %arg17[%multiple_of3A_81, %dma_start3A_91] : memref<10008x128xf32, #tpu.memory_space<vmem_shared>> -> memref<80x128xf32, #tpu.memory_space<vmem_shared>>
        tpu.enqueue_dma source(%dma_start3A_92 : memref<80x128xf32, #tpu.memory_space<vmem_shared>>) target(%dma_start3A_90 : memref<80x128xf32, #tpu.memory_space<vmem>>) target_semaphore(%run_scoped3A : memref<!tpu.dma_semaphore, #tpu.memory_space<semaphore_mem>>)
        %dma_wait3A_93 = arith.constant 0 : i32
        %dma_wait3A_94 = arith.constant 0 : i32
        %dma_wait3A_95 = tpu.memref_slice %arg7[%dma_wait3A_93, %dma_wait3A_94] : memref<128x128xf32, #tpu.memory_space<vmem>> -> memref<80x128xf32, #tpu.memory_space<vmem>>
        %dma_wait3A_96 = arith.constant 0 : i32
        %dma_wait3A_97 = tpu.memref_slice %arg17[%multiple_of3A_81, %dma_wait3A_96] : memref<10008x128xf32, #tpu.memory_space<vmem_shared>> -> memref<80x128xf32, #tpu.memory_space<vmem_shared>>
        %dma_wait3A_98 = arith.constant 0 : i32
        %dma_wait3A_99 = arith.constant 0 : i32
        %dma_wait3A_100 = tpu.memref_slice %arg7[%dma_wait3A_98, %dma_wait3A_99] : memref<128x128xf32, #tpu.memory_space<vmem>> -> memref<80x128xf32, #tpu.memory_space<vmem>>
        %dma_wait3A_101 = arith.constant 0 : i32
        %dma_wait3A_102 = tpu.memref_slice %arg17[%multiple_of3A_81, %dma_wait3A_101] : memref<10008x128xf32, #tpu.memory_space<vmem_shared>> -> memref<80x128xf32, #tpu.memory_space<vmem_shared>>
        tpu.wait_dma2 semaphore(%run_scoped3A : memref<!tpu.dma_semaphore, #tpu.memory_space<semaphore_mem>>) src(%dma_wait3A_102 : memref<80x128xf32, #tpu.memory_space<vmem_shared>>) dst(%dma_wait3A_100 : memref<80x128xf32, #tpu.memory_space<vmem>>)
        tpu.yield
      }) : () -> ()
      "tpu.region"() ({
        %run_scoped3A = tpu.sem_alloc : memref<!tpu.dma_semaphore, #tpu.memory_space<semaphore_mem>>
        %dma_start3A_83 = arith.constant 0 : i32
        %dma_start3A_84 = arith.constant 0 : i32
        %dma_start3A_85 = tpu.memref_slice %arg7[%dma_start3A_83, %dma_start3A_84] : memref<128x128xf32, #tpu.memory_space<vmem>> -> memref<80x128xf32, #tpu.memory_space<vmem>>
        %dma_start3A_86 = arith.constant 0 : i32
        %dma_start3A_87 = tpu.memref_slice %arg5[%arg0, %multiple_of3A_81, %dma_start3A_86] : memref<2x10000x128xf32, #tpu.memory_space<hbm>> -> memref<1x80x128xf32, #tpu.memory_space<hbm>>
        %dma_start3A_88 = tpu.memref_squeeze %dma_start3A_87 : memref<1x80x128xf32, #tpu.memory_space<hbm>> -> memref<80x128xf32, #tpu.memory_space<hbm>>
        %dma_start3A_89 = arith.constant 0 : i32
        %dma_start3A_90 = tpu.memref_slice %arg5[%arg0, %multiple_of3A_81, %dma_start3A_89] : memref<2x10000x128xf32, #tpu.memory_space<hbm>> -> memref<1x80x128xf32, #tpu.memory_space<hbm>>
        %dma_start3A_91 = tpu.memref_squeeze %dma_start3A_90 : memref<1x80x128xf32, #tpu.memory_space<hbm>> -> memref<80x128xf32, #tpu.memory_space<hbm>>
        %dma_start3A_92 = arith.constant 0 : i32
        %dma_start3A_93 = arith.constant 0 : i32
        %dma_start3A_94 = tpu.memref_slice %arg7[%dma_start3A_92, %dma_start3A_93] : memref<128x128xf32, #tpu.memory_space<vmem>> -> memref<80x128xf32, #tpu.memory_space<vmem>>
        tpu.enqueue_dma source(%dma_start3A_94 : memref<80x128xf32, #tpu.memory_space<vmem>>) target(%dma_start3A_91 : memref<80x128xf32, #tpu.memory_space<hbm>>) target_semaphore(%run_scoped3A : memref<!tpu.dma_semaphore, #tpu.memory_space<semaphore_mem>>)
        %dma_wait3A_95 = arith.constant 0 : i32
        %dma_wait3A_96 = arith.constant 0 : i32
        %dma_wait3A_97 = tpu.memref_slice %arg7[%dma_wait3A_95, %dma_wait3A_96] : memref<128x128xf32, #tpu.memory_space<vmem>> -> memref<80x128xf32, #tpu.memory_space<vmem>>
        %dma_wait3A_98 = arith.constant 0 : i32
        %dma_wait3A_99 = tpu.memref_slice %arg5[%arg0, %multiple_of3A_81, %dma_wait3A_98] : memref<2x10000x128xf32, #tpu.memory_space<hbm>> -> memref<1x80x128xf32, #tpu.memory_space<hbm>>
        %dma_wait3A_100 = tpu.memref_squeeze %dma_wait3A_99 : memref<1x80x128xf32, #tpu.memory_space<hbm>> -> memref<80x128xf32, #tpu.memory_space<hbm>>
        %dma_wait3A_101 = arith.constant 0 : i32
        %dma_wait3A_102 = tpu.memref_slice %arg5[%arg0, %multiple_of3A_81, %dma_wait3A_101] : memref<2x10000x128xf32, #tpu.memory_space<hbm>> -> memref<1x80x128xf32, #tpu.memory_space<hbm>>
        %dma_wait3A_103 = tpu.memref_squeeze %dma_wait3A_102 : memref<1x80x128xf32, #tpu.memory_space<hbm>> -> memref<80x128xf32, #tpu.memory_space<hbm>>
        %dma_wait3A_104 = arith.constant 0 : i32
        %dma_wait3A_105 = arith.constant 0 : i32
        %dma_wait3A_106 = tpu.memref_slice %arg7[%dma_wait3A_104, %dma_wait3A_105] : memref<128x128xf32, #tpu.memory_space<vmem>> -> memref<80x128xf32, #tpu.memory_space<vmem>>
        tpu.wait_dma2 semaphore(%run_scoped3A : memref<!tpu.dma_semaphore, #tpu.memory_space<semaphore_mem>>) src(%dma_wait3A_106 : memref<80x128xf32, #tpu.memory_space<vmem>>) dst(%dma_wait3A_103 : memref<80x128xf32, #tpu.memory_space<hbm>>)
        tpu.yield
      }) : () -> ()
      %scan3A_82 = arith.constant 0 : i32
      scf.yield %scan3A_82 : i32
    }
    %scan3A_72 = arith.constant 8 : i32
    return
  }
}

#map = affine_map<(d0, d1) -> (0)>
#map1 = affine_map<(d0, d1) -> (0, 0)>
#map2 = affine_map<(d0, d1) -> (0, 0, 0)>
module attributes {stable_mosaic.version = 14 : i64} {
  func.func @_deg_body(%arg0: i32, %arg1: i32, %arg2: memref<323584xi32, #tpu.memory_space<hbm>>, %arg3: memref<128x128xf32, #tpu.memory_space<hbm>>, %arg4: memref<80x128xf32, #tpu.memory_space<hbm>>, %arg5: memref<2x10000x128xf32, #tpu.memory_space<hbm>>, %arg6: memref<128x128xf32, #tpu.memory_space<vmem>>, %arg7: memref<80x128xf32, #tpu.memory_space<vmem>>, %arg8: memref<128xi32, #tpu.memory_space<vmem>>, %arg9: memref<128xi32, #tpu.memory_space<vmem>>, %arg10: memref<128xi32, #tpu.memory_space<vmem>>, %arg11: memref<128xi32, #tpu.memory_space<vmem>>, %arg12: memref<!tpu.dma_semaphore, #tpu.memory_space<semaphore_mem>>, %arg13: memref<!tpu.dma_semaphore, #tpu.memory_space<semaphore_mem>>, %arg14: memref<!tpu.dma_semaphore, #tpu.memory_space<semaphore_mem>>, %arg15: memref<!tpu.dma_semaphore, #tpu.memory_space<semaphore_mem>>, %arg16: memref<!tpu.dma_semaphore, #tpu.memory_space<semaphore_mem>>, %arg17: memref<!tpu.dma_semaphore, #tpu.memory_space<semaphore_mem>>, %arg18: memref<!tpu.dma_semaphore, #tpu.memory_space<semaphore_mem>>, %arg19: memref<!tpu.dma_semaphore, #tpu.memory_space<semaphore_mem>>, %arg20: memref<10008x128xf32, #tpu.memory_space<vmem_shared>>) attributes {dimension_semantics = [#tpu.dimension_semantics<core_parallel>, #tpu.dimension_semantics<subcore_parallel>], iteration_bounds = array<i64: 2, 16>, scalar_prefetch = 0 : i64, scratch_operands = 15 : i64, tpu.core_type = #tpu.core_type<sc_vector_subcore>, window_params = [{transform_indices = #map}, {transform_indices = #map1}, {transform_indices = #map1}, {transform_indices = #map2}]} {
    %mul3A = arith.constant 2 : i32
    %mul3A_0 = arith.muli %arg1, %mul3A : i32
    %add3A = arith.addi %mul3A_0, %arg0 : i32
    %mul3A_1 = arith.constant 10112 : i32
    %mul3A_2 = arith.muli %add3A, %mul3A_1 : i32
    "tpu.region"() ({
      %run_scoped3A = tpu.sem_alloc : memref<!tpu.dma_semaphore, #tpu.memory_space<semaphore_mem>>
      tpu.enqueue_dma source(%arg3 : memref<128x128xf32, #tpu.memory_space<hbm>>) target(%arg6 : memref<128x128xf32, #tpu.memory_space<vmem>>) target_semaphore(%run_scoped3A : memref<!tpu.dma_semaphore, #tpu.memory_space<semaphore_mem>>)
      tpu.wait_dma2 semaphore(%run_scoped3A : memref<!tpu.dma_semaphore, #tpu.memory_space<semaphore_mem>>) src(%arg3 : memref<128x128xf32, #tpu.memory_space<hbm>>) dst(%arg6 : memref<128x128xf32, #tpu.memory_space<vmem>>)
      tpu.yield
    }) : () -> ()
    "tpu.region"() ({
      %run_scoped3A = tpu.sem_alloc : memref<!tpu.dma_semaphore, #tpu.memory_space<semaphore_mem>>
      tpu.enqueue_dma source(%arg4 : memref<80x128xf32, #tpu.memory_space<hbm>>) target(%arg7 : memref<80x128xf32, #tpu.memory_space<vmem>>) target_semaphore(%run_scoped3A : memref<!tpu.dma_semaphore, #tpu.memory_space<semaphore_mem>>)
      tpu.wait_dma2 semaphore(%run_scoped3A : memref<!tpu.dma_semaphore, #tpu.memory_space<semaphore_mem>>) src(%arg4 : memref<80x128xf32, #tpu.memory_space<hbm>>) dst(%arg7 : memref<80x128xf32, #tpu.memory_space<vmem>>)
      tpu.yield
    }) : () -> ()
    %scan3A = arith.constant 0 : i32
    %scan3A_3 = arith.constant 0 : i32
    %scan3A_4 = arith.constant 8 : i32
    %scan3A_5 = arith.addi %scan3A_3, %scan3A_4 : i32
    %scan3A_6 = arith.constant 1 : i32
    %scan3A_7 = scf.for %scan3A_57 = %scan3A_3 to %scan3A_5 step %scan3A_6 iter_args(%scan3A_58 = %scan3A) -> (i32)  : i32 {
      %mul3A_59 = arith.constant 16 : i32
      %mul3A_60 = arith.muli %scan3A_57, %mul3A_59 : i32
      %add3A_61 = arith.addi %arg1, %mul3A_60 : i32
      %min3A = arith.constant 124 : i32
      %min3A_62 = arith.minsi %add3A_61, %min3A : i32
      %mul3A_63 = arith.constant 80 : i32
      %mul3A_64 = arith.muli %min3A_62, %mul3A_63 : i32
      %multiple_of3A_65 = tpu.assume_multiple %mul3A_64, 80 : i32
      "tpu.region"() ({
        %run_scoped3A = tpu.sem_alloc : memref<!tpu.dma_semaphore, #tpu.memory_space<semaphore_mem>>
        %dma_start3A_67 = arith.constant 0 : i32
        %dma_start3A_68 = tpu.memref_slice %arg20[%multiple_of3A_65, %dma_start3A_67] : memref<10008x128xf32, #tpu.memory_space<vmem_shared>> -> memref<80x128xf32, #tpu.memory_space<vmem_shared>>
        %dma_start3A_69 = arith.constant 0 : i32
        %dma_start3A_70 = tpu.memref_slice %arg20[%multiple_of3A_65, %dma_start3A_69] : memref<10008x128xf32, #tpu.memory_space<vmem_shared>> -> memref<80x128xf32, #tpu.memory_space<vmem_shared>>
        tpu.enqueue_dma source(%arg7 : memref<80x128xf32, #tpu.memory_space<vmem>>) target(%dma_start3A_70 : memref<80x128xf32, #tpu.memory_space<vmem_shared>>) target_semaphore(%run_scoped3A : memref<!tpu.dma_semaphore, #tpu.memory_space<semaphore_mem>>)
        %dma_wait3A_71 = arith.constant 0 : i32
        %dma_wait3A_72 = tpu.memref_slice %arg20[%multiple_of3A_65, %dma_wait3A_71] : memref<10008x128xf32, #tpu.memory_space<vmem_shared>> -> memref<80x128xf32, #tpu.memory_space<vmem_shared>>
        %dma_wait3A_73 = arith.constant 0 : i32
        %dma_wait3A_74 = tpu.memref_slice %arg20[%multiple_of3A_65, %dma_wait3A_73] : memref<10008x128xf32, #tpu.memory_space<vmem_shared>> -> memref<80x128xf32, #tpu.memory_space<vmem_shared>>
        tpu.wait_dma2 semaphore(%run_scoped3A : memref<!tpu.dma_semaphore, #tpu.memory_space<semaphore_mem>>) src(%arg7 : memref<80x128xf32, #tpu.memory_space<vmem>>) dst(%dma_wait3A_74 : memref<80x128xf32, #tpu.memory_space<vmem_shared>>)
        tpu.yield
      }) : () -> ()
      %scan3A_66 = arith.constant 0 : i32
      scf.yield %scan3A_66 : i32
    }
    %scan3A_8 = arith.constant 8 : i32
    %barrier3A = arith.constant 0 : index
    tpu.barrier barrier_id(%barrier3A)
    %add3A_9 = arith.constant 0 : i32
    %add3A_10 = arith.addi %mul3A_2, %add3A_9 : i32
    %multiple_of3A = tpu.assume_multiple %add3A_10, 128 : i32
    %dma_start3A = tpu.memref_slice %arg2[%multiple_of3A] : memref<323584xi32, #tpu.memory_space<hbm>> -> memref<128xi32, #tpu.memory_space<hbm>>
    %dma_start3A_11 = tpu.memref_slice %arg2[%multiple_of3A] : memref<323584xi32, #tpu.memory_space<hbm>> -> memref<128xi32, #tpu.memory_space<hbm>>
    tpu.enqueue_dma source(%dma_start3A_11 : memref<128xi32, #tpu.memory_space<hbm>>) target(%arg8 : memref<128xi32, #tpu.memory_space<vmem>>) target_semaphore(%arg12 : memref<!tpu.dma_semaphore, #tpu.memory_space<semaphore_mem>>)
    %add3A_12 = arith.constant 128 : i32
    %add3A_13 = arith.addi %mul3A_2, %add3A_12 : i32
    %multiple_of3A_14 = tpu.assume_multiple %add3A_13, 128 : i32
    %dma_start3A_15 = tpu.memref_slice %arg2[%multiple_of3A_14] : memref<323584xi32, #tpu.memory_space<hbm>> -> memref<128xi32, #tpu.memory_space<hbm>>
    %dma_start3A_16 = tpu.memref_slice %arg2[%multiple_of3A_14] : memref<323584xi32, #tpu.memory_space<hbm>> -> memref<128xi32, #tpu.memory_space<hbm>>
    tpu.enqueue_dma source(%dma_start3A_16 : memref<128xi32, #tpu.memory_space<hbm>>) target(%arg9 : memref<128xi32, #tpu.memory_space<vmem>>) target_semaphore(%arg13 : memref<!tpu.dma_semaphore, #tpu.memory_space<semaphore_mem>>)
    %add3A_17 = arith.constant 256 : i32
    %add3A_18 = arith.addi %mul3A_2, %add3A_17 : i32
    %multiple_of3A_19 = tpu.assume_multiple %add3A_18, 128 : i32
    %dma_start3A_20 = tpu.memref_slice %arg2[%multiple_of3A_19] : memref<323584xi32, #tpu.memory_space<hbm>> -> memref<128xi32, #tpu.memory_space<hbm>>
    %dma_start3A_21 = tpu.memref_slice %arg2[%multiple_of3A_19] : memref<323584xi32, #tpu.memory_space<hbm>> -> memref<128xi32, #tpu.memory_space<hbm>>
    tpu.enqueue_dma source(%dma_start3A_21 : memref<128xi32, #tpu.memory_space<hbm>>) target(%arg10 : memref<128xi32, #tpu.memory_space<vmem>>) target_semaphore(%arg14 : memref<!tpu.dma_semaphore, #tpu.memory_space<semaphore_mem>>)
    %add3A_22 = arith.constant 384 : i32
    %add3A_23 = arith.addi %mul3A_2, %add3A_22 : i32
    %multiple_of3A_24 = tpu.assume_multiple %add3A_23, 128 : i32
    %dma_start3A_25 = tpu.memref_slice %arg2[%multiple_of3A_24] : memref<323584xi32, #tpu.memory_space<hbm>> -> memref<128xi32, #tpu.memory_space<hbm>>
    %dma_start3A_26 = tpu.memref_slice %arg2[%multiple_of3A_24] : memref<323584xi32, #tpu.memory_space<hbm>> -> memref<128xi32, #tpu.memory_space<hbm>>
    tpu.enqueue_dma source(%dma_start3A_26 : memref<128xi32, #tpu.memory_space<hbm>>) target(%arg11 : memref<128xi32, #tpu.memory_space<vmem>>) target_semaphore(%arg15 : memref<!tpu.dma_semaphore, #tpu.memory_space<semaphore_mem>>)
    %scan3A_27 = arith.constant 0 : i32
    %scan3A_28 = arith.constant 0 : i32
    %scan3A_29 = arith.constant 19 : i32
    %scan3A_30 = arith.addi %scan3A_28, %scan3A_29 : i32
    %scan3A_31 = arith.constant 1 : i32
    %scan3A_32 = scf.for %scan3A_57 = %scan3A_28 to %scan3A_30 step %scan3A_31 iter_args(%scan3A_58 = %scan3A_27) -> (i32)  : i32 {
      %mul3A_59 = arith.constant 4 : i32
      %mul3A_60 = arith.muli %scan3A_57, %mul3A_59 : i32
      %add3A_61 = arith.constant 0 : i32
      %add3A_62 = arith.addi %mul3A_60, %add3A_61 : i32
      %dma_wait3A_63 = arith.constant 128 : i32
      %dma_wait3A_64 = tpu.memref_slice %arg2[%dma_wait3A_63] : memref<323584xi32, #tpu.memory_space<hbm>> -> memref<128xi32, #tpu.memory_space<hbm>>
      %dma_wait3A_65 = arith.constant 128 : i32
      %dma_wait3A_66 = tpu.memref_slice %arg2[%dma_wait3A_65] : memref<323584xi32, #tpu.memory_space<hbm>> -> memref<128xi32, #tpu.memory_space<hbm>>
      tpu.wait_dma2 semaphore(%arg12 : memref<!tpu.dma_semaphore, #tpu.memory_space<semaphore_mem>>) src(%dma_wait3A_66 : memref<128xi32, #tpu.memory_space<hbm>>) dst(%arg8 : memref<128xi32, #tpu.memory_space<vmem>>)
      %dma_start3A_67 = arith.constant 0 : i32
      %dma_start3A_68 = arith.constant 0 : i32
      %dma_start3A_69 = tpu.memref_slice %arg20[%dma_start3A_67, %dma_start3A_68] : memref<10008x128xf32, #tpu.memory_space<vmem_shared>> -> memref<10008x128xf32, #tpu.memory_space<vmem_shared>>
      tpu.enqueue_indirect_dma source(%arg6 : memref<128x128xf32, #tpu.memory_space<vmem>>) target(%dma_start3A_69 : memref<10008x128xf32, #tpu.memory_space<vmem_shared>>) offsets(%arg8 : memref<128xi32, #tpu.memory_space<vmem>>) semaphore(%arg16 : memref<!tpu.dma_semaphore, #tpu.memory_space<semaphore_mem>>) {add = true}
      %dma_wait3A_70 = arith.constant 0 : i32
      %dma_wait3A_71 = arith.constant 0 : i32
      %dma_wait3A_72 = tpu.memref_slice %arg20[%dma_wait3A_70, %dma_wait3A_71] : memref<10008x128xf32, #tpu.memory_space<vmem_shared>> -> memref<10008x128xf32, #tpu.memory_space<vmem_shared>>
      tpu.wait_indirect_dma semaphore(%arg16 : memref<!tpu.dma_semaphore, #tpu.memory_space<semaphore_mem>>) src(%arg6 : memref<128x128xf32, #tpu.memory_space<vmem>>) dst(%dma_wait3A_72 : memref<10008x128xf32, #tpu.memory_space<vmem_shared>>)
      %add3A_73 = arith.constant 4 : i32
      %add3A_74 = arith.addi %add3A_62, %add3A_73 : i32
      %min3A = arith.constant 78 : i32
      %min3A_75 = arith.minsi %add3A_74, %min3A : i32
      %mul3A_76 = arith.constant 128 : i32
      %mul3A_77 = arith.muli %min3A_75, %mul3A_76 : i32
      %add3A_78 = arith.addi %mul3A_2, %mul3A_77 : i32
      %multiple_of3A_79 = tpu.assume_multiple %add3A_78, 128 : i32
      %dma_start3A_80 = tpu.memref_slice %arg2[%multiple_of3A_79] : memref<323584xi32, #tpu.memory_space<hbm>> -> memref<128xi32, #tpu.memory_space<hbm>>
      %dma_start3A_81 = tpu.memref_slice %arg2[%multiple_of3A_79] : memref<323584xi32, #tpu.memory_space<hbm>> -> memref<128xi32, #tpu.memory_space<hbm>>
      tpu.enqueue_dma source(%dma_start3A_81 : memref<128xi32, #tpu.memory_space<hbm>>) target(%arg8 : memref<128xi32, #tpu.memory_space<vmem>>) target_semaphore(%arg12 : memref<!tpu.dma_semaphore, #tpu.memory_space<semaphore_mem>>)
      %mul3A_82 = arith.constant 4 : i32
      %mul3A_83 = arith.muli %scan3A_57, %mul3A_82 : i32
      %add3A_84 = arith.constant 1 : i32
      %add3A_85 = arith.addi %mul3A_83, %add3A_84 : i32
      %dma_wait3A_86 = arith.constant 128 : i32
      %dma_wait3A_87 = tpu.memref_slice %arg2[%dma_wait3A_86] : memref<323584xi32, #tpu.memory_space<hbm>> -> memref<128xi32, #tpu.memory_space<hbm>>
      %dma_wait3A_88 = arith.constant 128 : i32
      %dma_wait3A_89 = tpu.memref_slice %arg2[%dma_wait3A_88] : memref<323584xi32, #tpu.memory_space<hbm>> -> memref<128xi32, #tpu.memory_space<hbm>>
      tpu.wait_dma2 semaphore(%arg13 : memref<!tpu.dma_semaphore, #tpu.memory_space<semaphore_mem>>) src(%dma_wait3A_89 : memref<128xi32, #tpu.memory_space<hbm>>) dst(%arg9 : memref<128xi32, #tpu.memory_space<vmem>>)
      %dma_start3A_90 = arith.constant 0 : i32
      %dma_start3A_91 = arith.constant 0 : i32
      %dma_start3A_92 = tpu.memref_slice %arg20[%dma_start3A_90, %dma_start3A_91] : memref<10008x128xf32, #tpu.memory_space<vmem_shared>> -> memref<10008x128xf32, #tpu.memory_space<vmem_shared>>
      tpu.enqueue_indirect_dma source(%arg6 : memref<128x128xf32, #tpu.memory_space<vmem>>) target(%dma_start3A_92 : memref<10008x128xf32, #tpu.memory_space<vmem_shared>>) offsets(%arg9 : memref<128xi32, #tpu.memory_space<vmem>>) semaphore(%arg17 : memref<!tpu.dma_semaphore, #tpu.memory_space<semaphore_mem>>) {add = true}
      %dma_wait3A_93 = arith.constant 0 : i32
      %dma_wait3A_94 = arith.constant 0 : i32
      %dma_wait3A_95 = tpu.memref_slice %arg20[%dma_wait3A_93, %dma_wait3A_94] : memref<10008x128xf32, #tpu.memory_space<vmem_shared>> -> memref<10008x128xf32, #tpu.memory_space<vmem_shared>>
      tpu.wait_indirect_dma semaphore(%arg17 : memref<!tpu.dma_semaphore, #tpu.memory_space<semaphore_mem>>) src(%arg6 : memref<128x128xf32, #tpu.memory_space<vmem>>) dst(%dma_wait3A_95 : memref<10008x128xf32, #tpu.memory_space<vmem_shared>>)
      %add3A_96 = arith.constant 4 : i32
      %add3A_97 = arith.addi %add3A_85, %add3A_96 : i32
      %min3A_98 = arith.constant 78 : i32
      %min3A_99 = arith.minsi %add3A_97, %min3A_98 : i32
      %mul3A_100 = arith.constant 128 : i32
      %mul3A_101 = arith.muli %min3A_99, %mul3A_100 : i32
      %add3A_102 = arith.addi %mul3A_2, %mul3A_101 : i32
      %multiple_of3A_103 = tpu.assume_multiple %add3A_102, 128 : i32
      %dma_start3A_104 = tpu.memref_slice %arg2[%multiple_of3A_103] : memref<323584xi32, #tpu.memory_space<hbm>> -> memref<128xi32, #tpu.memory_space<hbm>>
      %dma_start3A_105 = tpu.memref_slice %arg2[%multiple_of3A_103] : memref<323584xi32, #tpu.memory_space<hbm>> -> memref<128xi32, #tpu.memory_space<hbm>>
      tpu.enqueue_dma source(%dma_start3A_105 : memref<128xi32, #tpu.memory_space<hbm>>) target(%arg9 : memref<128xi32, #tpu.memory_space<vmem>>) target_semaphore(%arg13 : memref<!tpu.dma_semaphore, #tpu.memory_space<semaphore_mem>>)
      %mul3A_106 = arith.constant 4 : i32
      %mul3A_107 = arith.muli %scan3A_57, %mul3A_106 : i32
      %add3A_108 = arith.constant 2 : i32
      %add3A_109 = arith.addi %mul3A_107, %add3A_108 : i32
      %dma_wait3A_110 = arith.constant 128 : i32
      %dma_wait3A_111 = tpu.memref_slice %arg2[%dma_wait3A_110] : memref<323584xi32, #tpu.memory_space<hbm>> -> memref<128xi32, #tpu.memory_space<hbm>>
      %dma_wait3A_112 = arith.constant 128 : i32
      %dma_wait3A_113 = tpu.memref_slice %arg2[%dma_wait3A_112] : memref<323584xi32, #tpu.memory_space<hbm>> -> memref<128xi32, #tpu.memory_space<hbm>>
      tpu.wait_dma2 semaphore(%arg14 : memref<!tpu.dma_semaphore, #tpu.memory_space<semaphore_mem>>) src(%dma_wait3A_113 : memref<128xi32, #tpu.memory_space<hbm>>) dst(%arg10 : memref<128xi32, #tpu.memory_space<vmem>>)
      %dma_start3A_114 = arith.constant 0 : i32
      %dma_start3A_115 = arith.constant 0 : i32
      %dma_start3A_116 = tpu.memref_slice %arg20[%dma_start3A_114, %dma_start3A_115] : memref<10008x128xf32, #tpu.memory_space<vmem_shared>> -> memref<10008x128xf32, #tpu.memory_space<vmem_shared>>
      tpu.enqueue_indirect_dma source(%arg6 : memref<128x128xf32, #tpu.memory_space<vmem>>) target(%dma_start3A_116 : memref<10008x128xf32, #tpu.memory_space<vmem_shared>>) offsets(%arg10 : memref<128xi32, #tpu.memory_space<vmem>>) semaphore(%arg18 : memref<!tpu.dma_semaphore, #tpu.memory_space<semaphore_mem>>) {add = true}
      %dma_wait3A_117 = arith.constant 0 : i32
      %dma_wait3A_118 = arith.constant 0 : i32
      %dma_wait3A_119 = tpu.memref_slice %arg20[%dma_wait3A_117, %dma_wait3A_118] : memref<10008x128xf32, #tpu.memory_space<vmem_shared>> -> memref<10008x128xf32, #tpu.memory_space<vmem_shared>>
      tpu.wait_indirect_dma semaphore(%arg18 : memref<!tpu.dma_semaphore, #tpu.memory_space<semaphore_mem>>) src(%arg6 : memref<128x128xf32, #tpu.memory_space<vmem>>) dst(%dma_wait3A_119 : memref<10008x128xf32, #tpu.memory_space<vmem_shared>>)
      %add3A_120 = arith.constant 4 : i32
      %add3A_121 = arith.addi %add3A_109, %add3A_120 : i32
      %min3A_122 = arith.constant 78 : i32
      %min3A_123 = arith.minsi %add3A_121, %min3A_122 : i32
      %mul3A_124 = arith.constant 128 : i32
      %mul3A_125 = arith.muli %min3A_123, %mul3A_124 : i32
      %add3A_126 = arith.addi %mul3A_2, %mul3A_125 : i32
      %multiple_of3A_127 = tpu.assume_multiple %add3A_126, 128 : i32
      %dma_start3A_128 = tpu.memref_slice %arg2[%multiple_of3A_127] : memref<323584xi32, #tpu.memory_space<hbm>> -> memref<128xi32, #tpu.memory_space<hbm>>
      %dma_start3A_129 = tpu.memref_slice %arg2[%multiple_of3A_127] : memref<323584xi32, #tpu.memory_space<hbm>> -> memref<128xi32, #tpu.memory_space<hbm>>
      tpu.enqueue_dma source(%dma_start3A_129 : memref<128xi32, #tpu.memory_space<hbm>>) target(%arg10 : memref<128xi32, #tpu.memory_space<vmem>>) target_semaphore(%arg14 : memref<!tpu.dma_semaphore, #tpu.memory_space<semaphore_mem>>)
      %mul3A_130 = arith.constant 4 : i32
      %mul3A_131 = arith.muli %scan3A_57, %mul3A_130 : i32
      %add3A_132 = arith.constant 3 : i32
      %add3A_133 = arith.addi %mul3A_131, %add3A_132 : i32
      %dma_wait3A_134 = arith.constant 128 : i32
      %dma_wait3A_135 = tpu.memref_slice %arg2[%dma_wait3A_134] : memref<323584xi32, #tpu.memory_space<hbm>> -> memref<128xi32, #tpu.memory_space<hbm>>
      %dma_wait3A_136 = arith.constant 128 : i32
      %dma_wait3A_137 = tpu.memref_slice %arg2[%dma_wait3A_136] : memref<323584xi32, #tpu.memory_space<hbm>> -> memref<128xi32, #tpu.memory_space<hbm>>
      tpu.wait_dma2 semaphore(%arg15 : memref<!tpu.dma_semaphore, #tpu.memory_space<semaphore_mem>>) src(%dma_wait3A_137 : memref<128xi32, #tpu.memory_space<hbm>>) dst(%arg11 : memref<128xi32, #tpu.memory_space<vmem>>)
      %dma_start3A_138 = arith.constant 0 : i32
      %dma_start3A_139 = arith.constant 0 : i32
      %dma_start3A_140 = tpu.memref_slice %arg20[%dma_start3A_138, %dma_start3A_139] : memref<10008x128xf32, #tpu.memory_space<vmem_shared>> -> memref<10008x128xf32, #tpu.memory_space<vmem_shared>>
      tpu.enqueue_indirect_dma source(%arg6 : memref<128x128xf32, #tpu.memory_space<vmem>>) target(%dma_start3A_140 : memref<10008x128xf32, #tpu.memory_space<vmem_shared>>) offsets(%arg11 : memref<128xi32, #tpu.memory_space<vmem>>) semaphore(%arg19 : memref<!tpu.dma_semaphore, #tpu.memory_space<semaphore_mem>>) {add = true}
      %dma_wait3A_141 = arith.constant 0 : i32
      %dma_wait3A_142 = arith.constant 0 : i32
      %dma_wait3A_143 = tpu.memref_slice %arg20[%dma_wait3A_141, %dma_wait3A_142] : memref<10008x128xf32, #tpu.memory_space<vmem_shared>> -> memref<10008x128xf32, #tpu.memory_space<vmem_shared>>
      tpu.wait_indirect_dma semaphore(%arg19 : memref<!tpu.dma_semaphore, #tpu.memory_space<semaphore_mem>>) src(%arg6 : memref<128x128xf32, #tpu.memory_space<vmem>>) dst(%dma_wait3A_143 : memref<10008x128xf32, #tpu.memory_space<vmem_shared>>)
      %add3A_144 = arith.constant 4 : i32
      %add3A_145 = arith.addi %add3A_133, %add3A_144 : i32
      %min3A_146 = arith.constant 78 : i32
      %min3A_147 = arith.minsi %add3A_145, %min3A_146 : i32
      %mul3A_148 = arith.constant 128 : i32
      %mul3A_149 = arith.muli %min3A_147, %mul3A_148 : i32
      %add3A_150 = arith.addi %mul3A_2, %mul3A_149 : i32
      %multiple_of3A_151 = tpu.assume_multiple %add3A_150, 128 : i32
      %dma_start3A_152 = tpu.memref_slice %arg2[%multiple_of3A_151] : memref<323584xi32, #tpu.memory_space<hbm>> -> memref<128xi32, #tpu.memory_space<hbm>>
      %dma_start3A_153 = tpu.memref_slice %arg2[%multiple_of3A_151] : memref<323584xi32, #tpu.memory_space<hbm>> -> memref<128xi32, #tpu.memory_space<hbm>>
      tpu.enqueue_dma source(%dma_start3A_153 : memref<128xi32, #tpu.memory_space<hbm>>) target(%arg11 : memref<128xi32, #tpu.memory_space<vmem>>) target_semaphore(%arg15 : memref<!tpu.dma_semaphore, #tpu.memory_space<semaphore_mem>>)
      %scan3A_154 = arith.constant 0 : i32
      scf.yield %scan3A_154 : i32
    }
    %scan3A_33 = arith.constant 19 : i32
    %dma_wait3A = arith.constant 128 : i32
    %dma_wait3A_34 = tpu.memref_slice %arg2[%dma_wait3A] : memref<323584xi32, #tpu.memory_space<hbm>> -> memref<128xi32, #tpu.memory_space<hbm>>
    %dma_wait3A_35 = arith.constant 128 : i32
    %dma_wait3A_36 = tpu.memref_slice %arg2[%dma_wait3A_35] : memref<323584xi32, #tpu.memory_space<hbm>> -> memref<128xi32, #tpu.memory_space<hbm>>
    tpu.wait_dma2 semaphore(%arg12 : memref<!tpu.dma_semaphore, #tpu.memory_space<semaphore_mem>>) src(%dma_wait3A_36 : memref<128xi32, #tpu.memory_space<hbm>>) dst(%arg8 : memref<128xi32, #tpu.memory_space<vmem>>)
    "tpu.region"() ({
      %run_scoped3A = tpu.sem_alloc : memref<!tpu.dma_semaphore, #tpu.memory_space<semaphore_mem>>
      %dma_start3A_57 = arith.constant 0 : i32
      %dma_start3A_58 = arith.constant 0 : i32
      %dma_start3A_59 = tpu.memref_slice %arg20[%dma_start3A_57, %dma_start3A_58] : memref<10008x128xf32, #tpu.memory_space<vmem_shared>> -> memref<10008x128xf32, #tpu.memory_space<vmem_shared>>
      tpu.enqueue_indirect_dma source(%arg6 : memref<128x128xf32, #tpu.memory_space<vmem>>) target(%dma_start3A_59 : memref<10008x128xf32, #tpu.memory_space<vmem_shared>>) offsets(%arg8 : memref<128xi32, #tpu.memory_space<vmem>>) semaphore(%run_scoped3A : memref<!tpu.dma_semaphore, #tpu.memory_space<semaphore_mem>>) {add = true}
      %dma_wait3A_60 = arith.constant 0 : i32
      %dma_wait3A_61 = arith.constant 0 : i32
      %dma_wait3A_62 = tpu.memref_slice %arg20[%dma_wait3A_60, %dma_wait3A_61] : memref<10008x128xf32, #tpu.memory_space<vmem_shared>> -> memref<10008x128xf32, #tpu.memory_space<vmem_shared>>
      tpu.wait_indirect_dma semaphore(%run_scoped3A : memref<!tpu.dma_semaphore, #tpu.memory_space<semaphore_mem>>) src(%arg6 : memref<128x128xf32, #tpu.memory_space<vmem>>) dst(%dma_wait3A_62 : memref<10008x128xf32, #tpu.memory_space<vmem_shared>>)
      tpu.yield
    }) : () -> ()
    %dma_wait3A_37 = arith.constant 128 : i32
    %dma_wait3A_38 = tpu.memref_slice %arg2[%dma_wait3A_37] : memref<323584xi32, #tpu.memory_space<hbm>> -> memref<128xi32, #tpu.memory_space<hbm>>
    %dma_wait3A_39 = arith.constant 128 : i32
    %dma_wait3A_40 = tpu.memref_slice %arg2[%dma_wait3A_39] : memref<323584xi32, #tpu.memory_space<hbm>> -> memref<128xi32, #tpu.memory_space<hbm>>
    tpu.wait_dma2 semaphore(%arg13 : memref<!tpu.dma_semaphore, #tpu.memory_space<semaphore_mem>>) src(%dma_wait3A_40 : memref<128xi32, #tpu.memory_space<hbm>>) dst(%arg9 : memref<128xi32, #tpu.memory_space<vmem>>)
    "tpu.region"() ({
      %run_scoped3A = tpu.sem_alloc : memref<!tpu.dma_semaphore, #tpu.memory_space<semaphore_mem>>
      %dma_start3A_57 = arith.constant 0 : i32
      %dma_start3A_58 = arith.constant 0 : i32
      %dma_start3A_59 = tpu.memref_slice %arg20[%dma_start3A_57, %dma_start3A_58] : memref<10008x128xf32, #tpu.memory_space<vmem_shared>> -> memref<10008x128xf32, #tpu.memory_space<vmem_shared>>
      tpu.enqueue_indirect_dma source(%arg6 : memref<128x128xf32, #tpu.memory_space<vmem>>) target(%dma_start3A_59 : memref<10008x128xf32, #tpu.memory_space<vmem_shared>>) offsets(%arg9 : memref<128xi32, #tpu.memory_space<vmem>>) semaphore(%run_scoped3A : memref<!tpu.dma_semaphore, #tpu.memory_space<semaphore_mem>>) {add = true}
      %dma_wait3A_60 = arith.constant 0 : i32
      %dma_wait3A_61 = arith.constant 0 : i32
      %dma_wait3A_62 = tpu.memref_slice %arg20[%dma_wait3A_60, %dma_wait3A_61] : memref<10008x128xf32, #tpu.memory_space<vmem_shared>> -> memref<10008x128xf32, #tpu.memory_space<vmem_shared>>
      tpu.wait_indirect_dma semaphore(%run_scoped3A : memref<!tpu.dma_semaphore, #tpu.memory_space<semaphore_mem>>) src(%arg6 : memref<128x128xf32, #tpu.memory_space<vmem>>) dst(%dma_wait3A_62 : memref<10008x128xf32, #tpu.memory_space<vmem_shared>>)
      tpu.yield
    }) : () -> ()
    %dma_wait3A_41 = arith.constant 128 : i32
    %dma_wait3A_42 = tpu.memref_slice %arg2[%dma_wait3A_41] : memref<323584xi32, #tpu.memory_space<hbm>> -> memref<128xi32, #tpu.memory_space<hbm>>
    %dma_wait3A_43 = arith.constant 128 : i32
    %dma_wait3A_44 = tpu.memref_slice %arg2[%dma_wait3A_43] : memref<323584xi32, #tpu.memory_space<hbm>> -> memref<128xi32, #tpu.memory_space<hbm>>
    tpu.wait_dma2 semaphore(%arg14 : memref<!tpu.dma_semaphore, #tpu.memory_space<semaphore_mem>>) src(%dma_wait3A_44 : memref<128xi32, #tpu.memory_space<hbm>>) dst(%arg10 : memref<128xi32, #tpu.memory_space<vmem>>)
    "tpu.region"() ({
      %run_scoped3A = tpu.sem_alloc : memref<!tpu.dma_semaphore, #tpu.memory_space<semaphore_mem>>
      %dma_start3A_57 = arith.constant 0 : i32
      %dma_start3A_58 = arith.constant 0 : i32
      %dma_start3A_59 = tpu.memref_slice %arg20[%dma_start3A_57, %dma_start3A_58] : memref<10008x128xf32, #tpu.memory_space<vmem_shared>> -> memref<10008x128xf32, #tpu.memory_space<vmem_shared>>
      tpu.enqueue_indirect_dma source(%arg6 : memref<128x128xf32, #tpu.memory_space<vmem>>) target(%dma_start3A_59 : memref<10008x128xf32, #tpu.memory_space<vmem_shared>>) offsets(%arg10 : memref<128xi32, #tpu.memory_space<vmem>>) semaphore(%run_scoped3A : memref<!tpu.dma_semaphore, #tpu.memory_space<semaphore_mem>>) {add = true}
      %dma_wait3A_60 = arith.constant 0 : i32
      %dma_wait3A_61 = arith.constant 0 : i32
      %dma_wait3A_62 = tpu.memref_slice %arg20[%dma_wait3A_60, %dma_wait3A_61] : memref<10008x128xf32, #tpu.memory_space<vmem_shared>> -> memref<10008x128xf32, #tpu.memory_space<vmem_shared>>
      tpu.wait_indirect_dma semaphore(%run_scoped3A : memref<!tpu.dma_semaphore, #tpu.memory_space<semaphore_mem>>) src(%arg6 : memref<128x128xf32, #tpu.memory_space<vmem>>) dst(%dma_wait3A_62 : memref<10008x128xf32, #tpu.memory_space<vmem_shared>>)
      tpu.yield
    }) : () -> ()
    %dma_wait3A_45 = arith.constant 128 : i32
    %dma_wait3A_46 = tpu.memref_slice %arg2[%dma_wait3A_45] : memref<323584xi32, #tpu.memory_space<hbm>> -> memref<128xi32, #tpu.memory_space<hbm>>
    %dma_wait3A_47 = arith.constant 128 : i32
    %dma_wait3A_48 = tpu.memref_slice %arg2[%dma_wait3A_47] : memref<323584xi32, #tpu.memory_space<hbm>> -> memref<128xi32, #tpu.memory_space<hbm>>
    tpu.wait_dma2 semaphore(%arg15 : memref<!tpu.dma_semaphore, #tpu.memory_space<semaphore_mem>>) src(%dma_wait3A_48 : memref<128xi32, #tpu.memory_space<hbm>>) dst(%arg11 : memref<128xi32, #tpu.memory_space<vmem>>)
    %barrier3A_49 = arith.constant 0 : index
    tpu.barrier barrier_id(%barrier3A_49)
    %scan3A_50 = arith.constant 0 : i32
    %scan3A_51 = arith.constant 0 : i32
    %scan3A_52 = arith.constant 8 : i32
    %scan3A_53 = arith.addi %scan3A_51, %scan3A_52 : i32
    %scan3A_54 = arith.constant 1 : i32
    %scan3A_55 = scf.for %scan3A_57 = %scan3A_51 to %scan3A_53 step %scan3A_54 iter_args(%scan3A_58 = %scan3A_50) -> (i32)  : i32 {
      %mul3A_59 = arith.constant 16 : i32
      %mul3A_60 = arith.muli %scan3A_57, %mul3A_59 : i32
      %add3A_61 = arith.addi %arg1, %mul3A_60 : i32
      %min3A = arith.constant 124 : i32
      %min3A_62 = arith.minsi %add3A_61, %min3A : i32
      %mul3A_63 = arith.constant 80 : i32
      %mul3A_64 = arith.muli %min3A_62, %mul3A_63 : i32
      %multiple_of3A_65 = tpu.assume_multiple %mul3A_64, 80 : i32
      "tpu.region"() ({
        %run_scoped3A = tpu.sem_alloc : memref<!tpu.dma_semaphore, #tpu.memory_space<semaphore_mem>>
        %dma_start3A_67 = arith.constant 0 : i32
        %dma_start3A_68 = tpu.memref_slice %arg20[%multiple_of3A_65, %dma_start3A_67] : memref<10008x128xf32, #tpu.memory_space<vmem_shared>> -> memref<80x128xf32, #tpu.memory_space<vmem_shared>>
        %dma_start3A_69 = arith.constant 0 : i32
        %dma_start3A_70 = tpu.memref_slice %arg20[%multiple_of3A_65, %dma_start3A_69] : memref<10008x128xf32, #tpu.memory_space<vmem_shared>> -> memref<80x128xf32, #tpu.memory_space<vmem_shared>>
        tpu.enqueue_dma source(%dma_start3A_70 : memref<80x128xf32, #tpu.memory_space<vmem_shared>>) target(%arg7 : memref<80x128xf32, #tpu.memory_space<vmem>>) target_semaphore(%run_scoped3A : memref<!tpu.dma_semaphore, #tpu.memory_space<semaphore_mem>>)
        %dma_wait3A_71 = arith.constant 0 : i32
        %dma_wait3A_72 = tpu.memref_slice %arg20[%multiple_of3A_65, %dma_wait3A_71] : memref<10008x128xf32, #tpu.memory_space<vmem_shared>> -> memref<80x128xf32, #tpu.memory_space<vmem_shared>>
        %dma_wait3A_73 = arith.constant 0 : i32
        %dma_wait3A_74 = tpu.memref_slice %arg20[%multiple_of3A_65, %dma_wait3A_73] : memref<10008x128xf32, #tpu.memory_space<vmem_shared>> -> memref<80x128xf32, #tpu.memory_space<vmem_shared>>
        tpu.wait_dma2 semaphore(%run_scoped3A : memref<!tpu.dma_semaphore, #tpu.memory_space<semaphore_mem>>) src(%dma_wait3A_74 : memref<80x128xf32, #tpu.memory_space<vmem_shared>>) dst(%arg7 : memref<80x128xf32, #tpu.memory_space<vmem>>)
        tpu.yield
      }) : () -> ()
      "tpu.region"() ({
        %run_scoped3A = tpu.sem_alloc : memref<!tpu.dma_semaphore, #tpu.memory_space<semaphore_mem>>
        %dma_start3A_67 = arith.constant 0 : i32
        %dma_start3A_68 = tpu.memref_slice %arg5[%arg0, %multiple_of3A_65, %dma_start3A_67] : memref<2x10000x128xf32, #tpu.memory_space<hbm>> -> memref<1x80x128xf32, #tpu.memory_space<hbm>>
        %dma_start3A_69 = tpu.memref_squeeze %dma_start3A_68 : memref<1x80x128xf32, #tpu.memory_space<hbm>> -> memref<80x128xf32, #tpu.memory_space<hbm>>
        %dma_start3A_70 = arith.constant 0 : i32
        %dma_start3A_71 = tpu.memref_slice %arg5[%arg0, %multiple_of3A_65, %dma_start3A_70] : memref<2x10000x128xf32, #tpu.memory_space<hbm>> -> memref<1x80x128xf32, #tpu.memory_space<hbm>>
        %dma_start3A_72 = tpu.memref_squeeze %dma_start3A_71 : memref<1x80x128xf32, #tpu.memory_space<hbm>> -> memref<80x128xf32, #tpu.memory_space<hbm>>
        tpu.enqueue_dma source(%arg7 : memref<80x128xf32, #tpu.memory_space<vmem>>) target(%dma_start3A_72 : memref<80x128xf32, #tpu.memory_space<hbm>>) target_semaphore(%run_scoped3A : memref<!tpu.dma_semaphore, #tpu.memory_space<semaphore_mem>>)
        %dma_wait3A_73 = arith.constant 0 : i32
        %dma_wait3A_74 = tpu.memref_slice %arg5[%arg0, %multiple_of3A_65, %dma_wait3A_73] : memref<2x10000x128xf32, #tpu.memory_space<hbm>> -> memref<1x80x128xf32, #tpu.memory_space<hbm>>
        %dma_wait3A_75 = tpu.memref_squeeze %dma_wait3A_74 : memref<1x80x128xf32, #tpu.memory_space<hbm>> -> memref<80x128xf32, #tpu.memory_space<hbm>>
        %dma_wait3A_76 = arith.constant 0 : i32
        %dma_wait3A_77 = tpu.memref_slice %arg5[%arg0, %multiple_of3A_65, %dma_wait3A_76] : memref<2x10000x128xf32, #tpu.memory_space<hbm>> -> memref<1x80x128xf32, #tpu.memory_space<hbm>>
        %dma_wait3A_78 = tpu.memref_squeeze %dma_wait3A_77 : memref<1x80x128xf32, #tpu.memory_space<hbm>> -> memref<80x128xf32, #tpu.memory_space<hbm>>
        tpu.wait_dma2 semaphore(%run_scoped3A : memref<!tpu.dma_semaphore, #tpu.memory_space<semaphore_mem>>) src(%arg7 : memref<80x128xf32, #tpu.memory_space<vmem>>) dst(%dma_wait3A_78 : memref<80x128xf32, #tpu.memory_space<hbm>>)
        tpu.yield
      }) : () -> ()
      %scan3A_66 = arith.constant 0 : i32
      scf.yield %scan3A_66 : i32
    }
    %scan3A_56 = arith.constant 8 : i32
    return
  }
}

#map = affine_map<(d0, d1) -> (0, 0)>
#map1 = affine_map<(d0, d1) -> (0, 0, 0)>
#map2 = affine_map<(d0, d1) -> (0)>
module attributes {stable_mosaic.version = 14 : i64} {
  func.func @_conv_body(%arg0: i32, %arg1: i32, %arg2: memref<10000x128xf32, #tpu.memory_space<hbm>>, %arg3: memref<2528x1x128xi32, #tpu.memory_space<hbm>>, %arg4: memref<323584xi32, #tpu.memory_space<hbm>>, %arg5: memref<2x10000x128xf32, #tpu.memory_space<hbm>>, %arg6: memref<79x1x128xi32, #tpu.memory_space<vmem>>, %arg7: memref<128x128xf32, #tpu.memory_space<vmem>>, %arg8: memref<128x128xf32, #tpu.memory_space<vmem>>, %arg9: memref<128xi32, #tpu.memory_space<vmem>>, %arg10: memref<128xi32, #tpu.memory_space<vmem>>, %arg11: memref<!tpu.dma_semaphore, #tpu.memory_space<semaphore_mem>>, %arg12: memref<!tpu.dma_semaphore, #tpu.memory_space<semaphore_mem>>, %arg13: memref<!tpu.dma_semaphore, #tpu.memory_space<semaphore_mem>>, %arg14: memref<!tpu.dma_semaphore, #tpu.memory_space<semaphore_mem>>, %arg15: memref<!tpu.dma_semaphore, #tpu.memory_space<semaphore_mem>>, %arg16: memref<!tpu.dma_semaphore, #tpu.memory_space<semaphore_mem>>, %arg17: memref<10008x128xf32, #tpu.memory_space<vmem_shared>>) attributes {dimension_semantics = [#tpu.dimension_semantics<core_parallel>, #tpu.dimension_semantics<subcore_parallel>], iteration_bounds = array<i64: 2, 16>, scalar_prefetch = 0 : i64, scratch_operands = 12 : i64, tpu.core_type = #tpu.core_type<sc_vector_subcore>, window_params = [{transform_indices = #map}, {transform_indices = #map1}, {transform_indices = #map2}, {transform_indices = #map1}]} {
    %mul3A = arith.constant 2 : i32
    %mul3A_0 = arith.muli %arg1, %mul3A : i32
    %add3A = arith.addi %mul3A_0, %arg0 : i32
    %mul3A_1 = arith.constant 10112 : i32
    %mul3A_2 = arith.muli %add3A, %mul3A_1 : i32
    %scan3A = arith.constant 0 : i32
    %scan3A_3 = arith.constant 0 : i32
    %scan3A_4 = arith.constant 8 : i32
    %scan3A_5 = arith.addi %scan3A_3, %scan3A_4 : i32
    %scan3A_6 = arith.constant 1 : i32
    %scan3A_7 = scf.for %scan3A_73 = %scan3A_3 to %scan3A_5 step %scan3A_6 iter_args(%scan3A_74 = %scan3A) -> (i32)  : i32 {
      %mul3A_75 = arith.constant 16 : i32
      %mul3A_76 = arith.muli %scan3A_73, %mul3A_75 : i32
      %add3A_77 = arith.addi %arg1, %mul3A_76 : i32
      %min3A = arith.constant 124 : i32
      %min3A_78 = arith.minsi %add3A_77, %min3A : i32
      %mul3A_79 = arith.constant 80 : i32
      %mul3A_80 = arith.muli %min3A_78, %mul3A_79 : i32
      %multiple_of3A_81 = tpu.assume_multiple %mul3A_80, 80 : i32
      "tpu.region"() ({
        %run_scoped3A = tpu.sem_alloc : memref<!tpu.dma_semaphore, #tpu.memory_space<semaphore_mem>>
        %dma_start3A_83 = arith.constant 0 : i32
        %dma_start3A_84 = arith.constant 0 : i32
        %dma_start3A_85 = tpu.memref_slice %arg7[%dma_start3A_83, %dma_start3A_84] : memref<128x128xf32, #tpu.memory_space<vmem>> -> memref<80x128xf32, #tpu.memory_space<vmem>>
        %dma_start3A_86 = arith.constant 0 : i32
        %dma_start3A_87 = tpu.memref_slice %arg2[%multiple_of3A_81, %dma_start3A_86] : memref<10000x128xf32, #tpu.memory_space<hbm>> -> memref<80x128xf32, #tpu.memory_space<hbm>>
        %dma_start3A_88 = arith.constant 0 : i32
        %dma_start3A_89 = arith.constant 0 : i32
        %dma_start3A_90 = tpu.memref_slice %arg7[%dma_start3A_88, %dma_start3A_89] : memref<128x128xf32, #tpu.memory_space<vmem>> -> memref<80x128xf32, #tpu.memory_space<vmem>>
        %dma_start3A_91 = arith.constant 0 : i32
        %dma_start3A_92 = tpu.memref_slice %arg2[%multiple_of3A_81, %dma_start3A_91] : memref<10000x128xf32, #tpu.memory_space<hbm>> -> memref<80x128xf32, #tpu.memory_space<hbm>>
        tpu.enqueue_dma source(%dma_start3A_92 : memref<80x128xf32, #tpu.memory_space<hbm>>) target(%dma_start3A_90 : memref<80x128xf32, #tpu.memory_space<vmem>>) target_semaphore(%run_scoped3A : memref<!tpu.dma_semaphore, #tpu.memory_space<semaphore_mem>>)
        %dma_wait3A_93 = arith.constant 0 : i32
        %dma_wait3A_94 = arith.constant 0 : i32
        %dma_wait3A_95 = tpu.memref_slice %arg7[%dma_wait3A_93, %dma_wait3A_94] : memref<128x128xf32, #tpu.memory_space<vmem>> -> memref<80x128xf32, #tpu.memory_space<vmem>>
        %dma_wait3A_96 = arith.constant 0 : i32
        %dma_wait3A_97 = tpu.memref_slice %arg2[%multiple_of3A_81, %dma_wait3A_96] : memref<10000x128xf32, #tpu.memory_space<hbm>> -> memref<80x128xf32, #tpu.memory_space<hbm>>
        %dma_wait3A_98 = arith.constant 0 : i32
        %dma_wait3A_99 = arith.constant 0 : i32
        %dma_wait3A_100 = tpu.memref_slice %arg7[%dma_wait3A_98, %dma_wait3A_99] : memref<128x128xf32, #tpu.memory_space<vmem>> -> memref<80x128xf32, #tpu.memory_space<vmem>>
        %dma_wait3A_101 = arith.constant 0 : i32
        %dma_wait3A_102 = tpu.memref_slice %arg2[%multiple_of3A_81, %dma_wait3A_101] : memref<10000x128xf32, #tpu.memory_space<hbm>> -> memref<80x128xf32, #tpu.memory_space<hbm>>
        tpu.wait_dma2 semaphore(%run_scoped3A : memref<!tpu.dma_semaphore, #tpu.memory_space<semaphore_mem>>) src(%dma_wait3A_102 : memref<80x128xf32, #tpu.memory_space<hbm>>) dst(%dma_wait3A_100 : memref<80x128xf32, #tpu.memory_space<vmem>>)
        tpu.yield
      }) : () -> ()
      "tpu.region"() ({
        %run_scoped3A = tpu.sem_alloc : memref<!tpu.dma_semaphore, #tpu.memory_space<semaphore_mem>>
        %dma_start3A_83 = arith.constant 0 : i32
        %dma_start3A_84 = arith.constant 0 : i32
        %dma_start3A_85 = tpu.memref_slice %arg7[%dma_start3A_83, %dma_start3A_84] : memref<128x128xf32, #tpu.memory_space<vmem>> -> memref<80x128xf32, #tpu.memory_space<vmem>>
        %dma_start3A_86 = arith.constant 0 : i32
        %dma_start3A_87 = tpu.memref_slice %arg17[%multiple_of3A_81, %dma_start3A_86] : memref<10008x128xf32, #tpu.memory_space<vmem_shared>> -> memref<80x128xf32, #tpu.memory_space<vmem_shared>>
        %dma_start3A_88 = arith.constant 0 : i32
        %dma_start3A_89 = tpu.memref_slice %arg17[%multiple_of3A_81, %dma_start3A_88] : memref<10008x128xf32, #tpu.memory_space<vmem_shared>> -> memref<80x128xf32, #tpu.memory_space<vmem_shared>>
        %dma_start3A_90 = arith.constant 0 : i32
        %dma_start3A_91 = arith.constant 0 : i32
        %dma_start3A_92 = tpu.memref_slice %arg7[%dma_start3A_90, %dma_start3A_91] : memref<128x128xf32, #tpu.memory_space<vmem>> -> memref<80x128xf32, #tpu.memory_space<vmem>>
        tpu.enqueue_dma source(%dma_start3A_92 : memref<80x128xf32, #tpu.memory_space<vmem>>) target(%dma_start3A_89 : memref<80x128xf32, #tpu.memory_space<vmem_shared>>) target_semaphore(%run_scoped3A : memref<!tpu.dma_semaphore, #tpu.memory_space<semaphore_mem>>)
        %dma_wait3A_93 = arith.constant 0 : i32
        %dma_wait3A_94 = arith.constant 0 : i32
        %dma_wait3A_95 = tpu.memref_slice %arg7[%dma_wait3A_93, %dma_wait3A_94] : memref<128x128xf32, #tpu.memory_space<vmem>> -> memref<80x128xf32, #tpu.memory_space<vmem>>
        %dma_wait3A_96 = arith.constant 0 : i32
        %dma_wait3A_97 = tpu.memref_slice %arg17[%multiple_of3A_81, %dma_wait3A_96] : memref<10008x128xf32, #tpu.memory_space<vmem_shared>> -> memref<80x128xf32, #tpu.memory_space<vmem_shared>>
        %dma_wait3A_98 = arith.constant 0 : i32
        %dma_wait3A_99 = tpu.memref_slice %arg17[%multiple_of3A_81, %dma_wait3A_98] : memref<10008x128xf32, #tpu.memory_space<vmem_shared>> -> memref<80x128xf32, #tpu.memory_space<vmem_shared>>
        %dma_wait3A_100 = arith.constant 0 : i32
        %dma_wait3A_101 = arith.constant 0 : i32
        %dma_wait3A_102 = tpu.memref_slice %arg7[%dma_wait3A_100, %dma_wait3A_101] : memref<128x128xf32, #tpu.memory_space<vmem>> -> memref<80x128xf32, #tpu.memory_space<vmem>>
        tpu.wait_dma2 semaphore(%run_scoped3A : memref<!tpu.dma_semaphore, #tpu.memory_space<semaphore_mem>>) src(%dma_wait3A_102 : memref<80x128xf32, #tpu.memory_space<vmem>>) dst(%dma_wait3A_99 : memref<80x128xf32, #tpu.memory_space<vmem_shared>>)
        tpu.yield
      }) : () -> ()
      %scan3A_82 = arith.constant 0 : i32
      scf.yield %scan3A_82 : i32
    }
    %scan3A_8 = arith.constant 8 : i32
    %mul3A_9 = arith.constant 79 : i32
    %mul3A_10 = arith.muli %add3A, %mul3A_9 : i32
    "tpu.region"() ({
      %run_scoped3A = tpu.sem_alloc : memref<!tpu.dma_semaphore, #tpu.memory_space<semaphore_mem>>
      %dma_start3A_73 = arith.constant 0 : i32
      %dma_start3A_74 = arith.constant 0 : i32
      %dma_start3A_75 = tpu.memref_slice %arg3[%mul3A_10, %dma_start3A_73, %dma_start3A_74] : memref<2528x1x128xi32, #tpu.memory_space<hbm>> -> memref<79x1x128xi32, #tpu.memory_space<hbm>>
      %dma_start3A_76 = arith.constant 0 : i32
      %dma_start3A_77 = arith.constant 0 : i32
      %dma_start3A_78 = tpu.memref_slice %arg3[%mul3A_10, %dma_start3A_76, %dma_start3A_77] : memref<2528x1x128xi32, #tpu.memory_space<hbm>> -> memref<79x1x128xi32, #tpu.memory_space<hbm>>
      tpu.enqueue_dma source(%dma_start3A_78 : memref<79x1x128xi32, #tpu.memory_space<hbm>>) target(%arg6 : memref<79x1x128xi32, #tpu.memory_space<vmem>>) target_semaphore(%run_scoped3A : memref<!tpu.dma_semaphore, #tpu.memory_space<semaphore_mem>>)
      %dma_wait3A_79 = arith.constant 0 : i32
      %dma_wait3A_80 = arith.constant 0 : i32
      %dma_wait3A_81 = tpu.memref_slice %arg3[%mul3A_10, %dma_wait3A_79, %dma_wait3A_80] : memref<2528x1x128xi32, #tpu.memory_space<hbm>> -> memref<79x1x128xi32, #tpu.memory_space<hbm>>
      %dma_wait3A_82 = arith.constant 0 : i32
      %dma_wait3A_83 = arith.constant 0 : i32
      %dma_wait3A_84 = tpu.memref_slice %arg3[%mul3A_10, %dma_wait3A_82, %dma_wait3A_83] : memref<2528x1x128xi32, #tpu.memory_space<hbm>> -> memref<79x1x128xi32, #tpu.memory_space<hbm>>
      tpu.wait_dma2 semaphore(%run_scoped3A : memref<!tpu.dma_semaphore, #tpu.memory_space<semaphore_mem>>) src(%dma_wait3A_84 : memref<79x1x128xi32, #tpu.memory_space<hbm>>) dst(%arg6 : memref<79x1x128xi32, #tpu.memory_space<vmem>>)
      tpu.yield
    }) : () -> ()
    %barrier3A = arith.constant 0 : index
    tpu.barrier barrier_id(%barrier3A)
    %add3A_11 = arith.constant 0 : i32
    %add3A_12 = arith.addi %mul3A_2, %add3A_11 : i32
    %multiple_of3A = tpu.assume_multiple %add3A_12, 128 : i32
    %dma_start3A = tpu.memref_slice %arg4[%multiple_of3A] : memref<323584xi32, #tpu.memory_space<hbm>> -> memref<128xi32, #tpu.memory_space<hbm>>
    %dma_start3A_13 = tpu.memref_slice %arg4[%multiple_of3A] : memref<323584xi32, #tpu.memory_space<hbm>> -> memref<128xi32, #tpu.memory_space<hbm>>
    tpu.enqueue_dma source(%dma_start3A_13 : memref<128xi32, #tpu.memory_space<hbm>>) target(%arg9 : memref<128xi32, #tpu.memory_space<vmem>>) target_semaphore(%arg13 : memref<!tpu.dma_semaphore, #tpu.memory_space<semaphore_mem>>)
    %dma_start3A_14 = arith.constant 0 : i32
    %dma_start3A_15 = arith.constant 0 : i32
    %dma_start3A_16 = arith.constant 0 : i32
    %dma_start3A_17 = tpu.memref_slice %arg6[%dma_start3A_14, %dma_start3A_15, %dma_start3A_16] : memref<79x1x128xi32, #tpu.memory_space<vmem>> -> memref<1x1x128xi32, #tpu.memory_space<vmem>>
    %dma_start3A_18 = tpu.memref_squeeze %dma_start3A_17 : memref<1x1x128xi32, #tpu.memory_space<vmem>> -> memref<128xi32, #tpu.memory_space<vmem>>
    %dma_start3A_19 = arith.constant 0 : i32
    %dma_start3A_20 = arith.constant 0 : i32
    %dma_start3A_21 = tpu.memref_slice %arg2[%dma_start3A_19, %dma_start3A_20] : memref<10000x128xf32, #tpu.memory_space<hbm>> -> memref<10000x128xf32, #tpu.memory_space<hbm>>
    tpu.enqueue_indirect_dma source(%dma_start3A_21 : memref<10000x128xf32, #tpu.memory_space<hbm>>) target(%arg7 : memref<128x128xf32, #tpu.memory_space<vmem>>) offsets(%dma_start3A_18 : memref<128xi32, #tpu.memory_space<vmem>>) semaphore(%arg11 : memref<!tpu.dma_semaphore, #tpu.memory_space<semaphore_mem>>)
    %add3A_22 = arith.constant 128 : i32
    %add3A_23 = arith.addi %mul3A_2, %add3A_22 : i32
    %multiple_of3A_24 = tpu.assume_multiple %add3A_23, 128 : i32
    %dma_start3A_25 = tpu.memref_slice %arg4[%multiple_of3A_24] : memref<323584xi32, #tpu.memory_space<hbm>> -> memref<128xi32, #tpu.memory_space<hbm>>
    %dma_start3A_26 = tpu.memref_slice %arg4[%multiple_of3A_24] : memref<323584xi32, #tpu.memory_space<hbm>> -> memref<128xi32, #tpu.memory_space<hbm>>
    tpu.enqueue_dma source(%dma_start3A_26 : memref<128xi32, #tpu.memory_space<hbm>>) target(%arg10 : memref<128xi32, #tpu.memory_space<vmem>>) target_semaphore(%arg14 : memref<!tpu.dma_semaphore, #tpu.memory_space<semaphore_mem>>)
    %dma_start3A_27 = arith.constant 1 : i32
    %dma_start3A_28 = arith.constant 0 : i32
    %dma_start3A_29 = arith.constant 0 : i32
    %dma_start3A_30 = tpu.memref_slice %arg6[%dma_start3A_27, %dma_start3A_28, %dma_start3A_29] : memref<79x1x128xi32, #tpu.memory_space<vmem>> -> memref<1x1x128xi32, #tpu.memory_space<vmem>>
    %dma_start3A_31 = tpu.memref_squeeze %dma_start3A_30 : memref<1x1x128xi32, #tpu.memory_space<vmem>> -> memref<128xi32, #tpu.memory_space<vmem>>
    %dma_start3A_32 = arith.constant 0 : i32
    %dma_start3A_33 = arith.constant 0 : i32
    %dma_start3A_34 = tpu.memref_slice %arg2[%dma_start3A_32, %dma_start3A_33] : memref<10000x128xf32, #tpu.memory_space<hbm>> -> memref<10000x128xf32, #tpu.memory_space<hbm>>
    tpu.enqueue_indirect_dma source(%dma_start3A_34 : memref<10000x128xf32, #tpu.memory_space<hbm>>) target(%arg8 : memref<128x128xf32, #tpu.memory_space<vmem>>) offsets(%dma_start3A_31 : memref<128xi32, #tpu.memory_space<vmem>>) semaphore(%arg12 : memref<!tpu.dma_semaphore, #tpu.memory_space<semaphore_mem>>)
    %scan3A_35 = arith.constant 0 : i32
    %scan3A_36 = arith.constant 0 : i32
    %scan3A_37 = arith.constant 39 : i32
    %scan3A_38 = arith.addi %scan3A_36, %scan3A_37 : i32
    %scan3A_39 = arith.constant 1 : i32
    %scan3A_40 = scf.for %scan3A_73 = %scan3A_36 to %scan3A_38 step %scan3A_39 iter_args(%scan3A_74 = %scan3A_35) -> (i32)  : i32 {
      %mul3A_75 = arith.constant 2 : i32
      %mul3A_76 = arith.muli %scan3A_73, %mul3A_75 : i32
      %add3A_77 = arith.constant 0 : i32
      %add3A_78 = arith.addi %mul3A_76, %add3A_77 : i32
      %dma_wait3A_79 = arith.constant 0 : i32
      %dma_wait3A_80 = arith.constant 0 : i32
      %dma_wait3A_81 = tpu.memref_slice %arg6[%add3A_78, %dma_wait3A_79, %dma_wait3A_80] : memref<79x1x128xi32, #tpu.memory_space<vmem>> -> memref<1x1x128xi32, #tpu.memory_space<vmem>>
      %dma_wait3A_82 = tpu.memref_squeeze %dma_wait3A_81 : memref<1x1x128xi32, #tpu.memory_space<vmem>> -> memref<128xi32, #tpu.memory_space<vmem>>
      %dma_wait3A_83 = arith.constant 0 : i32
      %dma_wait3A_84 = arith.constant 0 : i32
      %dma_wait3A_85 = tpu.memref_slice %arg2[%dma_wait3A_83, %dma_wait3A_84] : memref<10000x128xf32, #tpu.memory_space<hbm>> -> memref<10000x128xf32, #tpu.memory_space<hbm>>
      tpu.wait_indirect_dma semaphore(%arg11 : memref<!tpu.dma_semaphore, #tpu.memory_space<semaphore_mem>>) src(%dma_wait3A_85 : memref<10000x128xf32, #tpu.memory_space<hbm>>) dst(%arg7 : memref<128x128xf32, #tpu.memory_space<vmem>>)
      %dma_wait3A_86 = arith.constant 128 : i32
      %dma_wait3A_87 = tpu.memref_slice %arg4[%dma_wait3A_86] : memref<323584xi32, #tpu.memory_space<hbm>> -> memref<128xi32, #tpu.memory_space<hbm>>
      %dma_wait3A_88 = arith.constant 128 : i32
      %dma_wait3A_89 = tpu.memref_slice %arg4[%dma_wait3A_88] : memref<323584xi32, #tpu.memory_space<hbm>> -> memref<128xi32, #tpu.memory_space<hbm>>
      tpu.wait_dma2 semaphore(%arg13 : memref<!tpu.dma_semaphore, #tpu.memory_space<semaphore_mem>>) src(%dma_wait3A_89 : memref<128xi32, #tpu.memory_space<hbm>>) dst(%arg9 : memref<128xi32, #tpu.memory_space<vmem>>)
      %dma_start3A_90 = arith.constant 0 : i32
      %dma_start3A_91 = arith.constant 0 : i32
      %dma_start3A_92 = tpu.memref_slice %arg17[%dma_start3A_90, %dma_start3A_91] : memref<10008x128xf32, #tpu.memory_space<vmem_shared>> -> memref<10008x128xf32, #tpu.memory_space<vmem_shared>>
      tpu.enqueue_indirect_dma source(%arg7 : memref<128x128xf32, #tpu.memory_space<vmem>>) target(%dma_start3A_92 : memref<10008x128xf32, #tpu.memory_space<vmem_shared>>) offsets(%arg9 : memref<128xi32, #tpu.memory_space<vmem>>) semaphore(%arg15 : memref<!tpu.dma_semaphore, #tpu.memory_space<semaphore_mem>>) {add = true}
      %dma_wait3A_93 = arith.constant 0 : i32
      %dma_wait3A_94 = arith.constant 0 : i32
      %dma_wait3A_95 = tpu.memref_slice %arg17[%dma_wait3A_93, %dma_wait3A_94] : memref<10008x128xf32, #tpu.memory_space<vmem_shared>> -> memref<10008x128xf32, #tpu.memory_space<vmem_shared>>
      tpu.wait_indirect_dma semaphore(%arg15 : memref<!tpu.dma_semaphore, #tpu.memory_space<semaphore_mem>>) src(%arg7 : memref<128x128xf32, #tpu.memory_space<vmem>>) dst(%dma_wait3A_95 : memref<10008x128xf32, #tpu.memory_space<vmem_shared>>)
      %add3A_96 = arith.constant 2 : i32
      %add3A_97 = arith.addi %add3A_78, %add3A_96 : i32
      %min3A = arith.constant 78 : i32
      %min3A_98 = arith.minsi %add3A_97, %min3A : i32
      %mul3A_99 = arith.constant 128 : i32
      %mul3A_100 = arith.muli %min3A_98, %mul3A_99 : i32
      %add3A_101 = arith.addi %mul3A_2, %mul3A_100 : i32
      %multiple_of3A_102 = tpu.assume_multiple %add3A_101, 128 : i32
      %dma_start3A_103 = tpu.memref_slice %arg4[%multiple_of3A_102] : memref<323584xi32, #tpu.memory_space<hbm>> -> memref<128xi32, #tpu.memory_space<hbm>>
      %dma_start3A_104 = tpu.memref_slice %arg4[%multiple_of3A_102] : memref<323584xi32, #tpu.memory_space<hbm>> -> memref<128xi32, #tpu.memory_space<hbm>>
      tpu.enqueue_dma source(%dma_start3A_104 : memref<128xi32, #tpu.memory_space<hbm>>) target(%arg9 : memref<128xi32, #tpu.memory_space<vmem>>) target_semaphore(%arg13 : memref<!tpu.dma_semaphore, #tpu.memory_space<semaphore_mem>>)
      %dma_start3A_105 = arith.constant 0 : i32
      %dma_start3A_106 = arith.constant 0 : i32
      %dma_start3A_107 = tpu.memref_slice %arg6[%min3A_98, %dma_start3A_105, %dma_start3A_106] : memref<79x1x128xi32, #tpu.memory_space<vmem>> -> memref<1x1x128xi32, #tpu.memory_space<vmem>>
      %dma_start3A_108 = tpu.memref_squeeze %dma_start3A_107 : memref<1x1x128xi32, #tpu.memory_space<vmem>> -> memref<128xi32, #tpu.memory_space<vmem>>
      %dma_start3A_109 = arith.constant 0 : i32
      %dma_start3A_110 = arith.constant 0 : i32
      %dma_start3A_111 = tpu.memref_slice %arg2[%dma_start3A_109, %dma_start3A_110] : memref<10000x128xf32, #tpu.memory_space<hbm>> -> memref<10000x128xf32, #tpu.memory_space<hbm>>
      tpu.enqueue_indirect_dma source(%dma_start3A_111 : memref<10000x128xf32, #tpu.memory_space<hbm>>) target(%arg7 : memref<128x128xf32, #tpu.memory_space<vmem>>) offsets(%dma_start3A_108 : memref<128xi32, #tpu.memory_space<vmem>>) semaphore(%arg11 : memref<!tpu.dma_semaphore, #tpu.memory_space<semaphore_mem>>)
      %mul3A_112 = arith.constant 2 : i32
      %mul3A_113 = arith.muli %scan3A_73, %mul3A_112 : i32
      %add3A_114 = arith.constant 1 : i32
      %add3A_115 = arith.addi %mul3A_113, %add3A_114 : i32
      %dma_wait3A_116 = arith.constant 0 : i32
      %dma_wait3A_117 = arith.constant 0 : i32
      %dma_wait3A_118 = tpu.memref_slice %arg6[%add3A_115, %dma_wait3A_116, %dma_wait3A_117] : memref<79x1x128xi32, #tpu.memory_space<vmem>> -> memref<1x1x128xi32, #tpu.memory_space<vmem>>
      %dma_wait3A_119 = tpu.memref_squeeze %dma_wait3A_118 : memref<1x1x128xi32, #tpu.memory_space<vmem>> -> memref<128xi32, #tpu.memory_space<vmem>>
      %dma_wait3A_120 = arith.constant 0 : i32
      %dma_wait3A_121 = arith.constant 0 : i32
      %dma_wait3A_122 = tpu.memref_slice %arg2[%dma_wait3A_120, %dma_wait3A_121] : memref<10000x128xf32, #tpu.memory_space<hbm>> -> memref<10000x128xf32, #tpu.memory_space<hbm>>
      tpu.wait_indirect_dma semaphore(%arg12 : memref<!tpu.dma_semaphore, #tpu.memory_space<semaphore_mem>>) src(%dma_wait3A_122 : memref<10000x128xf32, #tpu.memory_space<hbm>>) dst(%arg8 : memref<128x128xf32, #tpu.memory_space<vmem>>)
      %dma_wait3A_123 = arith.constant 128 : i32
      %dma_wait3A_124 = tpu.memref_slice %arg4[%dma_wait3A_123] : memref<323584xi32, #tpu.memory_space<hbm>> -> memref<128xi32, #tpu.memory_space<hbm>>
      %dma_wait3A_125 = arith.constant 128 : i32
      %dma_wait3A_126 = tpu.memref_slice %arg4[%dma_wait3A_125] : memref<323584xi32, #tpu.memory_space<hbm>> -> memref<128xi32, #tpu.memory_space<hbm>>
      tpu.wait_dma2 semaphore(%arg14 : memref<!tpu.dma_semaphore, #tpu.memory_space<semaphore_mem>>) src(%dma_wait3A_126 : memref<128xi32, #tpu.memory_space<hbm>>) dst(%arg10 : memref<128xi32, #tpu.memory_space<vmem>>)
      %dma_start3A_127 = arith.constant 0 : i32
      %dma_start3A_128 = arith.constant 0 : i32
      %dma_start3A_129 = tpu.memref_slice %arg17[%dma_start3A_127, %dma_start3A_128] : memref<10008x128xf32, #tpu.memory_space<vmem_shared>> -> memref<10008x128xf32, #tpu.memory_space<vmem_shared>>
      tpu.enqueue_indirect_dma source(%arg8 : memref<128x128xf32, #tpu.memory_space<vmem>>) target(%dma_start3A_129 : memref<10008x128xf32, #tpu.memory_space<vmem_shared>>) offsets(%arg10 : memref<128xi32, #tpu.memory_space<vmem>>) semaphore(%arg16 : memref<!tpu.dma_semaphore, #tpu.memory_space<semaphore_mem>>) {add = true}
      %dma_wait3A_130 = arith.constant 0 : i32
      %dma_wait3A_131 = arith.constant 0 : i32
      %dma_wait3A_132 = tpu.memref_slice %arg17[%dma_wait3A_130, %dma_wait3A_131] : memref<10008x128xf32, #tpu.memory_space<vmem_shared>> -> memref<10008x128xf32, #tpu.memory_space<vmem_shared>>
      tpu.wait_indirect_dma semaphore(%arg16 : memref<!tpu.dma_semaphore, #tpu.memory_space<semaphore_mem>>) src(%arg8 : memref<128x128xf32, #tpu.memory_space<vmem>>) dst(%dma_wait3A_132 : memref<10008x128xf32, #tpu.memory_space<vmem_shared>>)
      %add3A_133 = arith.constant 2 : i32
      %add3A_134 = arith.addi %add3A_115, %add3A_133 : i32
      %min3A_135 = arith.constant 78 : i32
      %min3A_136 = arith.minsi %add3A_134, %min3A_135 : i32
      %mul3A_137 = arith.constant 128 : i32
      %mul3A_138 = arith.muli %min3A_136, %mul3A_137 : i32
      %add3A_139 = arith.addi %mul3A_2, %mul3A_138 : i32
      %multiple_of3A_140 = tpu.assume_multiple %add3A_139, 128 : i32
      %dma_start3A_141 = tpu.memref_slice %arg4[%multiple_of3A_140] : memref<323584xi32, #tpu.memory_space<hbm>> -> memref<128xi32, #tpu.memory_space<hbm>>
      %dma_start3A_142 = tpu.memref_slice %arg4[%multiple_of3A_140] : memref<323584xi32, #tpu.memory_space<hbm>> -> memref<128xi32, #tpu.memory_space<hbm>>
      tpu.enqueue_dma source(%dma_start3A_142 : memref<128xi32, #tpu.memory_space<hbm>>) target(%arg10 : memref<128xi32, #tpu.memory_space<vmem>>) target_semaphore(%arg14 : memref<!tpu.dma_semaphore, #tpu.memory_space<semaphore_mem>>)
      %dma_start3A_143 = arith.constant 0 : i32
      %dma_start3A_144 = arith.constant 0 : i32
      %dma_start3A_145 = tpu.memref_slice %arg6[%min3A_136, %dma_start3A_143, %dma_start3A_144] : memref<79x1x128xi32, #tpu.memory_space<vmem>> -> memref<1x1x128xi32, #tpu.memory_space<vmem>>
      %dma_start3A_146 = tpu.memref_squeeze %dma_start3A_145 : memref<1x1x128xi32, #tpu.memory_space<vmem>> -> memref<128xi32, #tpu.memory_space<vmem>>
      %dma_start3A_147 = arith.constant 0 : i32
      %dma_start3A_148 = arith.constant 0 : i32
      %dma_start3A_149 = tpu.memref_slice %arg2[%dma_start3A_147, %dma_start3A_148] : memref<10000x128xf32, #tpu.memory_space<hbm>> -> memref<10000x128xf32, #tpu.memory_space<hbm>>
      tpu.enqueue_indirect_dma source(%dma_start3A_149 : memref<10000x128xf32, #tpu.memory_space<hbm>>) target(%arg8 : memref<128x128xf32, #tpu.memory_space<vmem>>) offsets(%dma_start3A_146 : memref<128xi32, #tpu.memory_space<vmem>>) semaphore(%arg12 : memref<!tpu.dma_semaphore, #tpu.memory_space<semaphore_mem>>)
      %scan3A_150 = arith.constant 0 : i32
      scf.yield %scan3A_150 : i32
    }
    %scan3A_41 = arith.constant 39 : i32
    %dma_wait3A = arith.constant 78 : i32
    %dma_wait3A_42 = arith.constant 0 : i32
    %dma_wait3A_43 = arith.constant 0 : i32
    %dma_wait3A_44 = tpu.memref_slice %arg6[%dma_wait3A, %dma_wait3A_42, %dma_wait3A_43] : memref<79x1x128xi32, #tpu.memory_space<vmem>> -> memref<1x1x128xi32, #tpu.memory_space<vmem>>
    %dma_wait3A_45 = tpu.memref_squeeze %dma_wait3A_44 : memref<1x1x128xi32, #tpu.memory_space<vmem>> -> memref<128xi32, #tpu.memory_space<vmem>>
    %dma_wait3A_46 = arith.constant 0 : i32
    %dma_wait3A_47 = arith.constant 0 : i32
    %dma_wait3A_48 = tpu.memref_slice %arg2[%dma_wait3A_46, %dma_wait3A_47] : memref<10000x128xf32, #tpu.memory_space<hbm>> -> memref<10000x128xf32, #tpu.memory_space<hbm>>
    tpu.wait_indirect_dma semaphore(%arg11 : memref<!tpu.dma_semaphore, #tpu.memory_space<semaphore_mem>>) src(%dma_wait3A_48 : memref<10000x128xf32, #tpu.memory_space<hbm>>) dst(%arg7 : memref<128x128xf32, #tpu.memory_space<vmem>>)
    %dma_wait3A_49 = arith.constant 128 : i32
    %dma_wait3A_50 = tpu.memref_slice %arg4[%dma_wait3A_49] : memref<323584xi32, #tpu.memory_space<hbm>> -> memref<128xi32, #tpu.memory_space<hbm>>
    %dma_wait3A_51 = arith.constant 128 : i32
    %dma_wait3A_52 = tpu.memref_slice %arg4[%dma_wait3A_51] : memref<323584xi32, #tpu.memory_space<hbm>> -> memref<128xi32, #tpu.memory_space<hbm>>
    tpu.wait_dma2 semaphore(%arg13 : memref<!tpu.dma_semaphore, #tpu.memory_space<semaphore_mem>>) src(%dma_wait3A_52 : memref<128xi32, #tpu.memory_space<hbm>>) dst(%arg9 : memref<128xi32, #tpu.memory_space<vmem>>)
    "tpu.region"() ({
      %run_scoped3A = tpu.sem_alloc : memref<!tpu.dma_semaphore, #tpu.memory_space<semaphore_mem>>
      %dma_start3A_73 = arith.constant 0 : i32
      %dma_start3A_74 = arith.constant 0 : i32
      %dma_start3A_75 = tpu.memref_slice %arg17[%dma_start3A_73, %dma_start3A_74] : memref<10008x128xf32, #tpu.memory_space<vmem_shared>> -> memref<10008x128xf32, #tpu.memory_space<vmem_shared>>
      tpu.enqueue_indirect_dma source(%arg7 : memref<128x128xf32, #tpu.memory_space<vmem>>) target(%dma_start3A_75 : memref<10008x128xf32, #tpu.memory_space<vmem_shared>>) offsets(%arg9 : memref<128xi32, #tpu.memory_space<vmem>>) semaphore(%run_scoped3A : memref<!tpu.dma_semaphore, #tpu.memory_space<semaphore_mem>>) {add = true}
      %dma_wait3A_76 = arith.constant 0 : i32
      %dma_wait3A_77 = arith.constant 0 : i32
      %dma_wait3A_78 = tpu.memref_slice %arg17[%dma_wait3A_76, %dma_wait3A_77] : memref<10008x128xf32, #tpu.memory_space<vmem_shared>> -> memref<10008x128xf32, #tpu.memory_space<vmem_shared>>
      tpu.wait_indirect_dma semaphore(%run_scoped3A : memref<!tpu.dma_semaphore, #tpu.memory_space<semaphore_mem>>) src(%arg7 : memref<128x128xf32, #tpu.memory_space<vmem>>) dst(%dma_wait3A_78 : memref<10008x128xf32, #tpu.memory_space<vmem_shared>>)
      tpu.yield
    }) : () -> ()
    %dma_wait3A_53 = arith.constant 78 : i32
    %dma_wait3A_54 = arith.constant 0 : i32
    %dma_wait3A_55 = arith.constant 0 : i32
    %dma_wait3A_56 = tpu.memref_slice %arg6[%dma_wait3A_53, %dma_wait3A_54, %dma_wait3A_55] : memref<79x1x128xi32, #tpu.memory_space<vmem>> -> memref<1x1x128xi32, #tpu.memory_space<vmem>>
    %dma_wait3A_57 = tpu.memref_squeeze %dma_wait3A_56 : memref<1x1x128xi32, #tpu.memory_space<vmem>> -> memref<128xi32, #tpu.memory_space<vmem>>
    %dma_wait3A_58 = arith.constant 0 : i32
    %dma_wait3A_59 = arith.constant 0 : i32
    %dma_wait3A_60 = tpu.memref_slice %arg2[%dma_wait3A_58, %dma_wait3A_59] : memref<10000x128xf32, #tpu.memory_space<hbm>> -> memref<10000x128xf32, #tpu.memory_space<hbm>>
    tpu.wait_indirect_dma semaphore(%arg12 : memref<!tpu.dma_semaphore, #tpu.memory_space<semaphore_mem>>) src(%dma_wait3A_60 : memref<10000x128xf32, #tpu.memory_space<hbm>>) dst(%arg8 : memref<128x128xf32, #tpu.memory_space<vmem>>)
    %dma_wait3A_61 = arith.constant 128 : i32
    %dma_wait3A_62 = tpu.memref_slice %arg4[%dma_wait3A_61] : memref<323584xi32, #tpu.memory_space<hbm>> -> memref<128xi32, #tpu.memory_space<hbm>>
    %dma_wait3A_63 = arith.constant 128 : i32
    %dma_wait3A_64 = tpu.memref_slice %arg4[%dma_wait3A_63] : memref<323584xi32, #tpu.memory_space<hbm>> -> memref<128xi32, #tpu.memory_space<hbm>>
    tpu.wait_dma2 semaphore(%arg14 : memref<!tpu.dma_semaphore, #tpu.memory_space<semaphore_mem>>) src(%dma_wait3A_64 : memref<128xi32, #tpu.memory_space<hbm>>) dst(%arg10 : memref<128xi32, #tpu.memory_space<vmem>>)
    %barrier3A_65 = arith.constant 0 : index
    tpu.barrier barrier_id(%barrier3A_65)
    %scan3A_66 = arith.constant 0 : i32
    %scan3A_67 = arith.constant 0 : i32
    %scan3A_68 = arith.constant 8 : i32
    %scan3A_69 = arith.addi %scan3A_67, %scan3A_68 : i32
    %scan3A_70 = arith.constant 1 : i32
    %scan3A_71 = scf.for %scan3A_73 = %scan3A_67 to %scan3A_69 step %scan3A_70 iter_args(%scan3A_74 = %scan3A_66) -> (i32)  : i32 {
      %mul3A_75 = arith.constant 16 : i32
      %mul3A_76 = arith.muli %scan3A_73, %mul3A_75 : i32
      %add3A_77 = arith.addi %arg1, %mul3A_76 : i32
      %min3A = arith.constant 124 : i32
      %min3A_78 = arith.minsi %add3A_77, %min3A : i32
      %mul3A_79 = arith.constant 80 : i32
      %mul3A_80 = arith.muli %min3A_78, %mul3A_79 : i32
      %multiple_of3A_81 = tpu.assume_multiple %mul3A_80, 80 : i32
      "tpu.region"() ({
        %run_scoped3A = tpu.sem_alloc : memref<!tpu.dma_semaphore, #tpu.memory_space<semaphore_mem>>
        %dma_start3A_83 = arith.constant 0 : i32
        %dma_start3A_84 = arith.constant 0 : i32
        %dma_start3A_85 = tpu.memref_slice %arg7[%dma_start3A_83, %dma_start3A_84] : memref<128x128xf32, #tpu.memory_space<vmem>> -> memref<80x128xf32, #tpu.memory_space<vmem>>
        %dma_start3A_86 = arith.constant 0 : i32
        %dma_start3A_87 = tpu.memref_slice %arg17[%multiple_of3A_81, %dma_start3A_86] : memref<10008x128xf32, #tpu.memory_space<vmem_shared>> -> memref<80x128xf32, #tpu.memory_space<vmem_shared>>
        %dma_start3A_88 = arith.constant 0 : i32
        %dma_start3A_89 = arith.constant 0 : i32
        %dma_start3A_90 = tpu.memref_slice %arg7[%dma_start3A_88, %dma_start3A_89] : memref<128x128xf32, #tpu.memory_space<vmem>> -> memref<80x128xf32, #tpu.memory_space<vmem>>
        %dma_start3A_91 = arith.constant 0 : i32
        %dma_start3A_92 = tpu.memref_slice %arg17[%multiple_of3A_81, %dma_start3A_91] : memref<10008x128xf32, #tpu.memory_space<vmem_shared>> -> memref<80x128xf32, #tpu.memory_space<vmem_shared>>
        tpu.enqueue_dma source(%dma_start3A_92 : memref<80x128xf32, #tpu.memory_space<vmem_shared>>) target(%dma_start3A_90 : memref<80x128xf32, #tpu.memory_space<vmem>>) target_semaphore(%run_scoped3A : memref<!tpu.dma_semaphore, #tpu.memory_space<semaphore_mem>>)
        %dma_wait3A_93 = arith.constant 0 : i32
        %dma_wait3A_94 = arith.constant 0 : i32
        %dma_wait3A_95 = tpu.memref_slice %arg7[%dma_wait3A_93, %dma_wait3A_94] : memref<128x128xf32, #tpu.memory_space<vmem>> -> memref<80x128xf32, #tpu.memory_space<vmem>>
        %dma_wait3A_96 = arith.constant 0 : i32
        %dma_wait3A_97 = tpu.memref_slice %arg17[%multiple_of3A_81, %dma_wait3A_96] : memref<10008x128xf32, #tpu.memory_space<vmem_shared>> -> memref<80x128xf32, #tpu.memory_space<vmem_shared>>
        %dma_wait3A_98 = arith.constant 0 : i32
        %dma_wait3A_99 = arith.constant 0 : i32
        %dma_wait3A_100 = tpu.memref_slice %arg7[%dma_wait3A_98, %dma_wait3A_99] : memref<128x128xf32, #tpu.memory_space<vmem>> -> memref<80x128xf32, #tpu.memory_space<vmem>>
        %dma_wait3A_101 = arith.constant 0 : i32
        %dma_wait3A_102 = tpu.memref_slice %arg17[%multiple_of3A_81, %dma_wait3A_101] : memref<10008x128xf32, #tpu.memory_space<vmem_shared>> -> memref<80x128xf32, #tpu.memory_space<vmem_shared>>
        tpu.wait_dma2 semaphore(%run_scoped3A : memref<!tpu.dma_semaphore, #tpu.memory_space<semaphore_mem>>) src(%dma_wait3A_102 : memref<80x128xf32, #tpu.memory_space<vmem_shared>>) dst(%dma_wait3A_100 : memref<80x128xf32, #tpu.memory_space<vmem>>)
        tpu.yield
      }) : () -> ()
      "tpu.region"() ({
        %run_scoped3A = tpu.sem_alloc : memref<!tpu.dma_semaphore, #tpu.memory_space<semaphore_mem>>
        %dma_start3A_83 = arith.constant 0 : i32
        %dma_start3A_84 = arith.constant 0 : i32
        %dma_start3A_85 = tpu.memref_slice %arg7[%dma_start3A_83, %dma_start3A_84] : memref<128x128xf32, #tpu.memory_space<vmem>> -> memref<80x128xf32, #tpu.memory_space<vmem>>
        %dma_start3A_86 = arith.constant 0 : i32
        %dma_start3A_87 = tpu.memref_slice %arg5[%arg0, %multiple_of3A_81, %dma_start3A_86] : memref<2x10000x128xf32, #tpu.memory_space<hbm>> -> memref<1x80x128xf32, #tpu.memory_space<hbm>>
        %dma_start3A_88 = tpu.memref_squeeze %dma_start3A_87 : memref<1x80x128xf32, #tpu.memory_space<hbm>> -> memref<80x128xf32, #tpu.memory_space<hbm>>
        %dma_start3A_89 = arith.constant 0 : i32
        %dma_start3A_90 = tpu.memref_slice %arg5[%arg0, %multiple_of3A_81, %dma_start3A_89] : memref<2x10000x128xf32, #tpu.memory_space<hbm>> -> memref<1x80x128xf32, #tpu.memory_space<hbm>>
        %dma_start3A_91 = tpu.memref_squeeze %dma_start3A_90 : memref<1x80x128xf32, #tpu.memory_space<hbm>> -> memref<80x128xf32, #tpu.memory_space<hbm>>
        %dma_start3A_92 = arith.constant 0 : i32
        %dma_start3A_93 = arith.constant 0 : i32
        %dma_start3A_94 = tpu.memref_slice %arg7[%dma_start3A_92, %dma_start3A_93] : memref<128x128xf32, #tpu.memory_space<vmem>> -> memref<80x128xf32, #tpu.memory_space<vmem>>
        tpu.enqueue_dma source(%dma_start3A_94 : memref<80x128xf32, #tpu.memory_space<vmem>>) target(%dma_start3A_91 : memref<80x128xf32, #tpu.memory_space<hbm>>) target_semaphore(%run_scoped3A : memref<!tpu.dma_semaphore, #tpu.memory_space<semaphore_mem>>)
        %dma_wait3A_95 = arith.constant 0 : i32
        %dma_wait3A_96 = arith.constant 0 : i32
        %dma_wait3A_97 = tpu.memref_slice %arg7[%dma_wait3A_95, %dma_wait3A_96] : memref<128x128xf32, #tpu.memory_space<vmem>> -> memref<80x128xf32, #tpu.memory_space<vmem>>
        %dma_wait3A_98 = arith.constant 0 : i32
        %dma_wait3A_99 = tpu.memref_slice %arg5[%arg0, %multiple_of3A_81, %dma_wait3A_98] : memref<2x10000x128xf32, #tpu.memory_space<hbm>> -> memref<1x80x128xf32, #tpu.memory_space<hbm>>
        %dma_wait3A_100 = tpu.memref_squeeze %dma_wait3A_99 : memref<1x80x128xf32, #tpu.memory_space<hbm>> -> memref<80x128xf32, #tpu.memory_space<hbm>>
        %dma_wait3A_101 = arith.constant 0 : i32
        %dma_wait3A_102 = tpu.memref_slice %arg5[%arg0, %multiple_of3A_81, %dma_wait3A_101] : memref<2x10000x128xf32, #tpu.memory_space<hbm>> -> memref<1x80x128xf32, #tpu.memory_space<hbm>>
        %dma_wait3A_103 = tpu.memref_squeeze %dma_wait3A_102 : memref<1x80x128xf32, #tpu.memory_space<hbm>> -> memref<80x128xf32, #tpu.memory_space<hbm>>
        %dma_wait3A_104 = arith.constant 0 : i32
        %dma_wait3A_105 = arith.constant 0 : i32
        %dma_wait3A_106 = tpu.memref_slice %arg7[%dma_wait3A_104, %dma_wait3A_105] : memref<128x128xf32, #tpu.memory_space<vmem>> -> memref<80x128xf32, #tpu.memory_space<vmem>>
        tpu.wait_dma2 semaphore(%run_scoped3A : memref<!tpu.dma_semaphore, #tpu.memory_space<semaphore_mem>>) src(%dma_wait3A_106 : memref<80x128xf32, #tpu.memory_space<vmem>>) dst(%dma_wait3A_103 : memref<80x128xf32, #tpu.memory_space<hbm>>)
        tpu.yield
      }) : () -> ()
      %scan3A_82 = arith.constant 0 : i32
      scf.yield %scan3A_82 : i32
    }
    %scan3A_72 = arith.constant 8 : i32
    return
  }
}

module attributes {stable_mosaic.version = 14 : i64} {
  func.func @_featA_body(%arg0: i32, %arg1: memref<1000x768xf32, #tpu.memory_space<vmem>>, %arg2: memref<1000x768xf32, #tpu.memory_space<vmem>>, %arg3: memref<1000x32xf32, #tpu.memory_space<vmem>>, %arg4: memref<768x128xf32, #tpu.memory_space<vmem>>, %arg5: memref<768x128xf32, #tpu.memory_space<vmem>>, %arg6: memref<32x128xf32, #tpu.memory_space<vmem>>, %arg7: memref<1x128xf32, #tpu.memory_space<vmem>>, %arg8: memref<128x128xf32, #tpu.memory_space<vmem>>, %arg9: memref<1x128xf32, #tpu.memory_space<vmem>>, %arg10: memref<1000x128xf32, #tpu.memory_space<vmem>>) attributes {dimension_semantics = [#tpu.dimension_semantics<arbitrary>], iteration_bounds = array<i64: 10>, scalar_prefetch = 0 : i64, scratch_operands = 0 : i64, tpu.core_type = #tpu.core_type<tc>, window_params = [{transform_indices = @transform_0, window_bounds = array<i64: 1000, 768>}, {transform_indices = @transform_1, window_bounds = array<i64: 1000, 768>}, {transform_indices = @transform_2, window_bounds = array<i64: 1000, 32>}, {pipeline_mode = #tpu.pipeline_mode<synchronous>, transform_indices = @transform_3, window_bounds = array<i64: 768, 128>}, {pipeline_mode = #tpu.pipeline_mode<synchronous>, transform_indices = @transform_4, window_bounds = array<i64: 768, 128>}, {pipeline_mode = #tpu.pipeline_mode<synchronous>, transform_indices = @transform_5, window_bounds = array<i64: 32, 128>}, {pipeline_mode = #tpu.pipeline_mode<synchronous>, transform_indices = @transform_6, window_bounds = array<i64: 1, 128>}, {pipeline_mode = #tpu.pipeline_mode<synchronous>, transform_indices = @transform_7, window_bounds = array<i64: 128, 128>}, {pipeline_mode = #tpu.pipeline_mode<synchronous>, transform_indices = @transform_8, window_bounds = array<i64: 1, 128>}, {transform_indices = @transform_9, window_bounds = array<i64: 1000, 128>}]} {
    %get3A = arith.constant 0 : index
    %get3A_0 = arith.constant 0 : index
    %get3A_1 = vector.load %arg1[%get3A, %get3A_0] : memref<1000x768xf32, #tpu.memory_space<vmem>>, vector<1000x768xf32>
    %get3A_2 = arith.constant 0 : index
    %get3A_3 = arith.constant 0 : index
    %get3A_4 = vector.load %arg4[%get3A_2, %get3A_3] : memref<768x128xf32, #tpu.memory_space<vmem>>, vector<768x128xf32>
    %dot_general3A = arith.constant dense<0.000000e+00> : vector<1000x128xf32>
    %dot_general3A_5 = tpu.matmul %get3A_1, %get3A_4, %dot_general3A {dimension_numbers = #tpu.dot_dimension_numbers<[1], [0], [0], [1], [0, 0, 1, 1], [], []>, transpose_lhs_hint = false} : vector<1000x768xf32>, vector<768x128xf32>, vector<1000x128xf32> -> vector<1000x128xf32>
    %get3A_6 = arith.constant 0 : index
    %get3A_7 = arith.constant 0 : index
    %get3A_8 = vector.load %arg2[%get3A_6, %get3A_7] : memref<1000x768xf32, #tpu.memory_space<vmem>>, vector<1000x768xf32>
    %get3A_9 = arith.constant 0 : index
    %get3A_10 = arith.constant 0 : index
    %get3A_11 = vector.load %arg5[%get3A_9, %get3A_10] : memref<768x128xf32, #tpu.memory_space<vmem>>, vector<768x128xf32>
    %dot_general3A_12 = arith.constant dense<0.000000e+00> : vector<1000x128xf32>
    %dot_general3A_13 = tpu.matmul %get3A_8, %get3A_11, %dot_general3A_12 {dimension_numbers = #tpu.dot_dimension_numbers<[1], [0], [0], [1], [0, 0, 1, 1], [], []>, transpose_lhs_hint = false} : vector<1000x768xf32>, vector<768x128xf32>, vector<1000x128xf32> -> vector<1000x128xf32>
    %add3A = arith.addf %dot_general3A_5, %dot_general3A_13 : vector<1000x128xf32>
    %get3A_14 = arith.constant 0 : index
    %get3A_15 = arith.constant 0 : index
    %get3A_16 = vector.load %arg3[%get3A_14, %get3A_15] : memref<1000x32xf32, #tpu.memory_space<vmem>>, vector<1000x32xf32>
    %get3A_17 = arith.constant 0 : index
    %get3A_18 = arith.constant 0 : index
    %get3A_19 = vector.load %arg6[%get3A_17, %get3A_18] : memref<32x128xf32, #tpu.memory_space<vmem>>, vector<32x128xf32>
    %dot_general3A_20 = arith.constant dense<0.000000e+00> : vector<1000x128xf32>
    %dot_general3A_21 = tpu.matmul %get3A_16, %get3A_19, %dot_general3A_20 {dimension_numbers = #tpu.dot_dimension_numbers<[1], [0], [0], [1], [0, 0, 1, 1], [], []>, transpose_lhs_hint = false} : vector<1000x32xf32>, vector<32x128xf32>, vector<1000x128xf32> -> vector<1000x128xf32>
    %add3A_22 = arith.addf %add3A, %dot_general3A_21 : vector<1000x128xf32>
    %get3A_23 = arith.constant 0 : index
    %get3A_24 = arith.constant 0 : index
    %get3A_25 = vector.load %arg7[%get3A_23, %get3A_24] : memref<1x128xf32, #tpu.memory_space<vmem>>, vector<1x128xf32>
    %add3A_26 = vector.broadcast %get3A_25 : vector<1x128xf32> to vector<1000x128xf32>
    %add3A_27 = arith.addf %add3A_22, %add3A_26 : vector<1000x128xf32>
    %gt3A = arith.constant 0.000000e+00 : f32
    %gt3A_28 = vector.broadcast %gt3A : f32 to vector<1000x128xf32>
    %gt3A_29 = arith.cmpf ogt, %add3A_27, %gt3A_28 : vector<1000x128xf32>
    %mul3A = arith.constant 0.00999999977 : f32
    %mul3A_30 = vector.broadcast %mul3A : f32 to vector<1000x128xf32>
    %mul3A_31 = arith.mulf %mul3A_30, %add3A_27 : vector<1000x128xf32>
    %select_n3A = arith.select %gt3A_29, %add3A_27, %mul3A_31 : vector<1000x128xi1>, vector<1000x128xf32>
    %get3A_32 = arith.constant 0 : index
    %get3A_33 = arith.constant 0 : index
    %get3A_34 = vector.load %arg8[%get3A_32, %get3A_33] : memref<128x128xf32, #tpu.memory_space<vmem>>, vector<128x128xf32>
    %dot_general3A_35 = arith.constant dense<0.000000e+00> : vector<1000x128xf32>
    %dot_general3A_36 = tpu.matmul %select_n3A, %get3A_34, %dot_general3A_35 {dimension_numbers = #tpu.dot_dimension_numbers<[1], [0], [0], [1], [0, 0, 1, 1], [], []>, transpose_lhs_hint = false} : vector<1000x128xf32>, vector<128x128xf32>, vector<1000x128xf32> -> vector<1000x128xf32>
    %get3A_37 = arith.constant 0 : index
    %get3A_38 = arith.constant 0 : index
    %get3A_39 = vector.load %arg9[%get3A_37, %get3A_38] : memref<1x128xf32, #tpu.memory_space<vmem>>, vector<1x128xf32>
    %add3A_40 = vector.broadcast %get3A_39 : vector<1x128xf32> to vector<1000x128xf32>
    %add3A_41 = arith.addf %dot_general3A_36, %add3A_40 : vector<1000x128xf32>
    %gt3A_42 = arith.constant 0.000000e+00 : f32
    %gt3A_43 = vector.broadcast %gt3A_42 : f32 to vector<1000x128xf32>
    %gt3A_44 = arith.cmpf ogt, %add3A_41, %gt3A_43 : vector<1000x128xf32>
    %mul3A_45 = arith.constant 0.00999999977 : f32
    %mul3A_46 = vector.broadcast %mul3A_45 : f32 to vector<1000x128xf32>
    %mul3A_47 = arith.mulf %mul3A_46, %add3A_41 : vector<1000x128xf32>
    %select_n3A_48 = arith.select %gt3A_44, %add3A_41, %mul3A_47 : vector<1000x128xi1>, vector<1000x128xf32>
    %swap3A = arith.constant 0 : index
    %swap3A_49 = arith.constant 0 : index
    %swap3A_50 = vector.load %arg10[%swap3A, %swap3A_49] : memref<1000x128xf32, #tpu.memory_space<vmem>>, vector<1000x128xf32>
    tpu.vector_store %arg10[%swap3A, %swap3A_49], %select_n3A_48 {strides = array<i32>} : memref<1000x128xf32, #tpu.memory_space<vmem>>, vector<1000x128xf32>,
    return
  }
  func.func @transform_0(%arg0: i32) -> (i32, i32) {
    %c0_i32 = arith.constant 0 : i32
    %c0_i32_0 = arith.constant 0 : i32
    return %arg0, %c0_i32 : i32, i32
  }
  func.func @transform_1(%arg0: i32) -> (i32, i32) {
    %c0_i32 = arith.constant 0 : i32
    %c0_i32_0 = arith.constant 0 : i32
    return %arg0, %c0_i32 : i32, i32
  }
  func.func @transform_2(%arg0: i32) -> (i32, i32) {
    %c0_i32 = arith.constant 0 : i32
    %c0_i32_0 = arith.constant 0 : i32
    return %arg0, %c0_i32 : i32, i32
  }
  func.func @transform_3(%arg0: i32) -> (i32, i32) {
    %c0_i32 = arith.constant 0 : i32
    %c0_i32_0 = arith.constant 0 : i32
    %c0_i32_1 = arith.constant 0 : i32
    return %c0_i32, %c0_i32_0 : i32, i32
  }
  func.func @transform_4(%arg0: i32) -> (i32, i32) {
    %c0_i32 = arith.constant 0 : i32
    %c0_i32_0 = arith.constant 0 : i32
    %c0_i32_1 = arith.constant 0 : i32
    return %c0_i32, %c0_i32_0 : i32, i32
  }
  func.func @transform_5(%arg0: i32) -> (i32, i32) {
    %c0_i32 = arith.constant 0 : i32
    %c0_i32_0 = arith.constant 0 : i32
    %c0_i32_1 = arith.constant 0 : i32
    return %c0_i32, %c0_i32_0 : i32, i32
  }
  func.func @transform_6(%arg0: i32) -> (i32, i32) {
    %c0_i32 = arith.constant 0 : i32
    %c0_i32_0 = arith.constant 0 : i32
    %c0_i32_1 = arith.constant 0 : i32
    return %c0_i32, %c0_i32_0 : i32, i32
  }
  func.func @transform_7(%arg0: i32) -> (i32, i32) {
    %c0_i32 = arith.constant 0 : i32
    %c0_i32_0 = arith.constant 0 : i32
    %c0_i32_1 = arith.constant 0 : i32
    return %c0_i32, %c0_i32_0 : i32, i32
  }
  func.func @transform_8(%arg0: i32) -> (i32, i32) {
    %c0_i32 = arith.constant 0 : i32
    %c0_i32_0 = arith.constant 0 : i32
    %c0_i32_1 = arith.constant 0 : i32
    return %c0_i32, %c0_i32_0 : i32, i32
  }
  func.func @transform_9(%arg0: i32) -> (i32, i32) {
    %c0_i32 = arith.constant 0 : i32
    %c0_i32_0 = arith.constant 0 : i32
    return %arg0, %c0_i32 : i32, i32
  }
}

module attributes {stable_mosaic.version = 14 : i64} {
  func.func @_featB_body(%arg0: i32, %arg1: memref<1000x128xf32, #tpu.memory_space<vmem>>, %arg2: memref<2x1000x128xf32, #tpu.memory_space<vmem>>, %arg3: memref<128x128xf32, #tpu.memory_space<vmem>>, %arg4: memref<1000x128xf32, #tpu.memory_space<vmem>>, %arg5: memref<1000x8xf32, #tpu.memory_space<vmem>>) attributes {dimension_semantics = [#tpu.dimension_semantics<arbitrary>], iteration_bounds = array<i64: 10>, scalar_prefetch = 0 : i64, scratch_operands = 0 : i64, tpu.core_type = #tpu.core_type<tc>, window_params = [{transform_indices = @transform_0, window_bounds = array<i64: 1000, 128>}, {transform_indices = @transform_1, window_bounds = array<i64: 2, 1000, 128>}, {pipeline_mode = #tpu.pipeline_mode<synchronous>, transform_indices = @transform_2, window_bounds = array<i64: 128, 128>}, {transform_indices = @transform_3, window_bounds = array<i64: 1000, 128>}, {transform_indices = @transform_4, window_bounds = array<i64: 1000, 8>}]} {
    %get3A = arith.constant 0 : index
    %get3A_0 = arith.constant 0 : index
    %get3A_1 = arith.constant 0 : index
    %get3A_2 = vector.load %arg2[%get3A, %get3A_0, %get3A_1] : memref<2x1000x128xf32, #tpu.memory_space<vmem>>, vector<1x1000x8xf32>
    %get3A_3 = vector.shape_cast %get3A_2 : vector<1x1000x8xf32> to vector<1000x8xf32>
    %get3A_4 = arith.constant 1 : index
    %get3A_5 = arith.constant 0 : index
    %get3A_6 = arith.constant 0 : index
    %get3A_7 = vector.load %arg2[%get3A_4, %get3A_5, %get3A_6] : memref<2x1000x128xf32, #tpu.memory_space<vmem>>, vector<1x1000x8xf32>
    %get3A_8 = vector.shape_cast %get3A_7 : vector<1x1000x8xf32> to vector<1000x8xf32>
    %add3A = arith.addf %get3A_3, %get3A_8 : vector<1000x8xf32>
    %add3A_9 = arith.constant 1.000000e+00 : f32
    %add3A_10 = vector.broadcast %add3A_9 : f32 to vector<1000x8xf32>
    %add3A_11 = arith.addf %add3A, %add3A_10 : vector<1000x8xf32>
    %rsqrt3A = math.rsqrt %add3A_11 : vector<1000x8xf32>
    %slice3A = vector.extract_strided_slice %rsqrt3A {offsets = [0, 0], sizes = [1000, 1], strides = [1, 1]} : vector<1000x8xf32> to vector<1000x1xf32>
    %get3A_12 = arith.constant 0 : index
    %get3A_13 = arith.constant 0 : index
    %get3A_14 = vector.load %arg1[%get3A_12, %get3A_13] : memref<1000x128xf32, #tpu.memory_space<vmem>>, vector<1000x128xf32>
    %get3A_15 = arith.constant 0 : index
    %get3A_16 = arith.constant 0 : index
    %get3A_17 = vector.load %arg3[%get3A_15, %get3A_16] : memref<128x128xf32, #tpu.memory_space<vmem>>, vector<128x128xf32>
    %dot_general3A = arith.constant dense<0.000000e+00> : vector<1000x128xf32>
    %dot_general3A_18 = tpu.matmul %get3A_14, %get3A_17, %dot_general3A {dimension_numbers = #tpu.dot_dimension_numbers<[1], [0], [0], [1], [0, 0, 1, 1], [], []>, transpose_lhs_hint = false} : vector<1000x128xf32>, vector<128x128xf32>, vector<1000x128xf32> -> vector<1000x128xf32>
    %mul3A = vector.broadcast %slice3A : vector<1000x1xf32> to vector<1000x128xf32>
    %mul3A_19 = arith.mulf %mul3A, %dot_general3A_18 : vector<1000x128xf32>
    %swap3A = arith.constant 0 : index
    %swap3A_20 = arith.constant 0 : index
    %swap3A_21 = vector.load %arg4[%swap3A, %swap3A_20] : memref<1000x128xf32, #tpu.memory_space<vmem>>, vector<1000x128xf32>
    tpu.vector_store %arg4[%swap3A, %swap3A_20], %mul3A_19 {strides = array<i32>} : memref<1000x128xf32, #tpu.memory_space<vmem>>, vector<1000x128xf32>,
    %swap3A_22 = arith.constant 0 : index
    %swap3A_23 = arith.constant 0 : index
    %swap3A_24 = vector.load %arg5[%swap3A_22, %swap3A_23] : memref<1000x8xf32, #tpu.memory_space<vmem>>, vector<1000x8xf32>
    tpu.vector_store %arg5[%swap3A_22, %swap3A_23], %rsqrt3A {strides = array<i32>} : memref<1000x8xf32, #tpu.memory_space<vmem>>, vector<1000x8xf32>,
    return
  }
  func.func @transform_0(%arg0: i32) -> (i32, i32) {
    %c0_i32 = arith.constant 0 : i32
    %c0_i32_0 = arith.constant 0 : i32
    return %arg0, %c0_i32 : i32, i32
  }
  func.func @transform_1(%arg0: i32) -> (i32, i32, i32) {
    %c0_i32 = arith.constant 0 : i32
    %c0_i32_0 = arith.constant 0 : i32
    %c0_i32_1 = arith.constant 0 : i32
    return %c0_i32, %arg0, %c0_i32_0 : i32, i32, i32
  }
  func.func @transform_2(%arg0: i32) -> (i32, i32) {
    %c0_i32 = arith.constant 0 : i32
    %c0_i32_0 = arith.constant 0 : i32
    %c0_i32_1 = arith.constant 0 : i32
    return %c0_i32, %c0_i32_0 : i32, i32
  }
  func.func @transform_3(%arg0: i32) -> (i32, i32) {
    %c0_i32 = arith.constant 0 : i32
    %c0_i32_0 = arith.constant 0 : i32
    return %arg0, %c0_i32 : i32, i32
  }
  func.func @transform_4(%arg0: i32) -> (i32, i32) {
    %c0_i32 = arith.constant 0 : i32
    %c0_i32_0 = arith.constant 0 : i32
    return %arg0, %c0_i32 : i32, i32
  }
}

module attributes {stable_mosaic.version = 14 : i64} {
  func.func @_mid_body(%arg0: i32, %arg1: memref<2x1000x128xf32, #tpu.memory_space<vmem>>, %arg2: memref<1000x128xf32, #tpu.memory_space<vmem>>, %arg3: memref<1000x8xf32, #tpu.memory_space<vmem>>, %arg4: memref<128x128xf32, #tpu.memory_space<vmem>>, %arg5: memref<1x128xf32, #tpu.memory_space<vmem>>, %arg6: memref<1000x128xf32, #tpu.memory_space<vmem>>) attributes {dimension_semantics = [#tpu.dimension_semantics<arbitrary>], iteration_bounds = array<i64: 10>, scalar_prefetch = 0 : i64, scratch_operands = 0 : i64, tpu.core_type = #tpu.core_type<tc>, window_params = [{transform_indices = @transform_0, window_bounds = array<i64: 2, 1000, 128>}, {transform_indices = @transform_1, window_bounds = array<i64: 1000, 128>}, {transform_indices = @transform_2, window_bounds = array<i64: 1000, 8>}, {pipeline_mode = #tpu.pipeline_mode<synchronous>, transform_indices = @transform_3, window_bounds = array<i64: 128, 128>}, {pipeline_mode = #tpu.pipeline_mode<synchronous>, transform_indices = @transform_4, window_bounds = array<i64: 1, 128>}, {transform_indices = @transform_5, window_bounds = array<i64: 1000, 128>}]} {
    %get3A = arith.constant 0 : index
    %get3A_0 = arith.constant 0 : index
    %get3A_1 = arith.constant 0 : index
    %get3A_2 = vector.load %arg1[%get3A, %get3A_0, %get3A_1] : memref<2x1000x128xf32, #tpu.memory_space<vmem>>, vector<1x1000x128xf32>
    %get3A_3 = vector.shape_cast %get3A_2 : vector<1x1000x128xf32> to vector<1000x128xf32>
    %get3A_4 = arith.constant 1 : index
    %get3A_5 = arith.constant 0 : index
    %get3A_6 = arith.constant 0 : index
    %get3A_7 = vector.load %arg1[%get3A_4, %get3A_5, %get3A_6] : memref<2x1000x128xf32, #tpu.memory_space<vmem>>, vector<1x1000x128xf32>
    %get3A_8 = vector.shape_cast %get3A_7 : vector<1x1000x128xf32> to vector<1000x128xf32>
    %add3A = arith.addf %get3A_3, %get3A_8 : vector<1000x128xf32>
    %get3A_9 = arith.constant 0 : index
    %get3A_10 = arith.constant 0 : index
    %get3A_11 = vector.load %arg2[%get3A_9, %get3A_10] : memref<1000x128xf32, #tpu.memory_space<vmem>>, vector<1000x128xf32>
    %sub3A = arith.subf %add3A, %get3A_11 : vector<1000x128xf32>
    %get3A_12 = arith.constant 0 : index
    %get3A_13 = arith.constant 0 : index
    %get3A_14 = vector.load %arg3[%get3A_12, %get3A_13] : memref<1000x8xf32, #tpu.memory_space<vmem>>, vector<1000x1xf32>
    %mul3A = vector.broadcast %get3A_14 : vector<1000x1xf32> to vector<1000x128xf32>
    %mul3A_15 = arith.mulf %mul3A, %sub3A : vector<1000x128xf32>
    %get3A_16 = arith.constant 0 : index
    %get3A_17 = arith.constant 0 : index
    %get3A_18 = vector.load %arg5[%get3A_16, %get3A_17] : memref<1x128xf32, #tpu.memory_space<vmem>>, vector<1x128xf32>
    %add3A_19 = vector.broadcast %get3A_18 : vector<1x128xf32> to vector<1000x128xf32>
    %add3A_20 = arith.addf %mul3A_15, %add3A_19 : vector<1000x128xf32>
    %get3A_21 = arith.constant 0 : index
    %get3A_22 = arith.constant 0 : index
    %get3A_23 = vector.load %arg4[%get3A_21, %get3A_22] : memref<128x128xf32, #tpu.memory_space<vmem>>, vector<128x128xf32>
    %dot_general3A = arith.constant dense<0.000000e+00> : vector<1000x128xf32>
    %dot_general3A_24 = tpu.matmul %add3A_20, %get3A_23, %dot_general3A {dimension_numbers = #tpu.dot_dimension_numbers<[1], [0], [0], [1], [0, 0, 1, 1], [], []>, transpose_lhs_hint = false} : vector<1000x128xf32>, vector<128x128xf32>, vector<1000x128xf32> -> vector<1000x128xf32>
    %mul3A_25 = vector.broadcast %get3A_14 : vector<1000x1xf32> to vector<1000x128xf32>
    %mul3A_26 = arith.mulf %mul3A_25, %dot_general3A_24 : vector<1000x128xf32>
    %swap3A = arith.constant 0 : index
    %swap3A_27 = arith.constant 0 : index
    %swap3A_28 = vector.load %arg6[%swap3A, %swap3A_27] : memref<1000x128xf32, #tpu.memory_space<vmem>>, vector<1000x128xf32>
    tpu.vector_store %arg6[%swap3A, %swap3A_27], %mul3A_26 {strides = array<i32>} : memref<1000x128xf32, #tpu.memory_space<vmem>>, vector<1000x128xf32>,
    return
  }
  func.func @transform_0(%arg0: i32) -> (i32, i32, i32) {
    %c0_i32 = arith.constant 0 : i32
    %c0_i32_0 = arith.constant 0 : i32
    %c0_i32_1 = arith.constant 0 : i32
    return %c0_i32, %arg0, %c0_i32_0 : i32, i32, i32
  }
  func.func @transform_1(%arg0: i32) -> (i32, i32) {
    %c0_i32 = arith.constant 0 : i32
    %c0_i32_0 = arith.constant 0 : i32
    return %arg0, %c0_i32 : i32, i32
  }
  func.func @transform_2(%arg0: i32) -> (i32, i32) {
    %c0_i32 = arith.constant 0 : i32
    %c0_i32_0 = arith.constant 0 : i32
    return %arg0, %c0_i32 : i32, i32
  }
  func.func @transform_3(%arg0: i32) -> (i32, i32) {
    %c0_i32 = arith.constant 0 : i32
    %c0_i32_0 = arith.constant 0 : i32
    %c0_i32_1 = arith.constant 0 : i32
    return %c0_i32, %c0_i32_0 : i32, i32
  }
  func.func @transform_4(%arg0: i32) -> (i32, i32) {
    %c0_i32 = arith.constant 0 : i32
    %c0_i32_0 = arith.constant 0 : i32
    %c0_i32_1 = arith.constant 0 : i32
    return %c0_i32, %c0_i32_0 : i32, i32
  }
  func.func @transform_5(%arg0: i32) -> (i32, i32) {
    %c0_i32 = arith.constant 0 : i32
    %c0_i32_0 = arith.constant 0 : i32
    return %arg0, %c0_i32 : i32, i32
  }
}

module attributes {stable_mosaic.version = 14 : i64} {
  func.func @_fin_body(%arg0: i32, %arg1: memref<2x1000x128xf32, #tpu.memory_space<vmem>>, %arg2: memref<1000x128xf32, #tpu.memory_space<vmem>>, %arg3: memref<1000x8xf32, #tpu.memory_space<vmem>>, %arg4: memref<1x128xf32, #tpu.memory_space<vmem>>, %arg5: memref<128x128xf32, #tpu.memory_space<vmem>>, %arg6: memref<1x128xf32, #tpu.memory_space<vmem>>, %arg7: memref<128x2xf32, #tpu.memory_space<vmem>>, %arg8: memref<1x2xf32, #tpu.memory_space<vmem>>, %arg9: memref<1000x2xf32, #tpu.memory_space<vmem>>) attributes {dimension_semantics = [#tpu.dimension_semantics<arbitrary>], iteration_bounds = array<i64: 10>, scalar_prefetch = 0 : i64, scratch_operands = 0 : i64, tpu.core_type = #tpu.core_type<tc>, window_params = [{transform_indices = @transform_0, window_bounds = array<i64: 2, 1000, 128>}, {transform_indices = @transform_1, window_bounds = array<i64: 1000, 128>}, {transform_indices = @transform_2, window_bounds = array<i64: 1000, 8>}, {pipeline_mode = #tpu.pipeline_mode<synchronous>, transform_indices = @transform_3, window_bounds = array<i64: 1, 128>}, {pipeline_mode = #tpu.pipeline_mode<synchronous>, transform_indices = @transform_4, window_bounds = array<i64: 128, 128>}, {pipeline_mode = #tpu.pipeline_mode<synchronous>, transform_indices = @transform_5, window_bounds = array<i64: 1, 128>}, {pipeline_mode = #tpu.pipeline_mode<synchronous>, transform_indices = @transform_6, window_bounds = array<i64: 128, 2>}, {pipeline_mode = #tpu.pipeline_mode<synchronous>, transform_indices = @transform_7, window_bounds = array<i64: 1, 2>}, {transform_indices = @transform_8, window_bounds = array<i64: 1000, 2>}]} {
    %get3A = arith.constant 0 : index
    %get3A_0 = arith.constant 0 : index
    %get3A_1 = arith.constant 0 : index
    %get3A_2 = vector.load %arg1[%get3A, %get3A_0, %get3A_1] : memref<2x1000x128xf32, #tpu.memory_space<vmem>>, vector<1x1000x128xf32>
    %get3A_3 = vector.shape_cast %get3A_2 : vector<1x1000x128xf32> to vector<1000x128xf32>
    %get3A_4 = arith.constant 1 : index
    %get3A_5 = arith.constant 0 : index
    %get3A_6 = arith.constant 0 : index
    %get3A_7 = vector.load %arg1[%get3A_4, %get3A_5, %get3A_6] : memref<2x1000x128xf32, #tpu.memory_space<vmem>>, vector<1x1000x128xf32>
    %get3A_8 = vector.shape_cast %get3A_7 : vector<1x1000x128xf32> to vector<1000x128xf32>
    %add3A = arith.addf %get3A_3, %get3A_8 : vector<1000x128xf32>
    %get3A_9 = arith.constant 0 : index
    %get3A_10 = arith.constant 0 : index
    %get3A_11 = vector.load %arg2[%get3A_9, %get3A_10] : memref<1000x128xf32, #tpu.memory_space<vmem>>, vector<1000x128xf32>
    %sub3A = arith.subf %add3A, %get3A_11 : vector<1000x128xf32>
    %get3A_12 = arith.constant 0 : index
    %get3A_13 = arith.constant 0 : index
    %get3A_14 = vector.load %arg3[%get3A_12, %get3A_13] : memref<1000x8xf32, #tpu.memory_space<vmem>>, vector<1000x1xf32>
    %mul3A = vector.broadcast %get3A_14 : vector<1000x1xf32> to vector<1000x128xf32>
    %mul3A_15 = arith.mulf %mul3A, %sub3A : vector<1000x128xf32>
    %get3A_16 = arith.constant 0 : index
    %get3A_17 = arith.constant 0 : index
    %get3A_18 = vector.load %arg4[%get3A_16, %get3A_17] : memref<1x128xf32, #tpu.memory_space<vmem>>, vector<1x128xf32>
    %add3A_19 = vector.broadcast %get3A_18 : vector<1x128xf32> to vector<1000x128xf32>
    %add3A_20 = arith.addf %mul3A_15, %add3A_19 : vector<1000x128xf32>
    %get3A_21 = arith.constant 0 : index
    %get3A_22 = arith.constant 0 : index
    %get3A_23 = vector.load %arg5[%get3A_21, %get3A_22] : memref<128x128xf32, #tpu.memory_space<vmem>>, vector<128x128xf32>
    %dot_general3A = arith.constant dense<0.000000e+00> : vector<1000x128xf32>
    %dot_general3A_24 = tpu.matmul %add3A_20, %get3A_23, %dot_general3A {dimension_numbers = #tpu.dot_dimension_numbers<[1], [0], [0], [1], [0, 0, 1, 1], [], []>, transpose_lhs_hint = false} : vector<1000x128xf32>, vector<128x128xf32>, vector<1000x128xf32> -> vector<1000x128xf32>
    %get3A_25 = arith.constant 0 : index
    %get3A_26 = arith.constant 0 : index
    %get3A_27 = vector.load %arg6[%get3A_25, %get3A_26] : memref<1x128xf32, #tpu.memory_space<vmem>>, vector<1x128xf32>
    %add3A_28 = vector.broadcast %get3A_27 : vector<1x128xf32> to vector<1000x128xf32>
    %add3A_29 = arith.addf %dot_general3A_24, %add3A_28 : vector<1000x128xf32>
    %gt3A = arith.constant 0.000000e+00 : f32
    %gt3A_30 = vector.broadcast %gt3A : f32 to vector<1000x128xf32>
    %gt3A_31 = arith.cmpf ogt, %add3A_29, %gt3A_30 : vector<1000x128xf32>
    %mul3A_32 = arith.constant 0.00999999977 : f32
    %mul3A_33 = vector.broadcast %mul3A_32 : f32 to vector<1000x128xf32>
    %mul3A_34 = arith.mulf %mul3A_33, %add3A_29 : vector<1000x128xf32>
    %select_n3A = arith.select %gt3A_31, %add3A_29, %mul3A_34 : vector<1000x128xi1>, vector<1000x128xf32>
    %get3A_35 = arith.constant 0 : index
    %get3A_36 = arith.constant 0 : index
    %get3A_37 = vector.load %arg7[%get3A_35, %get3A_36] : memref<128x2xf32, #tpu.memory_space<vmem>>, vector<128x2xf32>
    %dot_general3A_38 = arith.constant dense<0.000000e+00> : vector<1000x2xf32>
    %dot_general3A_39 = tpu.matmul %select_n3A, %get3A_37, %dot_general3A_38 {dimension_numbers = #tpu.dot_dimension_numbers<[1], [0], [0], [1], [0, 0, 1, 1], [], []>, transpose_lhs_hint = false} : vector<1000x128xf32>, vector<128x2xf32>, vector<1000x2xf32> -> vector<1000x2xf32>
    %get3A_40 = arith.constant 0 : index
    %get3A_41 = arith.constant 0 : index
    %get3A_42 = vector.load %arg8[%get3A_40, %get3A_41] : memref<1x2xf32, #tpu.memory_space<vmem>>, vector<1x2xf32>
    %add3A_43 = vector.broadcast %get3A_42 : vector<1x2xf32> to vector<1000x2xf32>
    %add3A_44 = arith.addf %dot_general3A_39, %add3A_43 : vector<1000x2xf32>
    %swap3A = arith.constant 0 : index
    %swap3A_45 = arith.constant 0 : index
    %swap3A_46 = vector.load %arg9[%swap3A, %swap3A_45] : memref<1000x2xf32, #tpu.memory_space<vmem>>, vector<1000x2xf32>
    tpu.vector_store %arg9[%swap3A, %swap3A_45], %add3A_44 {strides = array<i32>} : memref<1000x2xf32, #tpu.memory_space<vmem>>, vector<1000x2xf32>,
    return
  }
  func.func @transform_0(%arg0: i32) -> (i32, i32, i32) {
    %c0_i32 = arith.constant 0 : i32
    %c0_i32_0 = arith.constant 0 : i32
    %c0_i32_1 = arith.constant 0 : i32
    return %c0_i32, %arg0, %c0_i32_0 : i32, i32, i32
  }
  func.func @transform_1(%arg0: i32) -> (i32, i32) {
    %c0_i32 = arith.constant 0 : i32
    %c0_i32_0 = arith.constant 0 : i32
    return %arg0, %c0_i32 : i32, i32
  }
  func.func @transform_2(%arg0: i32) -> (i32, i32) {
    %c0_i32 = arith.constant 0 : i32
    %c0_i32_0 = arith.constant 0 : i32
    return %arg0, %c0_i32 : i32, i32
  }
  func.func @transform_3(%arg0: i32) -> (i32, i32) {
    %c0_i32 = arith.constant 0 : i32
    %c0_i32_0 = arith.constant 0 : i32
    %c0_i32_1 = arith.constant 0 : i32
    return %c0_i32, %c0_i32_0 : i32, i32
  }
  func.func @transform_4(%arg0: i32) -> (i32, i32) {
    %c0_i32 = arith.constant 0 : i32
    %c0_i32_0 = arith.constant 0 : i32
    %c0_i32_1 = arith.constant 0 : i32
    return %c0_i32, %c0_i32_0 : i32, i32
  }
  func.func @transform_5(%arg0: i32) -> (i32, i32) {
    %c0_i32 = arith.constant 0 : i32
    %c0_i32_0 = arith.constant 0 : i32
    %c0_i32_1 = arith.constant 0 : i32
    return %c0_i32, %c0_i32_0 : i32, i32
  }
  func.func @transform_6(%arg0: i32) -> (i32, i32) {
    %c0_i32 = arith.constant 0 : i32
    %c0_i32_0 = arith.constant 0 : i32
    %c0_i32_1 = arith.constant 0 : i32
    return %c0_i32, %c0_i32_0 : i32, i32
  }
  func.func @transform_7(%arg0: i32) -> (i32, i32) {
    %c0_i32 = arith.constant 0 : i32
    %c0_i32_0 = arith.constant 0 : i32
    %c0_i32_1 = arith.constant 0 : i32
    return %c0_i32, %c0_i32_0 : i32, i32
  }
  func.func @transform_8(%arg0: i32) -> (i32, i32) {
    %c0_i32 = arith.constant 0 : i32
    %c0_i32_0 = arith.constant 0 : i32
    return %arg0, %c0_i32 : i32, i32
  }
}

</mosaic_0001>

<sc_bundles>
// kernel: kernel.12.cloned.1.call-start
scs
__scs_entry_jumppad:
0x0: {  	(pc) =	sbr.rel $0x88, $3  }
0x1: {  	(tag) =	ssettag $0x0;
	lr =	simm.s32 $0x1  }
0x2: {  	[smem:$0x3F87] =	sst lr;
	_ =	strace $0xD0000000  }
0x3: {  	_ = 	snop  }
0x4: {  	_ = 	snop  }
0x5: {  	_ = 	snop  }
0x6: {  	_ = 	snop  }
0x7: {  	_ = 	snop  }
__scs_overlays_trampoline_lowered:
0x8: {  	[smem:$0x3F96] =	sst s0  }
0x9: {  	[smem:$0x3F97] =	sst s1  }
0xa: {  	[smem:$0x3F98] =	sst s2  }
0xb: {  	[smem:$0x3F99] =	sst s3  }
0xc: {  	[smem:$0x3F9A] =	sst s4  }
0xd: {  	[smem:$0x3F9B] =	sst s5  }
0xe: {  	[smem:$0x3F9C] =	sst s6  }
0xf: {  	[smem:$0x3F9D] =	sst s7  }
0x10: {  	[smem:$0x3F9E] =	sst s8  }
0x11: {  	[smem:$0x3F9F] =	sst s9;
	s0 =	simm.s32 @!p0 $0x0  }
0x12: {  	s1 =	sld [smem:$0x3F85];
	s0 =	simm.s32 @p0 $0x1  }
0x13: {  	[smem:$0x3FA0] =	sst s0;
	s0 =	simm.s32 @!p1 $0x0  }
0x14: {  	s2 =	sld [smem:$0x3F84];
	s0 =	simm.s32 @p1 $0x1  }
0x15: {  	[smem:$0x3FA1] =	sst s0;
	s0 =	simm.s32 @!p2 $0x0  }
0x16: {  	s3 =	sld [smem:$0x3FDB];
	s0 =	simm.s32 @p2 $0x1  }
0x17: {  	s4 =	simm.s32 $0x1BF5;
	[smem:$0x3FA3] =	sst s0  }
0x18: {  	s0 =	sld [smem:$0x3F86];
	_ =	swait.ge [sflag:s4], $0x0  }
0x19: {  	s7 =	sld [smem:$0x3F87]  }
0x1a: {  	s8 =	sadd.s32 $0xFFFFE003, lr  }
0x1b: {  	s9 =	sadd.s32 $0xFFFFFEF7, lr;
	s5 =	simm.s32 $0xFFFFFFFF;
	p2 =	slt.u32 s8, $0xFFFFF086  }
0x1c: {  	p1 =	slt.u32 s9, $0xF7A;
	s5 =	simm.s32 @!p2 $0x0  }
0x1d: {  	s5 =	simm.s32 @p1 $0x1;
	p0 =	seq.s32 s7, s2  }
0x1e: {  	s7 =	smul.u32 @!p0 $0xF7A, s2;
	p2 =	seq.s32 @!p0 s5, $0x0  }
0x1f: {  	s9 =	smul.u32 $0xF7A, s1;
	s8 =	simm.s32 @!p0 $0x1BF5;
	p2 =	por !p2, p0  }
0x20: {  	[sflag:s8] =	ssyncset.s32 @!p0 $0xFFFFF086;
	s6 =	sadd.s32 @!p0 s3, s7;
	s7 =	simm.s32 @!p0 $0x108  }
0x21: {  	s3 =	sadd.s32 s3, s9;
	s6 =	sadd.s32 @!p0 $0x88, s6;
	s7 =	simm.s32 @p2 $0x1082  }
0x22: {  	[simem:s7], [sflag:s8] =	dma.local @!p0 [hbm:s6], $0xF7A  }
0x23: {  	s9 =	sor.u32 $0xD0000000, s2;
	s6 =	simm.s32 $0x108;
	_ =	swait.ge @!p0 [sflag:s8], $0x0  }
0x24: {  	s3 =	sadd.s32 $0x88, s3;
	s6 =	simm.s32 @!p1 $0x1082;
	[sflag:s4] =	ssyncset.s32 $0xFFFFF086  }
0x25: {  	[simem:s6], [sflag:s4] =	dma.local [hbm:s3], $0xF7A  }
0x26: {  	[smem:$0x3F87] =	sst s1;
	(tag) =	ssettag s2;
	_ =	strace s9  }
0x27: {  	s1 =	sld [smem:$0x3F97]  }
0x28: {  	s2 =	sld [smem:$0x3F98]  }
0x29: {  	s4 =	sld [smem:$0x3F9A]  }
0x2a: {  	p0 =	seq.s32 s5, $0x0;
	s5 =	sld [smem:$0x3F9B]  }
0x2b: {  	s6 =	sld [smem:$0x3F9C]  }
0x2c: {  	s7 =	sld [smem:$0x3F9D]  }
0x2d: {  	s3 =	simm.s32 $0x108;
	s8 =	sld [smem:$0x3F9E]  }
0x2e: {  	s3 =	simm.s32 @!p0 $0x1082;
	s9 =	sld [smem:$0x3F9F]  }
0x2f: {  	lr =	sadd.s32 s0, s3;
	s0 =	sld [smem:$0x3F96]  }
0x30: {  	s3 =	sld [smem:$0x3F99]  }
0x31: {  	[smem:$0x3FA2] =	sst s10  }
0x32: {  	s10 =	sld [smem:$0x3FA0];
	_ =	sdelay $0x3  }
0x33: {  	p0 =	seq.s32 s10, $0x1;
	s10 =	sld [smem:$0x3FA2];
	_ =	sdelay $0x3  }
0x34: {  	[smem:$0x3FA2] =	sst s10  }
0x35: {  	s10 =	sld [smem:$0x3FA1];
	_ =	sdelay $0x3  }
0x36: {  	p1 =	seq.s32 s10, $0x1;
	s10 =	sld [smem:$0x3FA2];
	_ =	sdelay $0x3  }
0x37: {  	[smem:$0x3FA2] =	sst s10  }
0x38: {  	s10 =	sld [smem:$0x3FA3]  }
0x39: {  	_ = 	snop;
	(pc) =	sbr.ind lr, $3  }
0x3a: {  	_ = 	snop  }
0x3b: {  	_ = 	snop  }
0x3c: {  	p2 =	seq.s32 s10, $0x1;
	s10 =	sld [smem:$0x3FA2]  }
0x3d: {  	_ =	shalt  }
0x3e: {  	_ =	shalt  }
0x3f: {  	_ =	shalt  }
0x40: {  	_ =	shalt  }
0x41: {  	_ =	shalt  }
0x42: {  	_ =	shalt  }
0x43: {  	_ =	shalt  }
0x44: {  	_ =	shalt  }
0x45: {  	_ =	shalt  }
0x46: {  	_ =	shalt  }
0x47: {  	_ =	shalt  }
0x48: {  	_ =	shalt  }
0x49: {  	_ =	shalt  }
0x4a: {  	_ =	shalt  }
0x4b: {  	_ =	shalt  }
0x4c: {  	_ =	shalt  }
0x4d: {  	_ =	shalt  }
0x4e: {  	_ =	shalt  }
0x4f: {  	_ =	shalt  }
0x50: {  	_ =	shalt  }
0x51: {  	_ =	shalt  }
0x52: {  	_ =	shalt  }
0x53: {  	_ =	shalt  }
0x54: {  	_ =	shalt  }
0x55: {  	_ =	shalt  }
0x56: {  	_ =	shalt  }
0x57: {  	_ =	shalt  }
0x58: {  	_ =	shalt  }
0x59: {  	_ =	shalt  }
0x5a: {  	_ =	shalt  }
0x5b: {  	_ =	shalt  }
0x5c: {  	_ =	shalt  }
0x5d: {  	_ =	shalt  }
0x5e: {  	_ =	shalt  }
0x5f: {  	_ =	shalt  }
0x60: {  	_ =	shalt  }
0x61: {  	_ =	shalt  }
0x62: {  	_ =	shalt  }
0x63: {  	_ =	shalt  }
0x64: {  	_ =	shalt  }
0x65: {  	_ =	shalt  }
0x66: {  	_ =	shalt  }
0x67: {  	_ =	shalt  }
0x68: {  	_ =	shalt  }
0x69: {  	_ =	shalt  }
0x6a: {  	_ =	shalt  }
0x6b: {  	_ =	shalt  }
0x6c: {  	_ =	shalt  }
0x6d: {  	_ =	shalt  }
0x6e: {  	_ =	shalt  }
0x6f: {  	_ =	shalt  }
0x70: {  	_ =	shalt  }
0x71: {  	_ =	shalt  }
0x72: {  	_ =	shalt  }
0x73: {  	_ =	shalt  }
0x74: {  	_ =	shalt  }
0x75: {  	_ =	shalt  }
0x76: {  	_ =	shalt  }
0x77: {  	_ =	shalt  }
0x78: {  	_ =	shalt  }
0x79: {  	_ =	shalt  }
0x7a: {  	_ =	shalt  }
0x7b: {  	_ =	shalt  }
0x7c: {  	_ =	shalt  }
0x7d: {  	_ =	shalt  }
0x7e: {  	_ =	shalt  }
0x7f: {  	_ =	shalt  }
0x80: {  	_ =	shalt  }
0x81: {  	_ =	shalt  }
0x82: {  	_ =	shalt  }
0x83: {  	_ =	shalt  }
0x84: {  	_ =	shalt  }
0x85: {  	_ =	shalt  }
0x86: {  	_ =	shalt  }
0x87: {  	_ =	shalt  }
.Lfunc_end0:
.L_simem_size_0:
called_computation.1_lowered:
.L_overlay_start_0:
0x88: {  	s2 =	sld [smem:$0x3FD9]  }
0x89: {  	s3 =	sld [smem:$0x3FFE];
	_ =	sdelay $0x1  }
0x8a: {  	s1 =	srdreg.scid  }
0x8b: {  	s0 =	sand.u32 $0x1, s1  }
0x8c: {  	s16 =	sshll.u32 s0, $0xA;
	s2 =	sadd.s32 s3, s2  }
0x8d: {  	s2 =	sadd.s32 s2, s16  }
0x8e: {  	[smem:$0x3FAE] =	sst s2  }
0x8f: {  	_ = 	snop  }
0x90: {  	(tm) =	ssettm $0x1  }
0x91: {  	s17 =	sld [smem:$0x3FFB];
	_ =	sdelay $0x3  }
0x92: {  	_ =	strace s17  }
0x93: {  	s2 =	sld [smem:$0x3FFC];
	_ =	sdelay $0x3  }
0x94: {  	_ =	strace s2  }
0x95: {  	s2 =	sld [smem:$0x3FFD];
	_ =	sdelay $0x3  }
0x96: {  	_ =	strace s2  }
0x97: {  	_ =	strace $0x8FFFFFFF  }
0x98: {  	s18 =	sld [smem:$0x3FDB];
	_ =	sdelay $0x1  }
0x99: {  	s19 =	simm.s32 $_scs_section_size  }
0x9a: {  	s4 =	simm.s32 $_size__tile_overlayer_lowered;
	s5 =	simm.s32 $_tile_overlayer_lowered  }
0x9b: {  	s22 =	simm.s32 $0x1BFF;
	s21 =	sshll.u32 s5, $0x1;
	s2 =	sadd.s32 s19, s18  }
0x9c: {  	s6 =	simm.s32 $0x0;
	s20 =	sshll.u32 s4, $0x1;
	s4 =	sadd.s32 s21, s2  }
0x9d: {  	[timem:s6], [sflag:s22] =	dma.local [hbm:s4], s20  }
0x9e: {  	_ =	swait.ge [sflag:s22], s20  }
0x9f: {  	s3 =	ssub.s32 $0x0, s20;
	[sflag:s22] =	ssyncset.done $0x0  }
0xa0: {  	[sflag:s22] =	ssyncadd.s32 s3;
	_ =	sdelay $0x1  }
0xa1: {  	s23 =	simm.s32 $0x1B8B  }
0xa2: {  	_ =	swait.ge [sflag:s23], $0x1  }
0xa3: {  	[sflag:s23] =	ssyncset.done $0x0  }
0xa4: {  	s25 =	simm.s32 $0x1B8E;
	s24 =	sld [smem:$0x3FFE];
	[sflag:s23] =	ssyncadd.s32 $0xFFFFFFFF  }
0xa5: {  	s26 =	simm.s32 $execute0_lowered;
	[smem:$0x3FD2] =	sst s25  }
0xa6: {  	s4 =	sshll.u32 s26, $0x1;
	_ =	strace $0x80000049;
	[dreg:$0x1] =	wrdreg $0xFFFFFFFF  }
0xa7: {  	s28 =	simm.s32 $_size_execute0_lowered;
	s2 =	sadd.s32 s2, s4;
	[dreg:$0x0] =	wrdreg $0x0  }
0xa8: {  	s4 =	sshll.u32 s28, $0x1;
	[dreg:$0x2] =	wrdreg s2  }
0xa9: {  	[dreg:$0x3] =	wrdreg s4  }
0xaa: {  	[dreg:$0x4] =	wrdreg $0xC0  }
0xab: {  	_ =	task [dreg:s6], $0x5FFFF  }
0xac: {  	[dreg:$0x1] =	wrdreg $0xFFFFFFFF  }
0xad: {  	[dreg:$0x0] =	wrdreg $0x60  }
0xae: {  	[dreg:$0x2] =	wrdreg s24  }
0xaf: {  	[dreg:$0x3] =	wrdreg $0xA8800  }
0xb0: {  	[dreg:$0x4] =	wrdreg $0x9  }
0xb1: {  	_ =	task.clear_ibuf [dreg:s6], $0x5FFFF;
	_ =	strace $0x90000049  }
0xb2: {  	s29 =	simm.s32 $0x9;
	_ =	strace $0x8000004B  }
0xb3: {  	_ =	swait.ge [sflag:s29], $0x1  }
0xb4: {  	[sflag:s29] =	ssyncadd.s32 $0xFFFFFFFF  }
0xb5: {  	_ =	strace $0x9000004B  }
0xb6: {  	_ =	sfence  }
0xb7: {  	s30 =	sld [smem:$0x0];
	_ =	sdelay $0x2  }
0xb8: {  	s31 =	sshll.u32 s1, $0xD;
	s1 =	sshrl.u32 s1, $0x2  }
0xb9: {  	s3 =	sand.u32 $0x4000, s31;
	s1 =	sadd.s32 s1, s30  }
0xba: {  	s0 =	sor.u32 s3, s0;
	s1 =	sshll.u32 s1, $0x11  }
0xbb: {  	s0 =	sor.u32 s1, s0  }
0xbc: {  	s0 =	sadd.s32 $0x8F2B, s0  }
0xbd: {  	[sflag:s0] =	ssyncadd.remote.s32 $0x1  }
0xbe: {  	_ =	sfence.sel $0xFFFF  }
0xbf: {  	[dreg:$0x0] =	wrdreg $0xFFFFFFFF;
	(pc) =	sbr.abs _section_cstart, $3  }
0xc0: {  	[dreg:$0x1] =	wrdreg $0xFFFFFFFF  }
0xc1: {  	_ =	task.clear_ibuf [dreg:s6], $0x2FFFF;
	_ =	strace $0x9FFFFFFF  }
0xc2: {  	(tm) =	ssettm $0x7FFFFFFF  }
0xc3: {  	_ =	shalt  }
tec
execute0_lowered:
.L_overlay_start_1:
0x0: {  	(tag) =	ssettag $0x1  }
0x1: {  	s5 =	rddreg [dreg:$0x0];
	s0 =	srdreg.scid  }
0x2: {  	s21 =	stileid.u32;
	s2 =	rddreg [dreg:$0x1]  }
0x3: {  	s3 =	simm.s32 $0x0;
	s7 =	sand.u32 $0x1, s0;
	s31 =	smul.u32 $0x2800, s21  }
0x4: {  	s30 =	simm.s32 $0x0;
	s13 =	sor.u32 $0x10, s21;
	s12 =	smul.u32 $0x138800, s7  }
0x5: {  	s29 =	sshll.u32 s21, $0x1;
	s14 =	sor.u32 $0x20, s21;
	s18 =	smul.u32 $0x2800, s13  }
0x6: {  	s9 =	sadd.s32 $0x65800, s5;
	s15 =	sor.u32 $0x30, s21;
	s19 =	smul.u32 $0x2800, s14  }
0x7: {  	s6 =	sor.u32 $0x40, s21;
	s16 =	sor.u32 $0x70, s21;
	s22 =	smul.u32 $0x2800, s15  }
0x8: {  	s0 =	sor.u32 s7, s29;
	s1 =	ssub.s32 $0x2, s7;
	s7 =	smul.u32 $0x2780, s7  }
0x9: {  	[smem:$0x7FF] =	sst s3;
	s8 =	smul.u32 $0x4F0, s0;
	s4 =	sshrl.u32 s1, $0x1  }
0xa: {  	s10 =	smul.u32 $0x2780, s0;
	s0 =	smin.u32 s16, $0x7C;
	s11 =	ssub.s32 s1, s4  }
0xb: {  	s4 =	sor.u32 $0x50, s21;
	s1 =	sor.u32 $0x60, s21;
	s17 =	sadd.s32 s12, s31  }
0xc: {  	s20 =	sadd.s32 s12, s18;
	s18 =	sadd.s32 s12, s22;
	s31 =	smul.u32 $0x2800, s0  }
0xd: {  	s22 =	smul.u32 $0x4F00, s21;
	s17 =	sshrl.u32 s17, $0x3;
	s24 =	sshrl.u32 s18, $0x3  }
0xe: {  	s29 =	smul.u32 $0x2800, s1;
	s8 =	sadd.s32 s8, s5;
	s16 =	sadd.s32 s9, s17  }
0xf: {  	s17 =	sadd.s32 s12, s19;
	s19 =	smul.u32 $0x2800, s6;
	s7 =	sadd.s32 s7, s22  }
0x10: {  	s8 =	sadd.s32 $0x5BA00, s8;
	[dreg:$0x3] =	wrdreg s16;
	s16 =	sshrl.u32 s20, $0x3  }
0x11: {  	s17 =	sshrl.u32 s17, $0x3;
	s20 =	smul.u32 $0x2800, s4;
	s16 =	sadd.s32 s9, s16  }
0x12: {  	s23 =	sadd.s32 s9, s17;
	s25 =	sadd.s32 s12, s19;
	s19 =	sadd.s32 s12, s29  }
0x13: {  	s29 =	sshrl.u32 s10, $0x3;
	s10 =	simm.s32 $0xA780;
	[dreg:$0x4] =	wrdreg s16  }
0x14: {  	[dreg:$0x5] =	wrdreg s23;
	s26 =	sadd.s32 s12, s20;
	s23 =	smul.u32 $0xA000, s21  }
0x15: {  	s17 =	sshrl.u32 s25, $0x3;
	s16 =	sadd.s32 s9, s24;
	s24 =	smul.u32 $0x500, s13  }
0x16: {  	s12 =	sadd.s32 s12, s31;
	s25 =	smul.u32 $0xA000, s13;
	s13 =	sadd.s32 $0x3400, s5  }
0x17: {  	s31 =	smul.u32 $0xA000, s14;
	s18 =	sshrl.u32 s26, $0x3;
	[dreg:$0x6] =	wrdreg s16  }
0x18: {  	s17 =	sadd.s32 s9, s17;
	s16 =	sshrl.u32 s19, $0x3;
	s26 =	smul.u32 $0x500, s14  }
0x19: {  	s12 =	sshrl.u32 s12, $0x3;
	s22 =	sshrl.u32 s25, $0x2;
	s25 =	smul.u32 $0x500, s6  }
0x1a: {  	s14 =	sadd.s32 s13, s29;
	s19 =	smax.u32 s11, $0x1;
	s6 =	smul.u32 $0xA000, s6  }
0x1b: {  	[dreg:$0x7] =	wrdreg s17;
	s18 =	sadd.s32 s9, s18;
	s17 =	smul.u32 $0x500, s1  }
0x1c: {  	s16 =	sadd.s32 s9, s16;
	s1 =	smul.u32 $0xA000, s1;
	[dreg:$0x8] =	wrdreg s18  }
0x1d: {  	s9 =	sadd.s32 s9, s12;
	[dreg:$0x9] =	wrdreg s16;
	s18 =	smul.u32 $0x500, s21  }
0x1e: {  	s12 =	sadd.s32 $0xD200, s5;
	[dreg:$0xa] =	wrdreg s9;
	s21 =	smul.u32 $0x500, s15  }
0x1f: {  	s9 =	sshrl.u32 s23, $0x2;
	s23 =	smul.u32 $0xA000, s15;
	s24 =	sadd.s32 s12, s24  }
0x20: {  	s5 =	sadd.s32 s12, s26;
	_ =	strace $0x8000004A;
	[dreg:$0xb] =	wrdreg s8  }
0x21: {  	s26 =	sshrl.u32 s31, $0x2;
	s31 =	smul.u32 $0x500, s4;
	[dreg:$0xd] =	wrdreg s19  }
0x22: {  	s16 =	sadd.s32 s22, s2;
	s4 =	smul.u32 $0xA000, s4;
	[dreg:$0xf] =	wrdreg s24  }
0x23: {  	s20 =	sadd.s32 s9, s2;
	[dreg:$0x10] =	wrdreg s5;
	s22 =	sadd.s32 s26, s2  }
0x24: {  	s11 =	sadd.s32 s12, s25;
	s15 =	sshrl.u32 s6, $0x2;
	s19 =	smul.u32 $0xA000, s0  }
0x25: {  	s6 =	sadd.s32 s12, s17;
	s1 =	sshrl.u32 s1, $0x2;
	s0 =	smul.u32 $0x500, s0  }
0x26: {  	s26 =	sadd.s32 $0x100, s7;
	[dreg:$0xc] =	wrdreg s14;
	s17 =	simm.s32 $0x6780  }
0x27: {  	s9 =	sadd.s32 s12, s18;
	s29 =	sshrl.u32 s23, $0x2;
	[dreg:$0x12] =	wrdreg s11  }
0x28: {  	s8 =	sadd.s32 s12, s21;
	s5 =	sadd.s32 s15, s2;
	[dreg:$0x14] =	wrdreg s6  }
0x29: {  	s4 =	sshrl.u32 s4, $0x2;
	s18 =	sadd.s32 s12, s31;
	[dreg:$0x18] =	wrdreg s26  }
0x2a: {  	s23 =	sadd.s32 $0x180, s7;
	s31 =	sadd.s32 $0x4E0, s14;
	[dreg:$0xe] =	wrdreg s9  }
0x2b: {  	s11 =	simm.s32 $0x80;
	s15 =	simm.s32 $0x4;
	[dreg:$0x11] =	wrdreg s8  }
0x2c: {  	s28 =	sadd.s32 s29, s2;
	[dreg:$0x13] =	wrdreg s18;
	s24 =	sadd.s32 s4, s2  }
0x2d: {  	s6 =	smov.u32 s5;
	s5 =	sadd.s32 s1, s2;
	s21 =	sshrl.u32 s19, $0x2  }
0x2e: {  	s0 =	sadd.s32 s12, s0;
	s25 =	sshrl.u32 s23, $0x3;
	s29 =	sadd.s32 $0x10, s14  }
0x2f: {  	[dreg:$0x1a] =	wrdreg s31;
	s8 =	simm.s32 $0x2780;
	s9 =	simm.s32 $0x7  }
0x30: {  	s14 =	simm.s32 $0xA800;
	s18 =	simm.s32 $0x1;
	[dreg:$0x16] =	wrdreg s0  }
0x31: {  	s19 =	simm.s32 $0x3;
	s23 =	simm.s32 $0x2;
	[dreg:$0x19] =	wrdreg s29  }
0x32: {  	s0 =	sadd.s32 s21, s2;
	s4 =	sadd.s32 s25, s13;
	[dreg:$0x15] =	wrdreg s6  }
0x33: {  	s21 =	simm.s32 $0x5;
	s25 =	simm.s32 $0x6;
	[dreg:$0x17] =	wrdreg s24  }
.LBB2_1:
0x34: {  	s1 =	rddreg [dreg:$0xe]  }
0x35: {  	[tilespmem:s8], [sflag:$0x7] =	stream.linear.gather [hbm4b:s1+s3], $0x2800, $0x38;
	[tilespmem:$0x1E140] =	vst v63  }
0x36: {  	_ =	swait.ge [sflag:s9], $0x2800  }
0x37: {  	[sflag:s9] =	ssyncset.done $0x0  }
0x38: {  	[sflag:s9] =	ssyncadd.s32 $0xFFFFD800  }
0x39: {  	[spmem:s20] =	stream.linear.scatter [tilespmem:s8], [sflag:$0x7], $0x2800, $0x38;
	[tilespmem:$0x1E140] =	vst v63  }
0x3a: {  	_ =	swait.ge [sflag:s9], $0x2800  }
0x3b: {  	[sflag:s9] =	ssyncset.done $0x0  }
0x3c: {  	s26 =	rddreg [dreg:$0xf];
	[sflag:s9] =	ssyncadd.s32 $0xFFFFD800  }
0x3d: {  	[tilespmem:s8], [sflag:$0x7] =	stream.linear.gather [hbm4b:s26+s3], $0x2800, $0x38;
	[tilespmem:$0x1E140] =	vst v63  }
0x3e: {  	_ =	swait.ge [sflag:s9], $0x2800  }
0x3f: {  	[sflag:s9] =	ssyncset.done $0x0  }
0x40: {  	[sflag:s9] =	ssyncadd.s32 $0xFFFFD800  }
0x41: {  	[spmem:s16] =	stream.linear.scatter [tilespmem:s8], [sflag:$0x7], $0x2800, $0x38;
	[tilespmem:$0x1E140] =	vst v63  }
0x42: {  	_ =	swait.ge [sflag:s9], $0x2800  }
0x43: {  	[sflag:s9] =	ssyncset.done $0x0  }
0x44: {  	s26 =	smov.u32 s16;
	s16 =	rddreg [dreg:$0x10];
	[sflag:s9] =	ssyncadd.s32 $0xFFFFD800  }
0x45: {  	[tilespmem:s8], [sflag:$0x7] =	stream.linear.gather [hbm4b:s16+s3], $0x2800, $0x38;
	[tilespmem:$0x1E140] =	vst v63  }
0x46: {  	_ =	swait.ge [sflag:s9], $0x2800  }
0x47: {  	[sflag:s9] =	ssyncset.done $0x0  }
0x48: {  	[sflag:s9] =	ssyncadd.s32 $0xFFFFD800  }
0x49: {  	[spmem:s22] =	stream.linear.scatter [tilespmem:s8], [sflag:$0x7], $0x2800, $0x38;
	[tilespmem:$0x1E140] =	vst v63  }
0x4a: {  	s7 =	smov.u32 s0;
	_ =	swait.ge [sflag:s9], $0x2800  }
0x4b: {  	s0 =	smov.u32 s5;
	s5 =	smov.u32 s24;
	[sflag:s9] =	ssyncset.done $0x0  }
0x4c: {  	s24 =	smov.u32 s20;
	s20 =	rddreg [dreg:$0x11];
	[sflag:s9] =	ssyncadd.s32 $0xFFFFD800  }
0x4d: {  	[tilespmem:s8], [sflag:$0x7] =	stream.linear.gather [hbm4b:s20+s3], $0x2800, $0x38;
	[tilespmem:$0x1E140] =	vst v63  }
0x4e: {  	_ =	swait.ge [sflag:s9], $0x2800  }
0x4f: {  	[sflag:s9] =	ssyncset.done $0x0  }
0x50: {  	[sflag:s9] =	ssyncadd.s32 $0xFFFFD800  }
0x51: {  	[spmem:s28] =	stream.linear.scatter [tilespmem:s8], [sflag:$0x7], $0x2800, $0x38;
	[tilespmem:$0x1E140] =	vst v63  }
0x52: {  	_ =	swait.ge [sflag:s9], $0x2800  }
0x53: {  	[sflag:s9] =	ssyncset.done $0x0  }
0x54: {  	s29 =	smov.u32 s22;
	s22 =	rddreg [dreg:$0x12];
	[sflag:s9] =	ssyncadd.s32 $0xFFFFD800  }
0x55: {  	[tilespmem:s8], [sflag:$0x7] =	stream.linear.gather [hbm4b:s22+s3], $0x2800, $0x38;
	[tilespmem:$0x1E140] =	vst v63  }
0x56: {  	_ =	swait.ge [sflag:s9], $0x2800  }
0x57: {  	[sflag:s9] =	ssyncset.done $0x0  }
0x58: {  	[sflag:s9] =	ssyncadd.s32 $0xFFFFD800  }
0x59: {  	[spmem:s6] =	stream.linear.scatter [tilespmem:s8], [sflag:$0x7], $0x2800, $0x38;
	[tilespmem:$0x1E140] =	vst v63  }
0x5a: {  	_ =	swait.ge [sflag:s9], $0x2800  }
0x5b: {  	[sflag:s9] =	ssyncset.done $0x0  }
0x5c: {  	s6 =	rddreg [dreg:$0x13];
	[sflag:s9] =	ssyncadd.s32 $0xFFFFD800  }
0x5d: {  	[tilespmem:s8], [sflag:$0x7] =	stream.linear.gather [hbm4b:s6+s3], $0x2800, $0x38;
	[tilespmem:$0x1E140] =	vst v63  }
0x5e: {  	_ =	swait.ge [sflag:s9], $0x2800  }
0x5f: {  	[sflag:s9] =	ssyncset.done $0x0  }
0x60: {  	[sflag:s9] =	ssyncadd.s32 $0xFFFFD800  }
0x61: {  	[spmem:s5] =	stream.linear.scatter [tilespmem:s8], [sflag:$0x7], $0x2800, $0x38;
	[tilespmem:$0x1E140] =	vst v63  }
0x62: {  	_ =	swait.ge [sflag:s9], $0x2800  }
0x63: {  	[sflag:s9] =	ssyncset.done $0x0  }
0x64: {  	s16 =	rddreg [dreg:$0x14];
	[sflag:s9] =	ssyncadd.s32 $0xFFFFD800  }
0x65: {  	[tilespmem:s8], [sflag:$0x7] =	stream.linear.gather [hbm4b:s16+s3], $0x2800, $0x38;
	[tilespmem:$0x1E140] =	vst v63  }
0x66: {  	_ =	swait.ge [sflag:s9], $0x2800  }
0x67: {  	[sflag:s9] =	ssyncset.done $0x0  }
0x68: {  	[sflag:s9] =	ssyncadd.s32 $0xFFFFD800  }
0x69: {  	[spmem:s0] =	stream.linear.scatter [tilespmem:s8], [sflag:$0x7], $0x2800, $0x38;
	[tilespmem:$0x1E140] =	vst v63  }
0x6a: {  	_ =	swait.ge [sflag:s9], $0x2800  }
0x6b: {  	[sflag:s9] =	ssyncset.done $0x0  }
0x6c: {  	s20 =	rddreg [dreg:$0x16];
	[sflag:s9] =	ssyncadd.s32 $0xFFFFD800  }
0x6d: {  	[tilespmem:s8], [sflag:$0x7] =	stream.linear.gather [hbm4b:s20+s3], $0x2800, $0x38;
	[tilespmem:$0x1E140] =	vst v63  }
0x6e: {  	_ =	swait.ge [sflag:s9], $0x2800  }
0x6f: {  	[sflag:s9] =	ssyncset.done $0x0  }
0x70: {  	[sflag:s9] =	ssyncadd.s32 $0xFFFFD800  }
0x71: {  	[spmem:s7] =	stream.linear.scatter [tilespmem:s8], [sflag:$0x7], $0x2800, $0x38;
	[tilespmem:$0x1E140] =	vst v63  }
0x72: {  	_ =	swait.ge [sflag:s9], $0x2800  }
0x73: {  	[sflag:s9] =	ssyncset.done $0x0  }
0x74: {  	s22 =	rddreg [dreg:$0xb];
	[sflag:s9] =	ssyncadd.s32 $0xFFFFD800  }
0x75: {  	[tilespmem:s3], [sflag:$0x7] =	stream.linear.gather [hbm4b:s22+s3], $0x2780, $0x38;
	[tilespmem:$0x1E140] =	vst v63  }
0x76: {  	_ =	swait.ge [sflag:s9], $0x2780  }
0x77: {  	[sflag:s9] =	ssyncset.done $0x0  }
0x78: {  	[sflag:s9] =	ssyncadd.s32 $0xFFFFD880  }
0x79: {  	[bflag:$0x0] =	sbarrier.arrive $0xFFFF  }
0x7a: {  	s6 =	rddreg [dreg:$0xc]  }
0x7b: {  	[tilespmem:s10], [sflag:$0x3] =	stream.linear.gather [hbm4b:s6+s3], $0x80, $0x38;
	[tilespmem:$0x1E140] =	vst v63  }
0x7c: {  	_ = 	snop  }
0x7d: {  	[tilespmem:s8], [sflag:$0x1] =	stream.indirect.gather [hbm4b:s12+s11], $0x80, s3, s11, $0xb8;
	[tilespmem:$0x1E140] =	vst v63  }
0x7e: {  	s5 =	smov.u32 s0;
	s0 =	smov.u32 s7;
	s7 =	rddreg [dreg:$0x19]  }
0x7f: {  	[tilespmem:s14], [sflag:$0x4] =	stream.linear.gather [hbm4b:s7+s3], $0x80, $0x38;
	[tilespmem:$0x1E140] =	vst v63  }
0x80: {  	_ = 	snop  }
0x81: {  	[tilespmem:s17], [sflag:$0x2] =	stream.indirect.gather [hbm4b:s12+s11], $0x80, s11, s11, $0xb8;
	[tilespmem:$0x1E140] =	vst v63  }
0x82: {  	_ =	swait.ge [sflag:s18], $0x4000  }
0x83: {  	[sflag:s18] =	ssyncset.done $0x0  }
0x84: {  	[sflag:s18] =	ssyncadd.s32 $0xFFFFC000  }
0x85: {  	_ =	swait.ge [sflag:s19], $0x80  }
0x86: {  	[sflag:s19] =	ssyncset.done $0x0  }
0x87: {  	[sflag:s19] =	ssyncadd.s32 $0xFFFFFF80  }
0x88: {  	[spmem:s2] =	stream.indirect.scatter.add.f32 [tilespmem:s8], [sflag:$0x5], $0x80, s10, s11, $0xb8;
	[tilespmem:$0x1E140] =	vst v63  }
0x89: {  	_ =	swait.ge [sflag:s21], $0x4000  }
0x8a: {  	s7 =	rddreg [dreg:$0x18]  }
0x8b: {  	[sflag:s21] =	ssyncset.done $0x0;
	s16 =	sshrl.u32 s7, $0x3  }
0x8c: {  	[sflag:s21] =	ssyncadd.s32 $0xFFFFC000;
	s1 =	sadd.s32 s13, s16  }
0x8d: {  	[tilespmem:s10], [sflag:$0x3] =	stream.linear.gather [hbm4b:s1+s3], $0x80, $0x38;
	[tilespmem:$0x1E140] =	vst v63  }
0x8e: {  	s20 =	simm.s32 $0x100  }
0x8f: {  	[tilespmem:s8], [sflag:$0x1] =	stream.indirect.gather [hbm4b:s12+s11], $0x80, s20, s11, $0xb8;
	[tilespmem:$0x1E140] =	vst v63  }
0x90: {  	_ =	swait.ge [sflag:s23], $0x4000  }
0x91: {  	[sflag:s23] =	ssyncset.done $0x0  }
0x92: {  	[sflag:s23] =	ssyncadd.s32 $0xFFFFC000  }
0x93: {  	_ =	swait.ge [sflag:s15], $0x80  }
0x94: {  	[sflag:s15] =	ssyncset.done $0x0  }
0x95: {  	[sflag:s15] =	ssyncadd.s32 $0xFFFFFF80  }
0x96: {  	[spmem:s2] =	stream.indirect.scatter.add.f32 [tilespmem:s17], [sflag:$0x6], $0x80, s14, s11, $0xb8;
	[tilespmem:$0x1E140] =	vst v63  }
0x97: {  	s31 =	smov.u32 s28;
	s28 =	simm.s32 $0x280;
	_ =	swait.ge [sflag:s25], $0x4000  }
0x98: {  	s22 =	sadd.s32 $0x0, s4;
	s6 =	simm.s32 $0x20;
	[sflag:s25] =	ssyncset.done $0x0  }
0x99: {  	s16 =	sadd.s32 $0x100, s7;
	s1 =	simm.s32 $0x180;
	[sflag:s25] =	ssyncadd.s32 $0xFFFFC000  }
0x9a: {  	[tilespmem:s14], [sflag:$0x4] =	stream.linear.gather [hbm4b:s22+s3], $0x80, $0x38;
	[tilespmem:$0x1E140] =	vst v63  }
.LBB2_2:
0x9b: {  	[tilespmem:s17], [sflag:$0x2] =	stream.indirect.gather [hbm4b:s12+s11], $0x80, s1, s11, $0xb8;
	[tilespmem:$0x1E140] =	vst v63  }
0x9c: {  	s20 =	smov.u32 s6;
	s1 =	smov.u32 s28  }
0x9d: {  	p0 =	sne.s32 s6, $0x4A0;
	s6 =	sadd.s32 $0x20, s6;
	_ =	swait.ge [sflag:s18], $0x4000  }
0x9e: {  	[sflag:s18] =	ssyncset.done $0x0  }
0x9f: {  	[sflag:s18] =	ssyncadd.s32 $0xFFFFC000  }
0xa0: {  	_ =	swait.ge [sflag:s19], $0x80  }
0xa1: {  	[sflag:s19] =	ssyncset.done $0x0  }
0xa2: {  	[sflag:s19] =	ssyncadd.s32 $0xFFFFFF80  }
0xa3: {  	[spmem:s2] =	stream.indirect.scatter.add.f32 [tilespmem:s8], [sflag:$0x5], $0x80, s10, s11, $0xb8;
	[tilespmem:$0x1E140] =	vst v63  }
0xa4: {  	_ =	swait.ge [sflag:s21], $0x4000  }
0xa5: {  	s22 =	sshrl.u32 s16, $0x3;
	[sflag:s21] =	ssyncset.done $0x0  }
0xa6: {  	s22 =	sadd.s32 s13, s22;
	[sflag:s21] =	ssyncadd.s32 $0xFFFFC000  }
0xa7: {  	[tilespmem:s10], [sflag:$0x3] =	stream.linear.gather [hbm4b:s22+s3], $0x80, $0x38;
	[tilespmem:$0x1E140] =	vst v63  }
0xa8: {  	s22 =	sadd.s32 $0xFFFFFF80, s28  }
0xa9: {  	[tilespmem:s8], [sflag:$0x1] =	stream.indirect.gather [hbm4b:s12+s11], $0x80, s22, s11, $0xb8;
	[tilespmem:$0x1E140] =	vst v63  }
0xaa: {  	_ =	swait.ge [sflag:s23], $0x4000  }
0xab: {  	[sflag:s23] =	ssyncset.done $0x0  }
0xac: {  	[sflag:s23] =	ssyncadd.s32 $0xFFFFC000  }
0xad: {  	_ =	swait.ge [sflag:s15], $0x80  }
0xae: {  	[sflag:s15] =	ssyncset.done $0x0  }
0xaf: {  	[sflag:s15] =	ssyncadd.s32 $0xFFFFFF80  }
0xb0: {  	[spmem:s2] =	stream.indirect.scatter.add.f32 [tilespmem:s17], [sflag:$0x6], $0x80, s14, s11, $0xb8;
	[tilespmem:$0x1E140] =	vst v63  }
.Ltmp0:
0xb1: {  	_ =	swait.ge [sflag:s25], $0x4000;
	(pc) =	sbr.rel @p0 .LBB2_2-.Ltmp0, $4  }
0xb2: {  	[sflag:s25] =	ssyncset.done $0x0  }
0xb3: {  	s20 =	sadd.s32 s20, s4;
	[sflag:s25] =	ssyncadd.s32 $0xFFFFC000  }
0xb4: {  	[tilespmem:s14], [sflag:$0x4] =	stream.linear.gather [hbm4b:s20+s3], $0x80, $0x38;
	[tilespmem:$0x1E140] =	vst v63  }
0xb5: {  	s16 =	sadd.s32 $0x100, s16;
	s28 =	sadd.s32 $0x100, s28  }
0xb6: {  	[tilespmem:s17], [sflag:$0x2] =	stream.indirect.gather [hbm4b:s12+s11], $0x80, s1, s11, $0xb8;
	[tilespmem:$0x1E140] =	vst v63  }
0xb7: {  	_ =	swait.ge [sflag:s18], $0x4000  }
0xb8: {  	[sflag:s18] =	ssyncset.done $0x0  }
0xb9: {  	[sflag:s18] =	ssyncadd.s32 $0xFFFFC000  }
0xba: {  	_ =	swait.ge [sflag:s19], $0x80  }
0xbb: {  	[sflag:s19] =	ssyncset.done $0x0  }
0xbc: {  	[sflag:s19] =	ssyncadd.s32 $0xFFFFFF80  }
0xbd: {  	[spmem:s2] =	stream.indirect.scatter.add.f32 [tilespmem:s8], [sflag:$0x5], $0x80, s10, s11, $0xb8;
	[tilespmem:$0x1E140] =	vst v63  }
0xbe: {  	_ =	swait.ge [sflag:s21], $0x4000  }
0xbf: {  	[sflag:s21] =	ssyncset.done $0x0  }
0xc0: {  	s20 =	rddreg [dreg:$0x1a];
	[sflag:s21] =	ssyncadd.s32 $0xFFFFC000  }
0xc1: {  	[tilespmem:s10], [sflag:$0x3] =	stream.linear.gather [hbm4b:s20+s3], $0x80, $0x38;
	[tilespmem:$0x1E140] =	vst v63  }
0xc2: {  	s6 =	simm.s32 $0x2700  }
0xc3: {  	[tilespmem:s8], [sflag:$0x1] =	stream.indirect.gather [hbm4b:s12+s11], $0x80, s6, s11, $0xb8;
	[tilespmem:$0x1E140] =	vst v63  }
0xc4: {  	_ =	swait.ge [sflag:s23], $0x4000  }
0xc5: {  	[sflag:s23] =	ssyncset.done $0x0  }
0xc6: {  	[sflag:s23] =	ssyncadd.s32 $0xFFFFC000  }
0xc7: {  	_ =	swait.ge [sflag:s15], $0x80  }
0xc8: {  	[sflag:s15] =	ssyncset.done $0x0  }
0xc9: {  	[sflag:s15] =	ssyncadd.s32 $0xFFFFFF80  }
0xca: {  	[spmem:s2] =	stream.indirect.scatter.add.f32 [tilespmem:s17], [sflag:$0x6], $0x80, s14, s11, $0xb8;
	[tilespmem:$0x1E140] =	vst v63  }
0xcb: {  	_ =	swait.ge [sflag:s25], $0x4000  }
0xcc: {  	[sflag:s25] =	ssyncset.done $0x0  }
0xcd: {  	[sflag:s25] =	ssyncadd.s32 $0xFFFFC000  }
0xce: {  	[tilespmem:s14], [sflag:$0x4] =	stream.linear.gather [hbm4b:s20+s3], $0x80, $0x38;
	[tilespmem:$0x1E140] =	vst v63  }
0xcf: {  	_ = 	snop  }
0xd0: {  	[tilespmem:s17], [sflag:$0x2] =	stream.indirect.gather [hbm4b:s12+s11], $0x80, s6, s11, $0xb8;
	[tilespmem:$0x1E140] =	vst v63  }
0xd1: {  	_ =	swait.ge [sflag:s18], $0x4000  }
0xd2: {  	[sflag:s18] =	ssyncset.done $0x0  }
0xd3: {  	[sflag:s18] =	ssyncadd.s32 $0xFFFFC000  }
0xd4: {  	_ =	swait.ge [sflag:s19], $0x80  }
0xd5: {  	[sflag:s19] =	ssyncset.done $0x0  }
0xd6: {  	[sflag:s19] =	ssyncadd.s32 $0xFFFFFF80  }
0xd7: {  	[spmem:s2] =	stream.indirect.scatter.add.f32 [tilespmem:s8], [sflag:$0x7], $0x80, s10, s11, $0xb8;
	[tilespmem:$0x1E140] =	vst v63  }
0xd8: {  	_ =	swait.ge [sflag:s9], $0x4000  }
0xd9: {  	[sflag:s9] =	ssyncset.done $0x0  }
0xda: {  	[sflag:s9] =	ssyncadd.s32 $0xFFFFC000  }
0xdb: {  	_ =	swait.ge [sflag:s23], $0x4000  }
0xdc: {  	[sflag:s23] =	ssyncset.done $0x0  }
0xdd: {  	[sflag:s23] =	ssyncadd.s32 $0xFFFFC000  }
0xde: {  	_ =	swait.ge [sflag:s15], $0x80  }
0xdf: {  	[sflag:s15] =	ssyncset.done $0x0  }
0xe0: {  	[sflag:s15] =	ssyncadd.s32 $0xFFFFFF80  }
0xe1: {  	[bflag:$0x0] =	sbarrier.arrive $0xFFFF  }
0xe2: {  	[tilespmem:s8], [sflag:$0x7] =	stream.linear.gather [spmem:s24], $0x2800, $0x38;
	[tilespmem:$0x1E140] =	vst v63  }
0xe3: {  	_ =	swait.ge [sflag:s9], $0x2800  }
0xe4: {  	[sflag:s9] =	ssyncset.done $0x0  }
0xe5: {  	s22 =	rddreg [dreg:$0x3];
	[sflag:s9] =	ssyncadd.s32 $0xFFFFD800  }
0xe6: {  	[hbm4b:s22+s3] =	stream.linear.scatter [tilespmem:s8], [sflag:$0x7], $0x2800, $0x38;
	[tilespmem:$0x1E140] =	vst v63  }
0xe7: {  	_ =	swait.ge [sflag:s9], $0x2800  }
0xe8: {  	[sflag:s9] =	ssyncset.done $0x0  }
0xe9: {  	[sflag:s9] =	ssyncadd.s32 $0xFFFFD800  }
0xea: {  	[tilespmem:s8], [sflag:$0x7] =	stream.linear.gather [spmem:s26], $0x2800, $0x38;
	[tilespmem:$0x1E140] =	vst v63  }
0xeb: {  	_ =	swait.ge [sflag:s9], $0x2800  }
0xec: {  	[sflag:s9] =	ssyncset.done $0x0  }
0xed: {  	s20 =	smov.u32 s24;
	s24 =	rddreg [dreg:$0x4];
	[sflag:s9] =	ssyncadd.s32 $0xFFFFD800  }
0xee: {  	[hbm4b:s24+s3] =	stream.linear.scatter [tilespmem:s8], [sflag:$0x7], $0x2800, $0x38;
	[tilespmem:$0x1E140] =	vst v63  }
0xef: {  	_ =	swait.ge [sflag:s9], $0x2800  }
0xf0: {  	[sflag:s9] =	ssyncset.done $0x0  }
0xf1: {  	[sflag:s9] =	ssyncadd.s32 $0xFFFFD800  }
0xf2: {  	[tilespmem:s8], [sflag:$0x7] =	stream.linear.gather [spmem:s29], $0x2800, $0x38;
	[tilespmem:$0x1E140] =	vst v63  }
0xf3: {  	_ =	swait.ge [sflag:s9], $0x2800  }
0xf4: {  	[sflag:s9] =	ssyncset.done $0x0  }
0xf5: {  	s16 =	smov.u32 s26;
	s26 =	rddreg [dreg:$0x5];
	[sflag:s9] =	ssyncadd.s32 $0xFFFFD800  }
0xf6: {  	[hbm4b:s26+s3] =	stream.linear.scatter [tilespmem:s8], [sflag:$0x7], $0x2800, $0x38;
	[tilespmem:$0x1E140] =	vst v63  }
0xf7: {  	_ =	swait.ge [sflag:s9], $0x2800  }
0xf8: {  	[sflag:s9] =	ssyncset.done $0x0  }
0xf9: {  	[sflag:s9] =	ssyncadd.s32 $0xFFFFD800  }
0xfa: {  	[tilespmem:s8], [sflag:$0x7] =	stream.linear.gather [spmem:s31], $0x2800, $0x38;
	[tilespmem:$0x1E140] =	vst v63  }
0xfb: {  	_ =	swait.ge [sflag:s9], $0x2800  }
0xfc: {  	[sflag:s9] =	ssyncset.done $0x0  }
0xfd: {  	s22 =	smov.u32 s29;
	s29 =	rddreg [dreg:$0x6];
	[sflag:s9] =	ssyncadd.s32 $0xFFFFD800  }
0xfe: {  	[hbm4b:s29+s3] =	stream.linear.scatter [tilespmem:s8], [sflag:$0x7], $0x2800, $0x38;
	[tilespmem:$0x1E140] =	vst v63  }
0xff: {  	_ =	swait.ge [sflag:s9], $0x2800  }
0x100: {  	[sflag:s9] =	ssyncset.done $0x0  }
0x101: {  	s6 =	rddreg [dreg:$0x15];
	[sflag:s9] =	ssyncadd.s32 $0xFFFFD800  }
0x102: {  	[tilespmem:s8], [sflag:$0x7] =	stream.linear.gather [spmem:s6], $0x2800, $0x38;
	[tilespmem:$0x1E140] =	vst v63  }
0x103: {  	_ =	swait.ge [sflag:s9], $0x2800  }
0x104: {  	[sflag:s9] =	ssyncset.done $0x0  }
0x105: {  	s28 =	smov.u32 s31;
	s31 =	rddreg [dreg:$0x7];
	[sflag:s9] =	ssyncadd.s32 $0xFFFFD800  }
0x106: {  	[hbm4b:s31+s3] =	stream.linear.scatter [tilespmem:s8], [sflag:$0x7], $0x2800, $0x38;
	[tilespmem:$0x1E140] =	vst v63  }
0x107: {  	_ =	swait.ge [sflag:s9], $0x2800  }
0x108: {  	[sflag:s9] =	ssyncset.done $0x0  }
0x109: {  	s24 =	rddreg [dreg:$0x17];
	[sflag:s9] =	ssyncadd.s32 $0xFFFFD800  }
0x10a: {  	[tilespmem:s8], [sflag:$0x7] =	stream.linear.gather [spmem:s24], $0x2800, $0x38;
	[tilespmem:$0x1E140] =	vst v63  }
0x10b: {  	_ =	swait.ge [sflag:s9], $0x2800  }
0x10c: {  	[sflag:s9] =	ssyncset.done $0x0  }
0x10d: {  	s7 =	rddreg [dreg:$0x8];
	[sflag:s9] =	ssyncadd.s32 $0xFFFFD800  }
0x10e: {  	[hbm4b:s7+s3] =	stream.linear.scatter [tilespmem:s8], [sflag:$0x7], $0x2800, $0x38;
	[tilespmem:$0x1E140] =	vst v63  }
0x10f: {  	_ =	swait.ge [sflag:s9], $0x2800  }
0x110: {  	[sflag:s9] =	ssyncset.done $0x0  }
0x111: {  	[sflag:s9] =	ssyncadd.s32 $0xFFFFD800  }
0x112: {  	[tilespmem:s8], [sflag:$0x7] =	stream.linear.gather [spmem:s5], $0x2800, $0x38;
	[tilespmem:$0x1E140] =	vst v63  }
0x113: {  	_ =	swait.ge [sflag:s9], $0x2800  }
0x114: {  	[sflag:s9] =	ssyncset.done $0x0  }
0x115: {  	s26 =	rddreg [dreg:$0x9];
	[sflag:s9] =	ssyncadd.s32 $0xFFFFD800  }
0x116: {  	[hbm4b:s26+s3] =	stream.linear.scatter [tilespmem:s8], [sflag:$0x7], $0x2800, $0x38;
	[tilespmem:$0x1E140] =	vst v63  }
0x117: {  	_ =	swait.ge [sflag:s9], $0x2800  }
0x118: {  	[sflag:s9] =	ssyncset.done $0x0  }
0x119: {  	[sflag:s9] =	ssyncadd.s32 $0xFFFFD800  }
0x11a: {  	[tilespmem:s8], [sflag:$0x7] =	stream.linear.gather [spmem:s0], $0x2800, $0x38;
	[tilespmem:$0x1E140] =	vst v63  }
0x11b: {  	_ =	swait.ge [sflag:s9], $0x2800  }
0x11c: {  	[sflag:s9] =	ssyncset.done $0x0  }
0x11d: {  	s29 =	rddreg [dreg:$0xa];
	[sflag:s9] =	ssyncadd.s32 $0xFFFFD800  }
0x11e: {  	[hbm4b:s29+s3] =	stream.linear.scatter [tilespmem:s8], [sflag:$0x7], $0x2800, $0x38;
	[tilespmem:$0x1E140] =	vst v63  }
0x11f: {  	_ =	swait.ge [sflag:s9], $0x2800  }
0x120: {  	s30 =	sadd.s32 $0x1, s30;
	s31 =	rddreg [dreg:$0xd]  }
0x121: {  	p0 =	sne.s32 s30, s31  }
.Ltmp1:
0x122: {  	_ = 	snop;
	(pc) =	sbr.rel @p0 .LBB2_1-.Ltmp1, $3  }
0x123: {  	_ =	sdelay $0x1  }
0x124: {  	[sflag:s9] =	ssyncset.done $0x0  }
0x125: {  	[sflag:s9] =	ssyncadd.s32 $0xFFFFD800  }
0x126: {  	_ =	sfence.sel $0x180000  }
0x127: {  	[bflag:$0x0] =	sbarrier.arrive $0xFFFF  }
0x128: {  	_ =	strace $0x9000004A  }
0x129: {  	s0 =	stileid.u32;
	[bflag:$0x2] =	sbarrier.arrive $0xFFFF  }
0x12a: {  	p0 =	sne.s32 s0, $0x0;
	s0 =	rddreg [dreg:$0x2]  }
0x12b: {  	s0 =	sadd.s32 @!p0 $0x100000, s0  }
0x12c: {  	[sflag:s0] =	ssyncadd.tile.s32 @!p0 $0x1;
	_ =	shalt  }
.Lfunc_end2:
_tile_overlayer_lowered:
.L_overlay_start_2:
0x12d: {  	(tag) =	ssettag $0x2  }
0x12e: {  	s0 =	rddreg [dreg:$0x0];
	s2 =	stileid.u32  }
0x12f: {  	s1 =	rddreg [dreg:$0x1];
	p0 =	sne.s32 s2, $0x0  }
0x130: {  	s3 =	rddreg [dreg:$0x2];
	[bflag:$0x3] =	sbarrier.arrive $0xFFFF;
	s2 =	simm.s32 @!p0 $0x1C07  }
0x131: {  	[timem:s3], [sflag:s2] =	dma.local @!p0 [hbm:s0], s1  }
0x132: {  	s0 =	simm.s32 @!p0 $0x7  }
0x133: {  	_ =	swait.ge @!p0 [sflag:s0], s1  }
0x134: {  	s1 =	ssub.s32 @!p0 $0x0, s1;
	[sflag:s0] =	ssyncset.done @!p0 $0x0  }
0x135: {  	[sflag:s0] =	ssyncadd.s32 @!p0 s1  }
0x136: {  	[bflag:$0x3] =	sbarrier.arrive $0xFFFF  }
0x137: {  	_ =	shalt  }

// kernel: kernel.15.cloned.1.call-start
scs
__scs_entry_jumppad:
0x0: {  	(pc) =	sbr.rel $0x88, $3  }
0x1: {  	(tag) =	ssettag $0x0;
	lr =	simm.s32 $0x1  }
0x2: {  	[smem:$0x3F87] =	sst lr;
	_ =	strace $0xD0000000  }
0x3: {  	_ = 	snop  }
0x4: {  	_ = 	snop  }
0x5: {  	_ = 	snop  }
0x6: {  	_ = 	snop  }
0x7: {  	_ = 	snop  }
__scs_overlays_trampoline_lowered:
0x8: {  	[smem:$0x3F96] =	sst s0  }
0x9: {  	[smem:$0x3F97] =	sst s1  }
0xa: {  	[smem:$0x3F98] =	sst s2  }
0xb: {  	[smem:$0x3F99] =	sst s3  }
0xc: {  	[smem:$0x3F9A] =	sst s4  }
0xd: {  	[smem:$0x3F9B] =	sst s5  }
0xe: {  	[smem:$0x3F9C] =	sst s6  }
0xf: {  	[smem:$0x3F9D] =	sst s7  }
0x10: {  	[smem:$0x3F9E] =	sst s8  }
0x11: {  	[smem:$0x3F9F] =	sst s9;
	s0 =	simm.s32 @!p0 $0x0  }
0x12: {  	s1 =	sld [smem:$0x3F85];
	s0 =	simm.s32 @p0 $0x1  }
0x13: {  	[smem:$0x3FA0] =	sst s0;
	s0 =	simm.s32 @!p1 $0x0  }
0x14: {  	s2 =	sld [smem:$0x3F84];
	s0 =	simm.s32 @p1 $0x1  }
0x15: {  	[smem:$0x3FA1] =	sst s0;
	s0 =	simm.s32 @!p2 $0x0  }
0x16: {  	s3 =	sld [smem:$0x3FDB];
	s0 =	simm.s32 @p2 $0x1  }
0x17: {  	s4 =	simm.s32 $0x1BF5;
	[smem:$0x3FA3] =	sst s0  }
0x18: {  	s0 =	sld [smem:$0x3F86];
	_ =	swait.ge [sflag:s4], $0x0  }
0x19: {  	s7 =	sld [smem:$0x3F87]  }
0x1a: {  	s8 =	sadd.s32 $0xFFFFE003, lr  }
0x1b: {  	s9 =	sadd.s32 $0xFFFFFEF7, lr;
	s5 =	simm.s32 $0xFFFFFFFF;
	p2 =	slt.u32 s8, $0xFFFFF086  }
0x1c: {  	p1 =	slt.u32 s9, $0xF7A;
	s5 =	simm.s32 @!p2 $0x0  }
0x1d: {  	s5 =	simm.s32 @p1 $0x1;
	p0 =	seq.s32 s7, s2  }
0x1e: {  	s7 =	smul.u32 @!p0 $0xF7A, s2;
	p2 =	seq.s32 @!p0 s5, $0x0  }
0x1f: {  	s9 =	smul.u32 $0xF7A, s1;
	s8 =	simm.s32 @!p0 $0x1BF5;
	p2 =	por !p2, p0  }
0x20: {  	[sflag:s8] =	ssyncset.s32 @!p0 $0xFFFFF086;
	s6 =	sadd.s32 @!p0 s3, s7;
	s7 =	simm.s32 @!p0 $0x108  }
0x21: {  	s3 =	sadd.s32 s3, s9;
	s6 =	sadd.s32 @!p0 $0x88, s6;
	s7 =	simm.s32 @p2 $0x1082  }
0x22: {  	[simem:s7], [sflag:s8] =	dma.local @!p0 [hbm:s6], $0xF7A  }
0x23: {  	s9 =	sor.u32 $0xD0000000, s2;
	s6 =	simm.s32 $0x108;
	_ =	swait.ge @!p0 [sflag:s8], $0x0  }
0x24: {  	s3 =	sadd.s32 $0x88, s3;
	s6 =	simm.s32 @!p1 $0x1082;
	[sflag:s4] =	ssyncset.s32 $0xFFFFF086  }
0x25: {  	[simem:s6], [sflag:s4] =	dma.local [hbm:s3], $0xF7A  }
0x26: {  	[smem:$0x3F87] =	sst s1;
	(tag) =	ssettag s2;
	_ =	strace s9  }
0x27: {  	s1 =	sld [smem:$0x3F97]  }
0x28: {  	s2 =	sld [smem:$0x3F98]  }
0x29: {  	s4 =	sld [smem:$0x3F9A]  }
0x2a: {  	p0 =	seq.s32 s5, $0x0;
	s5 =	sld [smem:$0x3F9B]  }
0x2b: {  	s6 =	sld [smem:$0x3F9C]  }
0x2c: {  	s7 =	sld [smem:$0x3F9D]  }
0x2d: {  	s3 =	simm.s32 $0x108;
	s8 =	sld [smem:$0x3F9E]  }
0x2e: {  	s3 =	simm.s32 @!p0 $0x1082;
	s9 =	sld [smem:$0x3F9F]  }
0x2f: {  	lr =	sadd.s32 s0, s3;
	s0 =	sld [smem:$0x3F96]  }
0x30: {  	s3 =	sld [smem:$0x3F99]  }
0x31: {  	[smem:$0x3FA2] =	sst s10  }
0x32: {  	s10 =	sld [smem:$0x3FA0];
	_ =	sdelay $0x3  }
0x33: {  	p0 =	seq.s32 s10, $0x1;
	s10 =	sld [smem:$0x3FA2];
	_ =	sdelay $0x3  }
0x34: {  	[smem:$0x3FA2] =	sst s10  }
0x35: {  	s10 =	sld [smem:$0x3FA1];
	_ =	sdelay $0x3  }
0x36: {  	p1 =	seq.s32 s10, $0x1;
	s10 =	sld [smem:$0x3FA2];
	_ =	sdelay $0x3  }
0x37: {  	[smem:$0x3FA2] =	sst s10  }
0x38: {  	s10 =	sld [smem:$0x3FA3]  }
0x39: {  	_ = 	snop;
	(pc) =	sbr.ind lr, $3  }
0x3a: {  	_ = 	snop  }
0x3b: {  	_ = 	snop  }
0x3c: {  	p2 =	seq.s32 s10, $0x1;
	s10 =	sld [smem:$0x3FA2]  }
0x3d: {  	_ =	shalt  }
0x3e: {  	_ =	shalt  }
0x3f: {  	_ =	shalt  }
0x40: {  	_ =	shalt  }
0x41: {  	_ =	shalt  }
0x42: {  	_ =	shalt  }
0x43: {  	_ =	shalt  }
0x44: {  	_ =	shalt  }
0x45: {  	_ =	shalt  }
0x46: {  	_ =	shalt  }
0x47: {  	_ =	shalt  }
0x48: {  	_ =	shalt  }
0x49: {  	_ =	shalt  }
0x4a: {  	_ =	shalt  }
0x4b: {  	_ =	shalt  }
0x4c: {  	_ =	shalt  }
0x4d: {  	_ =	shalt  }
0x4e: {  	_ =	shalt  }
0x4f: {  	_ =	shalt  }
0x50: {  	_ =	shalt  }
0x51: {  	_ =	shalt  }
0x52: {  	_ =	shalt  }
0x53: {  	_ =	shalt  }
0x54: {  	_ =	shalt  }
0x55: {  	_ =	shalt  }
0x56: {  	_ =	shalt  }
0x57: {  	_ =	shalt  }
0x58: {  	_ =	shalt  }
0x59: {  	_ =	shalt  }
0x5a: {  	_ =	shalt  }
0x5b: {  	_ =	shalt  }
0x5c: {  	_ =	shalt  }
0x5d: {  	_ =	shalt  }
0x5e: {  	_ =	shalt  }
0x5f: {  	_ =	shalt  }
0x60: {  	_ =	shalt  }
0x61: {  	_ =	shalt  }
0x62: {  	_ =	shalt  }
0x63: {  	_ =	shalt  }
0x64: {  	_ =	shalt  }
0x65: {  	_ =	shalt  }
0x66: {  	_ =	shalt  }
0x67: {  	_ =	shalt  }
0x68: {  	_ =	shalt  }
0x69: {  	_ =	shalt  }
0x6a: {  	_ =	shalt  }
0x6b: {  	_ =	shalt  }
0x6c: {  	_ =	shalt  }
0x6d: {  	_ =	shalt  }
0x6e: {  	_ =	shalt  }
0x6f: {  	_ =	shalt  }
0x70: {  	_ =	shalt  }
0x71: {  	_ =	shalt  }
0x72: {  	_ =	shalt  }
0x73: {  	_ =	shalt  }
0x74: {  	_ =	shalt  }
0x75: {  	_ =	shalt  }
0x76: {  	_ =	shalt  }
0x77: {  	_ =	shalt  }
0x78: {  	_ =	shalt  }
0x79: {  	_ =	shalt  }
0x7a: {  	_ =	shalt  }
0x7b: {  	_ =	shalt  }
0x7c: {  	_ =	shalt  }
0x7d: {  	_ =	shalt  }
0x7e: {  	_ =	shalt  }
0x7f: {  	_ =	shalt  }
0x80: {  	_ =	shalt  }
0x81: {  	_ =	shalt  }
0x82: {  	_ =	shalt  }
0x83: {  	_ =	shalt  }
0x84: {  	_ =	shalt  }
0x85: {  	_ =	shalt  }
0x86: {  	_ =	shalt  }
0x87: {  	_ =	shalt  }
.Lfunc_end0:
.L_simem_size_0:
called_computation.2_lowered:
.L_overlay_start_0:
0x88: {  	s2 =	sld [smem:$0x3FD9]  }
0x89: {  	s3 =	sld [smem:$0x3FFE];
	_ =	sdelay $0x1  }
0x8a: {  	s1 =	srdreg.scid  }
0x8b: {  	s0 =	sand.u32 $0x1, s1  }
0x8c: {  	s16 =	sshll.u32 s0, $0xA;
	s2 =	sadd.s32 s3, s2  }
0x8d: {  	s2 =	sadd.s32 s2, s16  }
0x8e: {  	[smem:$0x3FAE] =	sst s2  }
0x8f: {  	_ = 	snop  }
0x90: {  	(tm) =	ssettm $0x1  }
0x91: {  	s17 =	sld [smem:$0x3FFB];
	_ =	sdelay $0x3  }
0x92: {  	_ =	strace s17  }
0x93: {  	s2 =	sld [smem:$0x3FFC];
	_ =	sdelay $0x3  }
0x94: {  	_ =	strace s2  }
0x95: {  	s2 =	sld [smem:$0x3FFD];
	_ =	sdelay $0x3  }
0x96: {  	_ =	strace s2  }
0x97: {  	_ =	strace $0x8FFFFFFF  }
0x98: {  	s18 =	sld [smem:$0x3FDB];
	_ =	sdelay $0x1  }
0x99: {  	s19 =	simm.s32 $_scs_section_size  }
0x9a: {  	s4 =	simm.s32 $_size__tile_overlayer_lowered;
	s5 =	simm.s32 $_tile_overlayer_lowered  }
0x9b: {  	s22 =	simm.s32 $0x1BFF;
	s21 =	sshll.u32 s5, $0x1;
	s2 =	sadd.s32 s19, s18  }
0x9c: {  	s6 =	simm.s32 $0x0;
	s20 =	sshll.u32 s4, $0x1;
	s4 =	sadd.s32 s21, s2  }
0x9d: {  	[timem:s6], [sflag:s22] =	dma.local [hbm:s4], s20  }
0x9e: {  	_ =	swait.ge [sflag:s22], s20  }
0x9f: {  	s3 =	ssub.s32 $0x0, s20;
	[sflag:s22] =	ssyncset.done $0x0  }
0xa0: {  	[sflag:s22] =	ssyncadd.s32 s3;
	_ =	sdelay $0x1  }
0xa1: {  	s23 =	simm.s32 $0x1B8B  }
0xa2: {  	_ =	swait.ge [sflag:s23], $0x1  }
0xa3: {  	[sflag:s23] =	ssyncset.done $0x0  }
0xa4: {  	s25 =	simm.s32 $0x1B8E;
	s24 =	sld [smem:$0x3FFE];
	[sflag:s23] =	ssyncadd.s32 $0xFFFFFFFF  }
0xa5: {  	s26 =	simm.s32 $execute0_lowered;
	[smem:$0x3FD2] =	sst s25  }
0xa6: {  	s4 =	sshll.u32 s26, $0x1;
	_ =	strace $0x8000004C;
	[dreg:$0x1] =	wrdreg $0xFFFFFFFF  }
0xa7: {  	s28 =	simm.s32 $_size_execute0_lowered;
	s2 =	sadd.s32 s2, s4;
	[dreg:$0x0] =	wrdreg $0x0  }
0xa8: {  	s4 =	sshll.u32 s28, $0x1;
	[dreg:$0x2] =	wrdreg s2  }
0xa9: {  	[dreg:$0x3] =	wrdreg s4  }
0xaa: {  	[dreg:$0x4] =	wrdreg $0xC0  }
0xab: {  	_ =	task [dreg:s6], $0x5FFFF  }
0xac: {  	[dreg:$0x1] =	wrdreg $0xFFFFFFFF  }
0xad: {  	[dreg:$0x0] =	wrdreg $0x60  }
0xae: {  	[dreg:$0x2] =	wrdreg s24  }
0xaf: {  	[dreg:$0x3] =	wrdreg $0xA8800  }
0xb0: {  	[dreg:$0x4] =	wrdreg $0x9  }
0xb1: {  	_ =	task.clear_ibuf [dreg:s6], $0x5FFFF;
	_ =	strace $0x9000004C  }
0xb2: {  	s29 =	simm.s32 $0x9;
	_ =	strace $0x8000004E  }
0xb3: {  	_ =	swait.ge [sflag:s29], $0x1  }
0xb4: {  	[sflag:s29] =	ssyncadd.s32 $0xFFFFFFFF  }
0xb5: {  	_ =	strace $0x9000004E  }
0xb6: {  	_ =	sfence  }
0xb7: {  	s30 =	sld [smem:$0x0];
	_ =	sdelay $0x2  }
0xb8: {  	s31 =	sshll.u32 s1, $0xD;
	s1 =	sshrl.u32 s1, $0x2  }
0xb9: {  	s3 =	sand.u32 $0x4000, s31;
	s1 =	sadd.s32 s1, s30  }
0xba: {  	s0 =	sor.u32 s3, s0;
	s1 =	sshll.u32 s1, $0x11  }
0xbb: {  	s0 =	sor.u32 s1, s0  }
0xbc: {  	s0 =	sadd.s32 $0x8F2B, s0  }
0xbd: {  	[sflag:s0] =	ssyncadd.remote.s32 $0x1  }
0xbe: {  	_ =	sfence.sel $0xFFFF  }
0xbf: {  	[dreg:$0x0] =	wrdreg $0xFFFFFFFF;
	(pc) =	sbr.abs _section_cstart, $3  }
0xc0: {  	[dreg:$0x1] =	wrdreg $0xFFFFFFFF  }
0xc1: {  	_ =	task.clear_ibuf [dreg:s6], $0x2FFFF;
	_ =	strace $0x9FFFFFFF  }
0xc2: {  	(tm) =	ssettm $0x7FFFFFFF  }
0xc3: {  	_ =	shalt  }
tec
execute0_lowered:
.L_overlay_start_1:
0x0: {  	(tag) =	ssettag $0x1  }
0x1: {  	s5 =	rddreg [dreg:$0x0];
	s0 =	srdreg.scid  }
0x2: {  	s21 =	stileid.u32;
	s2 =	rddreg [dreg:$0x1]  }
0x3: {  	s3 =	simm.s32 $0x0;
	s7 =	sand.u32 $0x1, s0;
	s31 =	smul.u32 $0x2800, s21  }
0x4: {  	s30 =	simm.s32 $0x0;
	s13 =	sor.u32 $0x10, s21;
	s12 =	smul.u32 $0x138800, s7  }
0x5: {  	s29 =	sshll.u32 s21, $0x1;
	s14 =	sor.u32 $0x20, s21;
	s18 =	smul.u32 $0x2800, s13  }
0x6: {  	s9 =	sadd.s32 $0x65800, s5;
	s15 =	sor.u32 $0x30, s21;
	s19 =	smul.u32 $0x2800, s14  }
0x7: {  	s6 =	sor.u32 $0x40, s21;
	s16 =	sor.u32 $0x70, s21;
	s22 =	smul.u32 $0x2800, s15  }
0x8: {  	s0 =	sor.u32 s7, s29;
	s1 =	ssub.s32 $0x2, s7;
	s7 =	smul.u32 $0x2780, s7  }
0x9: {  	[smem:$0x7FF] =	sst s3;
	s8 =	smul.u32 $0x4F0, s0;
	s4 =	sshrl.u32 s1, $0x1  }
0xa: {  	s10 =	smul.u32 $0x2780, s0;
	s0 =	smin.u32 s16, $0x7C;
	s11 =	ssub.s32 s1, s4  }
0xb: {  	s4 =	sor.u32 $0x50, s21;
	s1 =	sor.u32 $0x60, s21;
	s17 =	sadd.s32 s12, s31  }
0xc: {  	s20 =	sadd.s32 s12, s18;
	s18 =	sadd.s32 s12, s22;
	s31 =	smul.u32 $0x2800, s0  }
0xd: {  	s22 =	smul.u32 $0x4F00, s21;
	s17 =	sshrl.u32 s17, $0x3;
	s24 =	sshrl.u32 s18, $0x3  }
0xe: {  	s29 =	smul.u32 $0x2800, s1;
	s8 =	sadd.s32 s8, s5;
	s16 =	sadd.s32 s9, s17  }
0xf: {  	s17 =	sadd.s32 s12, s19;
	s19 =	smul.u32 $0x2800, s6;
	s7 =	sadd.s32 s7, s22  }
0x10: {  	s8 =	sadd.s32 $0x5BA00, s8;
	[dreg:$0x3] =	wrdreg s16;
	s16 =	sshrl.u32 s20, $0x3  }
0x11: {  	s17 =	sshrl.u32 s17, $0x3;
	s20 =	smul.u32 $0x2800, s4;
	s16 =	sadd.s32 s9, s16  }
0x12: {  	s23 =	sadd.s32 s9, s17;
	s25 =	sadd.s32 s12, s19;
	s19 =	sadd.s32 s12, s29  }
0x13: {  	s29 =	sshrl.u32 s10, $0x3;
	s10 =	simm.s32 $0xA780;
	[dreg:$0x4] =	wrdreg s16  }
0x14: {  	[dreg:$0x5] =	wrdreg s23;
	s26 =	sadd.s32 s12, s20;
	s23 =	smul.u32 $0xA000, s21  }
0x15: {  	s17 =	sshrl.u32 s25, $0x3;
	s16 =	sadd.s32 s9, s24;
	s24 =	smul.u32 $0x500, s13  }
0x16: {  	s12 =	sadd.s32 s12, s31;
	s25 =	smul.u32 $0xA000, s13;
	s13 =	sadd.s32 $0x3400, s5  }
0x17: {  	s31 =	smul.u32 $0xA000, s14;
	s18 =	sshrl.u32 s26, $0x3;
	[dreg:$0x6] =	wrdreg s16  }
0x18: {  	s17 =	sadd.s32 s9, s17;
	s16 =	sshrl.u32 s19, $0x3;
	s26 =	smul.u32 $0x500, s14  }
0x19: {  	s12 =	sshrl.u32 s12, $0x3;
	s22 =	sshrl.u32 s25, $0x2;
	s25 =	smul.u32 $0x500, s6  }
0x1a: {  	s14 =	sadd.s32 s13, s29;
	s19 =	smax.u32 s11, $0x1;
	s6 =	smul.u32 $0xA000, s6  }
0x1b: {  	[dreg:$0x7] =	wrdreg s17;
	s18 =	sadd.s32 s9, s18;
	s17 =	smul.u32 $0x500, s1  }
0x1c: {  	s16 =	sadd.s32 s9, s16;
	s1 =	smul.u32 $0xA000, s1;
	[dreg:$0x8] =	wrdreg s18  }
0x1d: {  	s9 =	sadd.s32 s9, s12;
	[dreg:$0x9] =	wrdreg s16;
	s18 =	smul.u32 $0x500, s21  }
0x1e: {  	s12 =	sadd.s32 $0xD200, s5;
	[dreg:$0xa] =	wrdreg s9;
	s21 =	smul.u32 $0x500, s15  }
0x1f: {  	s9 =	sshrl.u32 s23, $0x2;
	s23 =	smul.u32 $0xA000, s15;
	s24 =	sadd.s32 s12, s24  }
0x20: {  	s5 =	sadd.s32 s12, s26;
	_ =	strace $0x8000004D;
	[dreg:$0xb] =	wrdreg s8  }
0x21: {  	s26 =	sshrl.u32 s31, $0x2;
	s31 =	smul.u32 $0x500, s4;
	[dreg:$0xd] =	wrdreg s19  }
0x22: {  	s16 =	sadd.s32 s22, s2;
	s4 =	smul.u32 $0xA000, s4;
	[dreg:$0xf] =	wrdreg s24  }
0x23: {  	s20 =	sadd.s32 s9, s2;
	[dreg:$0x10] =	wrdreg s5;
	s22 =	sadd.s32 s26, s2  }
0x24: {  	s11 =	sadd.s32 s12, s25;
	s15 =	sshrl.u32 s6, $0x2;
	s19 =	smul.u32 $0xA000, s0  }
0x25: {  	s6 =	sadd.s32 s12, s17;
	s1 =	sshrl.u32 s1, $0x2;
	s0 =	smul.u32 $0x500, s0  }
0x26: {  	s26 =	sadd.s32 $0x100, s7;
	[dreg:$0xc] =	wrdreg s14;
	s17 =	simm.s32 $0x6780  }
0x27: {  	s9 =	sadd.s32 s12, s18;
	s29 =	sshrl.u32 s23, $0x2;
	[dreg:$0x12] =	wrdreg s11  }
0x28: {  	s8 =	sadd.s32 s12, s21;
	s5 =	sadd.s32 s15, s2;
	[dreg:$0x14] =	wrdreg s6  }
0x29: {  	s4 =	sshrl.u32 s4, $0x2;
	s18 =	sadd.s32 s12, s31;
	[dreg:$0x18] =	wrdreg s26  }
0x2a: {  	s23 =	sadd.s32 $0x180, s7;
	s31 =	sadd.s32 $0x4E0, s14;
	[dreg:$0xe] =	wrdreg s9  }
0x2b: {  	s11 =	simm.s32 $0x80;
	s15 =	simm.s32 $0x4;
	[dreg:$0x11] =	wrdreg s8  }
0x2c: {  	s28 =	sadd.s32 s29, s2;
	[dreg:$0x13] =	wrdreg s18;
	s24 =	sadd.s32 s4, s2  }
0x2d: {  	s6 =	smov.u32 s5;
	s5 =	sadd.s32 s1, s2;
	s21 =	sshrl.u32 s19, $0x2  }
0x2e: {  	s0 =	sadd.s32 s12, s0;
	s25 =	sshrl.u32 s23, $0x3;
	s29 =	sadd.s32 $0x10, s14  }
0x2f: {  	[dreg:$0x1a] =	wrdreg s31;
	s8 =	simm.s32 $0x2780;
	s9 =	simm.s32 $0x7  }
0x30: {  	s14 =	simm.s32 $0xA800;
	s18 =	simm.s32 $0x1;
	[dreg:$0x16] =	wrdreg s0  }
0x31: {  	s19 =	simm.s32 $0x3;
	s23 =	simm.s32 $0x2;
	[dreg:$0x19] =	wrdreg s29  }
0x32: {  	s0 =	sadd.s32 s21, s2;
	s4 =	sadd.s32 s25, s13;
	[dreg:$0x15] =	wrdreg s6  }
0x33: {  	s21 =	simm.s32 $0x5;
	s25 =	simm.s32 $0x6;
	[dreg:$0x17] =	wrdreg s24  }
.LBB2_1:
0x34: {  	s1 =	rddreg [dreg:$0xe]  }
0x35: {  	[tilespmem:s8], [sflag:$0x7] =	stream.linear.gather [hbm4b:s1+s3], $0x2800, $0x38;
	[tilespmem:$0x1E140] =	vst v63  }
0x36: {  	_ =	swait.ge [sflag:s9], $0x2800  }
0x37: {  	[sflag:s9] =	ssyncset.done $0x0  }
0x38: {  	[sflag:s9] =	ssyncadd.s32 $0xFFFFD800  }
0x39: {  	[spmem:s20] =	stream.linear.scatter [tilespmem:s8], [sflag:$0x7], $0x2800, $0x38;
	[tilespmem:$0x1E140] =	vst v63  }
0x3a: {  	_ =	swait.ge [sflag:s9], $0x2800  }
0x3b: {  	[sflag:s9] =	ssyncset.done $0x0  }
0x3c: {  	s26 =	rddreg [dreg:$0xf];
	[sflag:s9] =	ssyncadd.s32 $0xFFFFD800  }
0x3d: {  	[tilespmem:s8], [sflag:$0x7] =	stream.linear.gather [hbm4b:s26+s3], $0x2800, $0x38;
	[tilespmem:$0x1E140] =	vst v63  }
0x3e: {  	_ =	swait.ge [sflag:s9], $0x2800  }
0x3f: {  	[sflag:s9] =	ssyncset.done $0x0  }
0x40: {  	[sflag:s9] =	ssyncadd.s32 $0xFFFFD800  }
0x41: {  	[spmem:s16] =	stream.linear.scatter [tilespmem:s8], [sflag:$0x7], $0x2800, $0x38;
	[tilespmem:$0x1E140] =	vst v63  }
0x42: {  	_ =	swait.ge [sflag:s9], $0x2800  }
0x43: {  	[sflag:s9] =	ssyncset.done $0x0  }
0x44: {  	s26 =	smov.u32 s16;
	s16 =	rddreg [dreg:$0x10];
	[sflag:s9] =	ssyncadd.s32 $0xFFFFD800  }
0x45: {  	[tilespmem:s8], [sflag:$0x7] =	stream.linear.gather [hbm4b:s16+s3], $0x2800, $0x38;
	[tilespmem:$0x1E140] =	vst v63  }
0x46: {  	_ =	swait.ge [sflag:s9], $0x2800  }
0x47: {  	[sflag:s9] =	ssyncset.done $0x0  }
0x48: {  	[sflag:s9] =	ssyncadd.s32 $0xFFFFD800  }
0x49: {  	[spmem:s22] =	stream.linear.scatter [tilespmem:s8], [sflag:$0x7], $0x2800, $0x38;
	[tilespmem:$0x1E140] =	vst v63  }
0x4a: {  	s7 =	smov.u32 s0;
	_ =	swait.ge [sflag:s9], $0x2800  }
0x4b: {  	s0 =	smov.u32 s5;
	s5 =	smov.u32 s24;
	[sflag:s9] =	ssyncset.done $0x0  }
0x4c: {  	s24 =	smov.u32 s20;
	s20 =	rddreg [dreg:$0x11];
	[sflag:s9] =	ssyncadd.s32 $0xFFFFD800  }
0x4d: {  	[tilespmem:s8], [sflag:$0x7] =	stream.linear.gather [hbm4b:s20+s3], $0x2800, $0x38;
	[tilespmem:$0x1E140] =	vst v63  }
0x4e: {  	_ =	swait.ge [sflag:s9], $0x2800  }
0x4f: {  	[sflag:s9] =	ssyncset.done $0x0  }
0x50: {  	[sflag:s9] =	ssyncadd.s32 $0xFFFFD800  }
0x51: {  	[spmem:s28] =	stream.linear.scatter [tilespmem:s8], [sflag:$0x7], $0x2800, $0x38;
	[tilespmem:$0x1E140] =	vst v63  }
0x52: {  	_ =	swait.ge [sflag:s9], $0x2800  }
0x53: {  	[sflag:s9] =	ssyncset.done $0x0  }
0x54: {  	s29 =	smov.u32 s22;
	s22 =	rddreg [dreg:$0x12];
	[sflag:s9] =	ssyncadd.s32 $0xFFFFD800  }
0x55: {  	[tilespmem:s8], [sflag:$0x7] =	stream.linear.gather [hbm4b:s22+s3], $0x2800, $0x38;
	[tilespmem:$0x1E140] =	vst v63  }
0x56: {  	_ =	swait.ge [sflag:s9], $0x2800  }
0x57: {  	[sflag:s9] =	ssyncset.done $0x0  }
0x58: {  	[sflag:s9] =	ssyncadd.s32 $0xFFFFD800  }
0x59: {  	[spmem:s6] =	stream.linear.scatter [tilespmem:s8], [sflag:$0x7], $0x2800, $0x38;
	[tilespmem:$0x1E140] =	vst v63  }
0x5a: {  	_ =	swait.ge [sflag:s9], $0x2800  }
0x5b: {  	[sflag:s9] =	ssyncset.done $0x0  }
0x5c: {  	s6 =	rddreg [dreg:$0x13];
	[sflag:s9] =	ssyncadd.s32 $0xFFFFD800  }
0x5d: {  	[tilespmem:s8], [sflag:$0x7] =	stream.linear.gather [hbm4b:s6+s3], $0x2800, $0x38;
	[tilespmem:$0x1E140] =	vst v63  }
0x5e: {  	_ =	swait.ge [sflag:s9], $0x2800  }
0x5f: {  	[sflag:s9] =	ssyncset.done $0x0  }
0x60: {  	[sflag:s9] =	ssyncadd.s32 $0xFFFFD800  }
0x61: {  	[spmem:s5] =	stream.linear.scatter [tilespmem:s8], [sflag:$0x7], $0x2800, $0x38;
	[tilespmem:$0x1E140] =	vst v63  }
0x62: {  	_ =	swait.ge [sflag:s9], $0x2800  }
0x63: {  	[sflag:s9] =	ssyncset.done $0x0  }
0x64: {  	s16 =	rddreg [dreg:$0x14];
	[sflag:s9] =	ssyncadd.s32 $0xFFFFD800  }
0x65: {  	[tilespmem:s8], [sflag:$0x7] =	stream.linear.gather [hbm4b:s16+s3], $0x2800, $0x38;
	[tilespmem:$0x1E140] =	vst v63  }
0x66: {  	_ =	swait.ge [sflag:s9], $0x2800  }
0x67: {  	[sflag:s9] =	ssyncset.done $0x0  }
0x68: {  	[sflag:s9] =	ssyncadd.s32 $0xFFFFD800  }
0x69: {  	[spmem:s0] =	stream.linear.scatter [tilespmem:s8], [sflag:$0x7], $0x2800, $0x38;
	[tilespmem:$0x1E140] =	vst v63  }
0x6a: {  	_ =	swait.ge [sflag:s9], $0x2800  }
0x6b: {  	[sflag:s9] =	ssyncset.done $0x0  }
0x6c: {  	s20 =	rddreg [dreg:$0x16];
	[sflag:s9] =	ssyncadd.s32 $0xFFFFD800  }
0x6d: {  	[tilespmem:s8], [sflag:$0x7] =	stream.linear.gather [hbm4b:s20+s3], $0x2800, $0x38;
	[tilespmem:$0x1E140] =	vst v63  }
0x6e: {  	_ =	swait.ge [sflag:s9], $0x2800  }
0x6f: {  	[sflag:s9] =	ssyncset.done $0x0  }
0x70: {  	[sflag:s9] =	ssyncadd.s32 $0xFFFFD800  }
0x71: {  	[spmem:s7] =	stream.linear.scatter [tilespmem:s8], [sflag:$0x7], $0x2800, $0x38;
	[tilespmem:$0x1E140] =	vst v63  }
0x72: {  	_ =	swait.ge [sflag:s9], $0x2800  }
0x73: {  	[sflag:s9] =	ssyncset.done $0x0  }
0x74: {  	s22 =	rddreg [dreg:$0xb];
	[sflag:s9] =	ssyncadd.s32 $0xFFFFD800  }
0x75: {  	[tilespmem:s3], [sflag:$0x7] =	stream.linear.gather [hbm4b:s22+s3], $0x2780, $0x38;
	[tilespmem:$0x1E140] =	vst v63  }
0x76: {  	_ =	swait.ge [sflag:s9], $0x2780  }
0x77: {  	[sflag:s9] =	ssyncset.done $0x0  }
0x78: {  	[sflag:s9] =	ssyncadd.s32 $0xFFFFD880  }
0x79: {  	[bflag:$0x0] =	sbarrier.arrive $0xFFFF  }
0x7a: {  	s6 =	rddreg [dreg:$0xc]  }
0x7b: {  	[tilespmem:s10], [sflag:$0x3] =	stream.linear.gather [hbm4b:s6+s3], $0x80, $0x38;
	[tilespmem:$0x1E140] =	vst v63  }
0x7c: {  	_ = 	snop  }
0x7d: {  	[tilespmem:s8], [sflag:$0x1] =	stream.indirect.gather [hbm4b:s12+s11], $0x80, s3, s11, $0xb8;
	[tilespmem:$0x1E140] =	vst v63  }
0x7e: {  	s5 =	smov.u32 s0;
	s0 =	smov.u32 s7;
	s7 =	rddreg [dreg:$0x19]  }
0x7f: {  	[tilespmem:s14], [sflag:$0x4] =	stream.linear.gather [hbm4b:s7+s3], $0x80, $0x38;
	[tilespmem:$0x1E140] =	vst v63  }
0x80: {  	_ = 	snop  }
0x81: {  	[tilespmem:s17], [sflag:$0x2] =	stream.indirect.gather [hbm4b:s12+s11], $0x80, s11, s11, $0xb8;
	[tilespmem:$0x1E140] =	vst v63  }
0x82: {  	_ =	swait.ge [sflag:s18], $0x4000  }
0x83: {  	[sflag:s18] =	ssyncset.done $0x0  }
0x84: {  	[sflag:s18] =	ssyncadd.s32 $0xFFFFC000  }
0x85: {  	_ =	swait.ge [sflag:s19], $0x80  }
0x86: {  	[sflag:s19] =	ssyncset.done $0x0  }
0x87: {  	[sflag:s19] =	ssyncadd.s32 $0xFFFFFF80  }
0x88: {  	[spmem:s2] =	stream.indirect.scatter.add.f32 [tilespmem:s8], [sflag:$0x5], $0x80, s10, s11, $0xb8;
	[tilespmem:$0x1E140] =	vst v63  }
0x89: {  	_ =	swait.ge [sflag:s21], $0x4000  }
0x8a: {  	s7 =	rddreg [dreg:$0x18]  }
0x8b: {  	[sflag:s21] =	ssyncset.done $0x0;
	s16 =	sshrl.u32 s7, $0x3  }
0x8c: {  	[sflag:s21] =	ssyncadd.s32 $0xFFFFC000;
	s1 =	sadd.s32 s13, s16  }
0x8d: {  	[tilespmem:s10], [sflag:$0x3] =	stream.linear.gather [hbm4b:s1+s3], $0x80, $0x38;
	[tilespmem:$0x1E140] =	vst v63  }
0x8e: {  	s20 =	simm.s32 $0x100  }
0x8f: {  	[tilespmem:s8], [sflag:$0x1] =	stream.indirect.gather [hbm4b:s12+s11], $0x80, s20, s11, $0xb8;
	[tilespmem:$0x1E140] =	vst v63  }
0x90: {  	_ =	swait.ge [sflag:s23], $0x4000  }
0x91: {  	[sflag:s23] =	ssyncset.done $0x0  }
0x92: {  	[sflag:s23] =	ssyncadd.s32 $0xFFFFC000  }
0x93: {  	_ =	swait.ge [sflag:s15], $0x80  }
0x94: {  	[sflag:s15] =	ssyncset.done $0x0  }
0x95: {  	[sflag:s15] =	ssyncadd.s32 $0xFFFFFF80  }
0x96: {  	[spmem:s2] =	stream.indirect.scatter.add.f32 [tilespmem:s17], [sflag:$0x6], $0x80, s14, s11, $0xb8;
	[tilespmem:$0x1E140] =	vst v63  }
0x97: {  	s31 =	smov.u32 s28;
	s28 =	simm.s32 $0x280;
	_ =	swait.ge [sflag:s25], $0x4000  }
0x98: {  	s22 =	sadd.s32 $0x0, s4;
	s6 =	simm.s32 $0x20;
	[sflag:s25] =	ssyncset.done $0x0  }
0x99: {  	s16 =	sadd.s32 $0x100, s7;
	s1 =	simm.s32 $0x180;
	[sflag:s25] =	ssyncadd.s32 $0xFFFFC000  }
0x9a: {  	[tilespmem:s14], [sflag:$0x4] =	stream.linear.gather [hbm4b:s22+s3], $0x80, $0x38;
	[tilespmem:$0x1E140] =	vst v63  }
.LBB2_2:
0x9b: {  	[tilespmem:s17], [sflag:$0x2] =	stream.indirect.gather [hbm4b:s12+s11], $0x80, s1, s11, $0xb8;
	[tilespmem:$0x1E140] =	vst v63  }
0x9c: {  	s20 =	smov.u32 s6;
	s1 =	smov.u32 s28  }
0x9d: {  	p0 =	sne.s32 s6, $0x4A0;
	s6 =	sadd.s32 $0x20, s6;
	_ =	swait.ge [sflag:s18], $0x4000  }
0x9e: {  	[sflag:s18] =	ssyncset.done $0x0  }
0x9f: {  	[sflag:s18] =	ssyncadd.s32 $0xFFFFC000  }
0xa0: {  	_ =	swait.ge [sflag:s19], $0x80  }
0xa1: {  	[sflag:s19] =	ssyncset.done $0x0  }
0xa2: {  	[sflag:s19] =	ssyncadd.s32 $0xFFFFFF80  }
0xa3: {  	[spmem:s2] =	stream.indirect.scatter.add.f32 [tilespmem:s8], [sflag:$0x5], $0x80, s10, s11, $0xb8;
	[tilespmem:$0x1E140] =	vst v63  }
0xa4: {  	_ =	swait.ge [sflag:s21], $0x4000  }
0xa5: {  	s22 =	sshrl.u32 s16, $0x3;
	[sflag:s21] =	ssyncset.done $0x0  }
0xa6: {  	s22 =	sadd.s32 s13, s22;
	[sflag:s21] =	ssyncadd.s32 $0xFFFFC000  }
0xa7: {  	[tilespmem:s10], [sflag:$0x3] =	stream.linear.gather [hbm4b:s22+s3], $0x80, $0x38;
	[tilespmem:$0x1E140] =	vst v63  }
0xa8: {  	s22 =	sadd.s32 $0xFFFFFF80, s28  }
0xa9: {  	[tilespmem:s8], [sflag:$0x1] =	stream.indirect.gather [hbm4b:s12+s11], $0x80, s22, s11, $0xb8;
	[tilespmem:$0x1E140] =	vst v63  }
0xaa: {  	_ =	swait.ge [sflag:s23], $0x4000  }
0xab: {  	[sflag:s23] =	ssyncset.done $0x0  }
0xac: {  	[sflag:s23] =	ssyncadd.s32 $0xFFFFC000  }
0xad: {  	_ =	swait.ge [sflag:s15], $0x80  }
0xae: {  	[sflag:s15] =	ssyncset.done $0x0  }
0xaf: {  	[sflag:s15] =	ssyncadd.s32 $0xFFFFFF80  }
0xb0: {  	[spmem:s2] =	stream.indirect.scatter.add.f32 [tilespmem:s17], [sflag:$0x6], $0x80, s14, s11, $0xb8;
	[tilespmem:$0x1E140] =	vst v63  }
.Ltmp0:
0xb1: {  	_ =	swait.ge [sflag:s25], $0x4000;
	(pc) =	sbr.rel @p0 .LBB2_2-.Ltmp0, $4  }
0xb2: {  	[sflag:s25] =	ssyncset.done $0x0  }
0xb3: {  	s20 =	sadd.s32 s20, s4;
	[sflag:s25] =	ssyncadd.s32 $0xFFFFC000  }
0xb4: {  	[tilespmem:s14], [sflag:$0x4] =	stream.linear.gather [hbm4b:s20+s3], $0x80, $0x38;
	[tilespmem:$0x1E140] =	vst v63  }
0xb5: {  	s16 =	sadd.s32 $0x100, s16;
	s28 =	sadd.s32 $0x100, s28  }
0xb6: {  	[tilespmem:s17], [sflag:$0x2] =	stream.indirect.gather [hbm4b:s12+s11], $0x80, s1, s11, $0xb8;
	[tilespmem:$0x1E140] =	vst v63  }
0xb7: {  	_ =	swait.ge [sflag:s18], $0x4000  }
0xb8: {  	[sflag:s18] =	ssyncset.done $0x0  }
0xb9: {  	[sflag:s18] =	ssyncadd.s32 $0xFFFFC000  }
0xba: {  	_ =	swait.ge [sflag:s19], $0x80  }
0xbb: {  	[sflag:s19] =	ssyncset.done $0x0  }
0xbc: {  	[sflag:s19] =	ssyncadd.s32 $0xFFFFFF80  }
0xbd: {  	[spmem:s2] =	stream.indirect.scatter.add.f32 [tilespmem:s8], [sflag:$0x5], $0x80, s10, s11, $0xb8;
	[tilespmem:$0x1E140] =	vst v63  }
0xbe: {  	_ =	swait.ge [sflag:s21], $0x4000  }
0xbf: {  	[sflag:s21] =	ssyncset.done $0x0  }
0xc0: {  	s20 =	rddreg [dreg:$0x1a];
	[sflag:s21] =	ssyncadd.s32 $0xFFFFC000  }
0xc1: {  	[tilespmem:s10], [sflag:$0x3] =	stream.linear.gather [hbm4b:s20+s3], $0x80, $0x38;
	[tilespmem:$0x1E140] =	vst v63  }
0xc2: {  	s6 =	simm.s32 $0x2700  }
0xc3: {  	[tilespmem:s8], [sflag:$0x1] =	stream.indirect.gather [hbm4b:s12+s11], $0x80, s6, s11, $0xb8;
	[tilespmem:$0x1E140] =	vst v63  }
0xc4: {  	_ =	swait.ge [sflag:s23], $0x4000  }
0xc5: {  	[sflag:s23] =	ssyncset.done $0x0  }
0xc6: {  	[sflag:s23] =	ssyncadd.s32 $0xFFFFC000  }
0xc7: {  	_ =	swait.ge [sflag:s15], $0x80  }
0xc8: {  	[sflag:s15] =	ssyncset.done $0x0  }
0xc9: {  	[sflag:s15] =	ssyncadd.s32 $0xFFFFFF80  }
0xca: {  	[spmem:s2] =	stream.indirect.scatter.add.f32 [tilespmem:s17], [sflag:$0x6], $0x80, s14, s11, $0xb8;
	[tilespmem:$0x1E140] =	vst v63  }
0xcb: {  	_ =	swait.ge [sflag:s25], $0x4000  }
0xcc: {  	[sflag:s25] =	ssyncset.done $0x0  }
0xcd: {  	[sflag:s25] =	ssyncadd.s32 $0xFFFFC000  }
0xce: {  	[tilespmem:s14], [sflag:$0x4] =	stream.linear.gather [hbm4b:s20+s3], $0x80, $0x38;
	[tilespmem:$0x1E140] =	vst v63  }
0xcf: {  	_ = 	snop  }
0xd0: {  	[tilespmem:s17], [sflag:$0x2] =	stream.indirect.gather [hbm4b:s12+s11], $0x80, s6, s11, $0xb8;
	[tilespmem:$0x1E140] =	vst v63  }
0xd1: {  	_ =	swait.ge [sflag:s18], $0x4000  }
0xd2: {  	[sflag:s18] =	ssyncset.done $0x0  }
0xd3: {  	[sflag:s18] =	ssyncadd.s32 $0xFFFFC000  }
0xd4: {  	_ =	swait.ge [sflag:s19], $0x80  }
0xd5: {  	[sflag:s19] =	ssyncset.done $0x0  }
0xd6: {  	[sflag:s19] =	ssyncadd.s32 $0xFFFFFF80  }
0xd7: {  	[spmem:s2] =	stream.indirect.scatter.add.f32 [tilespmem:s8], [sflag:$0x7], $0x80, s10, s11, $0xb8;
	[tilespmem:$0x1E140] =	vst v63  }
0xd8: {  	_ =	swait.ge [sflag:s9], $0x4000  }
0xd9: {  	[sflag:s9] =	ssyncset.done $0x0  }
0xda: {  	[sflag:s9] =	ssyncadd.s32 $0xFFFFC000  }
0xdb: {  	_ =	swait.ge [sflag:s23], $0x4000  }
0xdc: {  	[sflag:s23] =	ssyncset.done $0x0  }
0xdd: {  	[sflag:s23] =	ssyncadd.s32 $0xFFFFC000  }
0xde: {  	_ =	swait.ge [sflag:s15], $0x80  }
0xdf: {  	[sflag:s15] =	ssyncset.done $0x0  }
0xe0: {  	[sflag:s15] =	ssyncadd.s32 $0xFFFFFF80  }
0xe1: {  	[bflag:$0x0] =	sbarrier.arrive $0xFFFF  }
0xe2: {  	[tilespmem:s8], [sflag:$0x7] =	stream.linear.gather [spmem:s24], $0x2800, $0x38;
	[tilespmem:$0x1E140] =	vst v63  }
0xe3: {  	_ =	swait.ge [sflag:s9], $0x2800  }
0xe4: {  	[sflag:s9] =	ssyncset.done $0x0  }
0xe5: {  	s22 =	rddreg [dreg:$0x3];
	[sflag:s9] =	ssyncadd.s32 $0xFFFFD800  }
0xe6: {  	[hbm4b:s22+s3] =	stream.linear.scatter [tilespmem:s8], [sflag:$0x7], $0x2800, $0x38;
	[tilespmem:$0x1E140] =	vst v63  }
0xe7: {  	_ =	swait.ge [sflag:s9], $0x2800  }
0xe8: {  	[sflag:s9] =	ssyncset.done $0x0  }
0xe9: {  	[sflag:s9] =	ssyncadd.s32 $0xFFFFD800  }
0xea: {  	[tilespmem:s8], [sflag:$0x7] =	stream.linear.gather [spmem:s26], $0x2800, $0x38;
	[tilespmem:$0x1E140] =	vst v63  }
0xeb: {  	_ =	swait.ge [sflag:s9], $0x2800  }
0xec: {  	[sflag:s9] =	ssyncset.done $0x0  }
0xed: {  	s20 =	smov.u32 s24;
	s24 =	rddreg [dreg:$0x4];
	[sflag:s9] =	ssyncadd.s32 $0xFFFFD800  }
0xee: {  	[hbm4b:s24+s3] =	stream.linear.scatter [tilespmem:s8], [sflag:$0x7], $0x2800, $0x38;
	[tilespmem:$0x1E140] =	vst v63  }
0xef: {  	_ =	swait.ge [sflag:s9], $0x2800  }
0xf0: {  	[sflag:s9] =	ssyncset.done $0x0  }
0xf1: {  	[sflag:s9] =	ssyncadd.s32 $0xFFFFD800  }
0xf2: {  	[tilespmem:s8], [sflag:$0x7] =	stream.linear.gather [spmem:s29], $0x2800, $0x38;
	[tilespmem:$0x1E140] =	vst v63  }
0xf3: {  	_ =	swait.ge [sflag:s9], $0x2800  }
0xf4: {  	[sflag:s9] =	ssyncset.done $0x0  }
0xf5: {  	s16 =	smov.u32 s26;
	s26 =	rddreg [dreg:$0x5];
	[sflag:s9] =	ssyncadd.s32 $0xFFFFD800  }
0xf6: {  	[hbm4b:s26+s3] =	stream.linear.scatter [tilespmem:s8], [sflag:$0x7], $0x2800, $0x38;
	[tilespmem:$0x1E140] =	vst v63  }
0xf7: {  	_ =	swait.ge [sflag:s9], $0x2800  }
0xf8: {  	[sflag:s9] =	ssyncset.done $0x0  }
0xf9: {  	[sflag:s9] =	ssyncadd.s32 $0xFFFFD800  }
0xfa: {  	[tilespmem:s8], [sflag:$0x7] =	stream.linear.gather [spmem:s31], $0x2800, $0x38;
	[tilespmem:$0x1E140] =	vst v63  }
0xfb: {  	_ =	swait.ge [sflag:s9], $0x2800  }
0xfc: {  	[sflag:s9] =	ssyncset.done $0x0  }
0xfd: {  	s22 =	smov.u32 s29;
	s29 =	rddreg [dreg:$0x6];
	[sflag:s9] =	ssyncadd.s32 $0xFFFFD800  }
0xfe: {  	[hbm4b:s29+s3] =	stream.linear.scatter [tilespmem:s8], [sflag:$0x7], $0x2800, $0x38;
	[tilespmem:$0x1E140] =	vst v63  }
0xff: {  	_ =	swait.ge [sflag:s9], $0x2800  }
0x100: {  	[sflag:s9] =	ssyncset.done $0x0  }
0x101: {  	s6 =	rddreg [dreg:$0x15];
	[sflag:s9] =	ssyncadd.s32 $0xFFFFD800  }
0x102: {  	[tilespmem:s8], [sflag:$0x7] =	stream.linear.gather [spmem:s6], $0x2800, $0x38;
	[tilespmem:$0x1E140] =	vst v63  }
0x103: {  	_ =	swait.ge [sflag:s9], $0x2800  }
0x104: {  	[sflag:s9] =	ssyncset.done $0x0  }
0x105: {  	s28 =	smov.u32 s31;
	s31 =	rddreg [dreg:$0x7];
	[sflag:s9] =	ssyncadd.s32 $0xFFFFD800  }
0x106: {  	[hbm4b:s31+s3] =	stream.linear.scatter [tilespmem:s8], [sflag:$0x7], $0x2800, $0x38;
	[tilespmem:$0x1E140] =	vst v63  }
0x107: {  	_ =	swait.ge [sflag:s9], $0x2800  }
0x108: {  	[sflag:s9] =	ssyncset.done $0x0  }
0x109: {  	s24 =	rddreg [dreg:$0x17];
	[sflag:s9] =	ssyncadd.s32 $0xFFFFD800  }
0x10a: {  	[tilespmem:s8], [sflag:$0x7] =	stream.linear.gather [spmem:s24], $0x2800, $0x38;
	[tilespmem:$0x1E140] =	vst v63  }
0x10b: {  	_ =	swait.ge [sflag:s9], $0x2800  }
0x10c: {  	[sflag:s9] =	ssyncset.done $0x0  }
0x10d: {  	s7 =	rddreg [dreg:$0x8];
	[sflag:s9] =	ssyncadd.s32 $0xFFFFD800  }
0x10e: {  	[hbm4b:s7+s3] =	stream.linear.scatter [tilespmem:s8], [sflag:$0x7], $0x2800, $0x38;
	[tilespmem:$0x1E140] =	vst v63  }
0x10f: {  	_ =	swait.ge [sflag:s9], $0x2800  }
0x110: {  	[sflag:s9] =	ssyncset.done $0x0  }
0x111: {  	[sflag:s9] =	ssyncadd.s32 $0xFFFFD800  }
0x112: {  	[tilespmem:s8], [sflag:$0x7] =	stream.linear.gather [spmem:s5], $0x2800, $0x38;
	[tilespmem:$0x1E140] =	vst v63  }
0x113: {  	_ =	swait.ge [sflag:s9], $0x2800  }
0x114: {  	[sflag:s9] =	ssyncset.done $0x0  }
0x115: {  	s26 =	rddreg [dreg:$0x9];
	[sflag:s9] =	ssyncadd.s32 $0xFFFFD800  }
0x116: {  	[hbm4b:s26+s3] =	stream.linear.scatter [tilespmem:s8], [sflag:$0x7], $0x2800, $0x38;
	[tilespmem:$0x1E140] =	vst v63  }
0x117: {  	_ =	swait.ge [sflag:s9], $0x2800  }
0x118: {  	[sflag:s9] =	ssyncset.done $0x0  }
0x119: {  	[sflag:s9] =	ssyncadd.s32 $0xFFFFD800  }
0x11a: {  	[tilespmem:s8], [sflag:$0x7] =	stream.linear.gather [spmem:s0], $0x2800, $0x38;
	[tilespmem:$0x1E140] =	vst v63  }
0x11b: {  	_ =	swait.ge [sflag:s9], $0x2800  }
0x11c: {  	[sflag:s9] =	ssyncset.done $0x0  }
0x11d: {  	s29 =	rddreg [dreg:$0xa];
	[sflag:s9] =	ssyncadd.s32 $0xFFFFD800  }
0x11e: {  	[hbm4b:s29+s3] =	stream.linear.scatter [tilespmem:s8], [sflag:$0x7], $0x2800, $0x38;
	[tilespmem:$0x1E140] =	vst v63  }
0x11f: {  	_ =	swait.ge [sflag:s9], $0x2800  }
0x120: {  	s30 =	sadd.s32 $0x1, s30;
	s31 =	rddreg [dreg:$0xd]  }
0x121: {  	p0 =	sne.s32 s30, s31  }
.Ltmp1:
0x122: {  	_ = 	snop;
	(pc) =	sbr.rel @p0 .LBB2_1-.Ltmp1, $3  }
0x123: {  	_ =	sdelay $0x1  }
0x124: {  	[sflag:s9] =	ssyncset.done $0x0  }
0x125: {  	[sflag:s9] =	ssyncadd.s32 $0xFFFFD800  }
0x126: {  	_ =	sfence.sel $0x180000  }
0x127: {  	[bflag:$0x0] =	sbarrier.arrive $0xFFFF  }
0x128: {  	_ =	strace $0x9000004D  }
0x129: {  	s0 =	stileid.u32;
	[bflag:$0x2] =	sbarrier.arrive $0xFFFF  }
0x12a: {  	p0 =	sne.s32 s0, $0x0;
	s0 =	rddreg [dreg:$0x2]  }
0x12b: {  	s0 =	sadd.s32 @!p0 $0x100000, s0  }
0x12c: {  	[sflag:s0] =	ssyncadd.tile.s32 @!p0 $0x1;
	_ =	shalt  }
.Lfunc_end2:
_tile_overlayer_lowered:
.L_overlay_start_2:
0x12d: {  	(tag) =	ssettag $0x2  }
0x12e: {  	s0 =	rddreg [dreg:$0x0];
	s2 =	stileid.u32  }
0x12f: {  	s1 =	rddreg [dreg:$0x1];
	p0 =	sne.s32 s2, $0x0  }
0x130: {  	s3 =	rddreg [dreg:$0x2];
	[bflag:$0x3] =	sbarrier.arrive $0xFFFF;
	s2 =	simm.s32 @!p0 $0x1C07  }
0x131: {  	[timem:s3], [sflag:s2] =	dma.local @!p0 [hbm:s0], s1  }
0x132: {  	s0 =	simm.s32 @!p0 $0x7  }
0x133: {  	_ =	swait.ge @!p0 [sflag:s0], s1  }
0x134: {  	s1 =	ssub.s32 @!p0 $0x0, s1;
	[sflag:s0] =	ssyncset.done @!p0 $0x0  }
0x135: {  	[sflag:s0] =	ssyncadd.s32 @!p0 s1  }
0x136: {  	[bflag:$0x3] =	sbarrier.arrive $0xFFFF  }
0x137: {  	_ =	shalt  }

// kernel: kernel.9.cloned.1.call-start
scs
__scs_entry_jumppad:
0x0: {  	(pc) =	sbr.rel $0x88, $3  }
0x1: {  	(tag) =	ssettag $0x0;
	lr =	simm.s32 $0x1  }
0x2: {  	[smem:$0x3F87] =	sst lr;
	_ =	strace $0xD0000000  }
0x3: {  	_ = 	snop  }
0x4: {  	_ = 	snop  }
0x5: {  	_ = 	snop  }
0x6: {  	_ = 	snop  }
0x7: {  	_ = 	snop  }
__scs_overlays_trampoline_lowered:
0x8: {  	[smem:$0x3F96] =	sst s0  }
0x9: {  	[smem:$0x3F97] =	sst s1  }
0xa: {  	[smem:$0x3F98] =	sst s2  }
0xb: {  	[smem:$0x3F99] =	sst s3  }
0xc: {  	[smem:$0x3F9A] =	sst s4  }
0xd: {  	[smem:$0x3F9B] =	sst s5  }
0xe: {  	[smem:$0x3F9C] =	sst s6  }
0xf: {  	[smem:$0x3F9D] =	sst s7  }
0x10: {  	[smem:$0x3F9E] =	sst s8  }
0x11: {  	[smem:$0x3F9F] =	sst s9;
	s0 =	simm.s32 @!p0 $0x0  }
0x12: {  	s1 =	sld [smem:$0x3F85];
	s0 =	simm.s32 @p0 $0x1  }
0x13: {  	[smem:$0x3FA0] =	sst s0;
	s0 =	simm.s32 @!p1 $0x0  }
0x14: {  	s2 =	sld [smem:$0x3F84];
	s0 =	simm.s32 @p1 $0x1  }
0x15: {  	[smem:$0x3FA1] =	sst s0;
	s0 =	simm.s32 @!p2 $0x0  }
0x16: {  	s3 =	sld [smem:$0x3FDB];
	s0 =	simm.s32 @p2 $0x1  }
0x17: {  	s4 =	simm.s32 $0x1BF5;
	[smem:$0x3FA3] =	sst s0  }
0x18: {  	s0 =	sld [smem:$0x3F86];
	_ =	swait.ge [sflag:s4], $0x0  }
0x19: {  	s7 =	sld [smem:$0x3F87]  }
0x1a: {  	s8 =	sadd.s32 $0xFFFFE003, lr  }
0x1b: {  	s9 =	sadd.s32 $0xFFFFFEF7, lr;
	s5 =	simm.s32 $0xFFFFFFFF;
	p2 =	slt.u32 s8, $0xFFFFF086  }
0x1c: {  	p1 =	slt.u32 s9, $0xF7A;
	s5 =	simm.s32 @!p2 $0x0  }
0x1d: {  	s5 =	simm.s32 @p1 $0x1;
	p0 =	seq.s32 s7, s2  }
0x1e: {  	s7 =	smul.u32 @!p0 $0xF7A, s2;
	p2 =	seq.s32 @!p0 s5, $0x0  }
0x1f: {  	s9 =	smul.u32 $0xF7A, s1;
	s8 =	simm.s32 @!p0 $0x1BF5;
	p2 =	por !p2, p0  }
0x20: {  	[sflag:s8] =	ssyncset.s32 @!p0 $0xFFFFF086;
	s6 =	sadd.s32 @!p0 s3, s7;
	s7 =	simm.s32 @!p0 $0x108  }
0x21: {  	s3 =	sadd.s32 s3, s9;
	s6 =	sadd.s32 @!p0 $0x88, s6;
	s7 =	simm.s32 @p2 $0x1082  }
0x22: {  	[simem:s7], [sflag:s8] =	dma.local @!p0 [hbm:s6], $0xF7A  }
0x23: {  	s9 =	sor.u32 $0xD0000000, s2;
	s6 =	simm.s32 $0x108;
	_ =	swait.ge @!p0 [sflag:s8], $0x0  }
0x24: {  	s3 =	sadd.s32 $0x88, s3;
	s6 =	simm.s32 @!p1 $0x1082;
	[sflag:s4] =	ssyncset.s32 $0xFFFFF086  }
0x25: {  	[simem:s6], [sflag:s4] =	dma.local [hbm:s3], $0xF7A  }
0x26: {  	[smem:$0x3F87] =	sst s1;
	(tag) =	ssettag s2;
	_ =	strace s9  }
0x27: {  	s1 =	sld [smem:$0x3F97]  }
0x28: {  	s2 =	sld [smem:$0x3F98]  }
0x29: {  	s4 =	sld [smem:$0x3F9A]  }
0x2a: {  	p0 =	seq.s32 s5, $0x0;
	s5 =	sld [smem:$0x3F9B]  }
0x2b: {  	s6 =	sld [smem:$0x3F9C]  }
0x2c: {  	s7 =	sld [smem:$0x3F9D]  }
0x2d: {  	s3 =	simm.s32 $0x108;
	s8 =	sld [smem:$0x3F9E]  }
0x2e: {  	s3 =	simm.s32 @!p0 $0x1082;
	s9 =	sld [smem:$0x3F9F]  }
0x2f: {  	lr =	sadd.s32 s0, s3;
	s0 =	sld [smem:$0x3F96]  }
0x30: {  	s3 =	sld [smem:$0x3F99]  }
0x31: {  	[smem:$0x3FA2] =	sst s10  }
0x32: {  	s10 =	sld [smem:$0x3FA0];
	_ =	sdelay $0x3  }
0x33: {  	p0 =	seq.s32 s10, $0x1;
	s10 =	sld [smem:$0x3FA2];
	_ =	sdelay $0x3  }
0x34: {  	[smem:$0x3FA2] =	sst s10  }
0x35: {  	s10 =	sld [smem:$0x3FA1];
	_ =	sdelay $0x3  }
0x36: {  	p1 =	seq.s32 s10, $0x1;
	s10 =	sld [smem:$0x3FA2];
	_ =	sdelay $0x3  }
0x37: {  	[smem:$0x3FA2] =	sst s10  }
0x38: {  	s10 =	sld [smem:$0x3FA3]  }
0x39: {  	_ = 	snop;
	(pc) =	sbr.ind lr, $3  }
0x3a: {  	_ = 	snop  }
0x3b: {  	_ = 	snop  }
0x3c: {  	p2 =	seq.s32 s10, $0x1;
	s10 =	sld [smem:$0x3FA2]  }
0x3d: {  	_ =	shalt  }
0x3e: {  	_ =	shalt  }
0x3f: {  	_ =	shalt  }
0x40: {  	_ =	shalt  }
0x41: {  	_ =	shalt  }
0x42: {  	_ =	shalt  }
0x43: {  	_ =	shalt  }
0x44: {  	_ =	shalt  }
0x45: {  	_ =	shalt  }
0x46: {  	_ =	shalt  }
0x47: {  	_ =	shalt  }
0x48: {  	_ =	shalt  }
0x49: {  	_ =	shalt  }
0x4a: {  	_ =	shalt  }
0x4b: {  	_ =	shalt  }
0x4c: {  	_ =	shalt  }
0x4d: {  	_ =	shalt  }
0x4e: {  	_ =	shalt  }
0x4f: {  	_ =	shalt  }
0x50: {  	_ =	shalt  }
0x51: {  	_ =	shalt  }
0x52: {  	_ =	shalt  }
0x53: {  	_ =	shalt  }
0x54: {  	_ =	shalt  }
0x55: {  	_ =	shalt  }
0x56: {  	_ =	shalt  }
0x57: {  	_ =	shalt  }
0x58: {  	_ =	shalt  }
0x59: {  	_ =	shalt  }
0x5a: {  	_ =	shalt  }
0x5b: {  	_ =	shalt  }
0x5c: {  	_ =	shalt  }
0x5d: {  	_ =	shalt  }
0x5e: {  	_ =	shalt  }
0x5f: {  	_ =	shalt  }
0x60: {  	_ =	shalt  }
0x61: {  	_ =	shalt  }
0x62: {  	_ =	shalt  }
0x63: {  	_ =	shalt  }
0x64: {  	_ =	shalt  }
0x65: {  	_ =	shalt  }
0x66: {  	_ =	shalt  }
0x67: {  	_ =	shalt  }
0x68: {  	_ =	shalt  }
0x69: {  	_ =	shalt  }
0x6a: {  	_ =	shalt  }
0x6b: {  	_ =	shalt  }
0x6c: {  	_ =	shalt  }
0x6d: {  	_ =	shalt  }
0x6e: {  	_ =	shalt  }
0x6f: {  	_ =	shalt  }
0x70: {  	_ =	shalt  }
0x71: {  	_ =	shalt  }
0x72: {  	_ =	shalt  }
0x73: {  	_ =	shalt  }
0x74: {  	_ =	shalt  }
0x75: {  	_ =	shalt  }
0x76: {  	_ =	shalt  }
0x77: {  	_ =	shalt  }
0x78: {  	_ =	shalt  }
0x79: {  	_ =	shalt  }
0x7a: {  	_ =	shalt  }
0x7b: {  	_ =	shalt  }
0x7c: {  	_ =	shalt  }
0x7d: {  	_ =	shalt  }
0x7e: {  	_ =	shalt  }
0x7f: {  	_ =	shalt  }
0x80: {  	_ =	shalt  }
0x81: {  	_ =	shalt  }
0x82: {  	_ =	shalt  }
0x83: {  	_ =	shalt  }
0x84: {  	_ =	shalt  }
0x85: {  	_ =	shalt  }
0x86: {  	_ =	shalt  }
0x87: {  	_ =	shalt  }
.Lfunc_end0:
.L_simem_size_0:
called_computation_lowered:
.L_overlay_start_0:
0x88: {  	s2 =	sld [smem:$0x3FD9]  }
0x89: {  	s3 =	sld [smem:$0x3FFE];
	_ =	sdelay $0x1  }
0x8a: {  	s1 =	srdreg.scid  }
0x8b: {  	s0 =	sand.u32 $0x1, s1  }
0x8c: {  	s17 =	sshll.u32 s0, $0xA;
	s2 =	sadd.s32 s3, s2  }
0x8d: {  	s2 =	sadd.s32 s2, s17  }
0x8e: {  	[smem:$0x3FAE] =	sst s2  }
0x8f: {  	_ = 	snop  }
0x90: {  	s2 =	sld [smem:$0x3FD0];
	(tm) =	ssettm $0x1  }
0x91: {  	s18 =	sld [smem:$0x3FFB];
	_ =	sdelay $0x3  }
0x92: {  	_ =	strace s18  }
0x93: {  	s3 =	sld [smem:$0x3FFC];
	_ =	sdelay $0x3  }
0x94: {  	_ =	strace s3  }
0x95: {  	s3 =	sld [smem:$0x3FFD];
	_ =	sdelay $0x3  }
0x96: {  	_ =	strace s3  }
0x97: {  	_ =	strace $0x8FFFFFFF  }
0x98: {  	s19 =	sld [smem:$0x3FDB];
	_ =	sdelay $0x1  }
0x99: {  	s4 =	simm.s32 $_scs_section_size  }
0x9a: {  	s5 =	simm.s32 $_size__tile_overlayer_lowered;
	s6 =	simm.s32 $_tile_overlayer_lowered  }
0x9b: {  	s22 =	simm.s32 $0x1BFF;
	s21 =	sshll.u32 s6, $0x1;
	s3 =	sadd.s32 s4, s19  }
0x9c: {  	s7 =	simm.s32 $0x0;
	s20 =	sshll.u32 s5, $0x1;
	s5 =	sadd.s32 s21, s3  }
0x9d: {  	[timem:s7], [sflag:s22] =	dma.local [hbm:s5], s20  }
0x9e: {  	_ =	swait.ge [sflag:s22], s20  }
0x9f: {  	s4 =	ssub.s32 $0x0, s20;
	[sflag:s22] =	ssyncset.done $0x0  }
0xa0: {  	[sflag:s22] =	ssyncadd.s32 s4;
	_ =	sdelay $0x1  }
0xa1: {  	s23 =	simm.s32 $0x1B8B  }
0xa2: {  	_ =	swait.ge [sflag:s23], $0x1  }
0xa3: {  	[sflag:s23] =	ssyncset.done $0x0  }
0xa4: {  	s25 =	simm.s32 $0x1B8E;
	s24 =	sld [smem:$0x3FFE];
	[sflag:s23] =	ssyncadd.s32 $0xFFFFFFFF  }
0xa5: {  	s26 =	simm.s32 $execute0_lowered;
	[smem:$0x3FD2] =	sst s25  }
0xa6: {  	s5 =	sshll.u32 s26, $0x1;
	_ =	strace $0x80000046;
	[dreg:$0x1] =	wrdreg $0xFFFFFFFF  }
0xa7: {  	s28 =	simm.s32 $_size_execute0_lowered;
	s3 =	sadd.s32 s3, s5;
	[dreg:$0x0] =	wrdreg $0x0  }
0xa8: {  	s5 =	sshll.u32 s28, $0x1;
	[dreg:$0x2] =	wrdreg s3  }
0xa9: {  	[dreg:$0x3] =	wrdreg s5  }
0xaa: {  	[dreg:$0x4] =	wrdreg $0xC0  }
0xab: {  	_ =	task [dreg:s7], $0x5FFFF  }
0xac: {  	[dreg:$0x1] =	wrdreg $0xFFFFFFFF  }
0xad: {  	[dreg:$0x0] =	wrdreg $0x60  }
0xae: {  	[dreg:$0x2] =	wrdreg s24  }
0xaf: {  	[dreg:$0x3] =	wrdreg s2  }
0xb0: {  	[dreg:$0x4] =	wrdreg $0x6A000  }
0xb1: {  	[dreg:$0x5] =	wrdreg $0x9  }
0xb2: {  	_ =	task.clear_ibuf [dreg:s7], $0x6FFFF;
	_ =	strace $0x90000046  }
0xb3: {  	s29 =	simm.s32 $0x9;
	_ =	strace $0x80000048  }
0xb4: {  	_ =	swait.ge [sflag:s29], $0x1  }
0xb5: {  	[sflag:s29] =	ssyncadd.s32 $0xFFFFFFFF  }
0xb6: {  	_ =	strace $0x90000048  }
0xb7: {  	_ =	sfence  }
0xb8: {  	s30 =	sld [smem:$0x0];
	_ =	sdelay $0x2  }
0xb9: {  	s31 =	sshll.u32 s1, $0xD;
	s1 =	sshrl.u32 s1, $0x2  }
0xba: {  	s3 =	sand.u32 $0x4000, s31;
	s1 =	sadd.s32 s1, s30  }
0xbb: {  	s0 =	sor.u32 s3, s0;
	s1 =	sshll.u32 s1, $0x11  }
0xbc: {  	s0 =	sor.u32 s1, s0  }
0xbd: {  	s0 =	sadd.s32 $0x8F2B, s0  }
0xbe: {  	[sflag:s0] =	ssyncadd.remote.s32 $0x1  }
0xbf: {  	_ =	sfence.sel $0xFFFF  }
0xc0: {  	[dreg:$0x0] =	wrdreg $0xFFFFFFFF;
	(pc) =	sbr.abs _section_cstart, $3  }
0xc1: {  	[dreg:$0x1] =	wrdreg $0xFFFFFFFF  }
0xc2: {  	_ =	task.clear_ibuf [dreg:s7], $0x2FFFF;
	_ =	strace $0x9FFFFFFF  }
0xc3: {  	(tm) =	ssettm $0x7FFFFFFF  }
tec
execute0_lowered:
.L_overlay_start_1:
0x0: {  	(tag) =	ssettag $0x1  }
0x1: {  	s1 =	srdreg.scid;
	s20 =	stileid.u32  }
0x2: {  	s0 =	rddreg [dreg:$0x0];
	s1 =	sand.u32 $0x1, s1;
	s9 =	smul.u32 $0x2800, s20  }
0x3: {  	s3 =	rddreg [dreg:$0x2];
	s10 =	sor.u32 $0x20, s20;
	s8 =	smul.u32 $0x138800, s1  }
0x4: {  	s4 =	simm.s32 $0x0;
	s11 =	sor.u32 $0x30, s20;
	s16 =	smul.u32 $0x2800, s10  }
0x5: {  	s30 =	simm.s32 $0x2;
	s12 =	sor.u32 $0x40, s20;
	s24 =	smul.u32 $0x2800, s11  }
0x6: {  	s31 =	simm.s32 $0x6;
	s14 =	sor.u32 $0x50, s20;
	s18 =	smul.u32 $0x2800, s12  }
0x7: {  	s2 =	sshll.u32 s20, $0x1;
	[smem:$0x7FF] =	sst s4;
	s26 =	smul.u32 $0x2800, s14  }
0x8: {  	s2 =	sor.u32 s1, s2;
	s5 =	ssub.s32 $0x2, s1;
	s1 =	smul.u32 $0x2780, s1  }
0x9: {  	s6 =	sadd.s32 $0xD800, s0;
	s15 =	sor.u32 $0x70, s20;
	s10 =	smul.u32 $0xA000, s10  }
0xa: {  	s17 =	sor.u32 $0x60, s20;
	_ =	strace $0x80000047;
	s11 =	smul.u32 $0xA000, s11  }
0xb: {  	s15 =	smin.u32 s15, $0x7C;
	s12 =	smul.u32 $0xA000, s12;
	s7 =	sshrl.u32 s5, $0x1  }
0xc: {  	s2 =	smul.u32 $0x2780, s2;
	s5 =	ssub.s32 s5, s7;
	s7 =	sor.u32 $0x10, s20  }
0xd: {  	s9 =	sadd.s32 s8, s9;
	s21 =	sadd.s32 s8, s18;
	s18 =	smul.u32 $0xA000, s14  }
0xe: {  	s23 =	sadd.s32 s8, s16;
	s19 =	sadd.s32 s8, s24;
	s13 =	smul.u32 $0x2800, s7  }
0xf: {  	s9 =	sshrl.u32 s9, $0x3;
	s16 =	sshrl.u32 s21, $0x3;
	s5 =	smax.u32 s5, $0x1  }
0x10: {  	s2 =	sshrl.u32 s2, $0x3;
	s9 =	sadd.s32 s6, s9;
	[dreg:$0xe] =	wrdreg s5  }
0x11: {  	[dreg:$0x4] =	wrdreg s9;
	s22 =	sadd.s32 s8, s13;
	s13 =	sshrl.u32 s23, $0x3  }
0x12: {  	s23 =	sadd.s32 s6, s16;
	s16 =	sshrl.u32 s10, $0x2;
	s9 =	sshrl.u32 s22, $0x3  }
0x13: {  	s25 =	sadd.s32 s6, s13;
	s22 =	smul.u32 $0x2800, s17;
	s13 =	sshrl.u32 s19, $0x3  }
0x14: {  	s19 =	smul.u32 $0x2800, s15;
	[dreg:$0x8] =	wrdreg s23;
	s21 =	sadd.s32 s16, s3  }
0x15: {  	s23 =	smul.u32 $0xA000, s17;
	s9 =	sadd.s32 s6, s9;
	[dreg:$0x6] =	wrdreg s25  }
0x16: {  	s13 =	sadd.s32 s6, s13;
	s25 =	smul.u32 $0x4F00, s20;
	[dreg:$0x5] =	wrdreg s9  }
0x17: {  	[dreg:$0x7] =	wrdreg s13;
	s9 =	sadd.s32 s8, s26;
	s24 =	sadd.s32 s8, s22  }
0x18: {  	s8 =	sadd.s32 s8, s19;
	s22 =	sshrl.u32 s11, $0x2;
	s9 =	sshrl.u32 s9, $0x3  }
0x19: {  	s13 =	sshrl.u32 s24, $0x3;
	s8 =	sshrl.u32 s8, $0x3;
	s1 =	sadd.s32 s1, s25  }
0x1a: {  	s28 =	sadd.s32 s22, s3;
	s24 =	sshrl.u32 s12, $0x2;
	s25 =	smul.u32 $0xA000, s15  }
0x1b: {  	s9 =	sadd.s32 s6, s9;
	s26 =	sadd.s32 s6, s13;
	[dreg:$0x10] =	wrdreg s28  }
0x1c: {  	s6 =	sadd.s32 s6, s8;
	s8 =	smul.u32 $0xA000, s20;
	[dreg:$0x9] =	wrdreg s9  }
0x1d: {  	s13 =	sadd.s32 $0x3400, s0;
	s0 =	sadd.s32 $0xD200, s0;
	[dreg:$0xa] =	wrdreg s26  }
0x1e: {  	s22 =	sadd.s32 s24, s3;
	s5 =	sadd.s32 $0x300, s1;
	[dreg:$0xb] =	wrdreg s6  }
0x1f: {  	[dreg:$0xc] =	wrdreg s0;
	s9 =	smul.u32 $0xA000, s7;
	s26 =	sshrl.u32 s18, $0x2  }
0x20: {  	s7 =	sadd.s32 $0x380, s1;
	s18 =	simm.s32 $0x0;
	[dreg:$0xf] =	wrdreg s22  }
0x21: {  	s6 =	sshrl.u32 s8, $0x2;
	s8 =	sadd.s32 s13, s2;
	s2 =	sshrl.u32 s23, $0x2  }
0x22: {  	s24 =	sadd.s32 s26, s3;
	[dreg:$0x1a] =	wrdreg s18;
	s19 =	sadd.s32 s6, s3  }
0x23: {  	s0 =	sshrl.u32 s9, $0x2;
	s23 =	sadd.s32 s2, s3;
	s2 =	sshrl.u32 s25, $0x2  }
0x24: {  	s6 =	sadd.s32 $0x280, s1;
	s1 =	sadd.s32 $0x200, s1;
	[dreg:$0xd] =	wrdreg s8  }
0x25: {  	s9 =	sshrl.u32 s7, $0x3;
	s10 =	sadd.s32 $0x10, s8;
	[dreg:$0x13] =	wrdreg s1  }
0x26: {  	s11 =	sadd.s32 $0x20, s8;
	s12 =	sadd.s32 $0x30, s8;
	[dreg:$0x14] =	wrdreg s10  }
0x27: {  	s14 =	sadd.s32 $0x4C0, s8;
	s15 =	sadd.s32 $0x4D0, s8;
	[dreg:$0x15] =	wrdreg s11  }
0x28: {  	s17 =	sadd.s32 $0x4E0, s8;
	s7 =	simm.s32 $0x4000;
	[dreg:$0x16] =	wrdreg s12  }
0x29: {  	s8 =	simm.s32 $0x6800;
	s20 =	sadd.s32 s0, s3;
	[dreg:$0x17] =	wrdreg s14  }
0x2a: {  	s16 =	sadd.s32 s2, s3;
	s0 =	sshrl.u32 s5, $0x3;
	[dreg:$0x18] =	wrdreg s15  }
0x2b: {  	s2 =	sshrl.u32 s6, $0x3;
	s29 =	sadd.s32 s9, s13;
	[dreg:$0x19] =	wrdreg s17  }
0x2c: {  	s6 =	simm.s32 $0x9;
	s9 =	simm.s32 $0x6880;
	s10 =	simm.s32 $0x6900  }
0x2d: {  	s11 =	simm.s32 $0x6980;
	s12 =	simm.s32 $0x1;
	s14 =	simm.s32 $0x80  }
0x2e: {  	s17 =	simm.s32 $0x5;
	s1 =	simm.s32 $0x7;
	s15 =	simm.s32 $0x8  }
0x2f: {  	[dreg:$0x11] =	wrdreg s23;
	s25 =	sadd.s32 s0, s13;
	s26 =	sadd.s32 s2, s13  }
0x30: {  	s0 =	simm.s32 $0x3;
	s2 =	simm.s32 $0x4;
	[dreg:$0x12] =	wrdreg s16  }
.LBB2_1:
0x31: {  	s18 =	rddreg [dreg:$0x1]  }
0x32: {  	[tilespmem:s4], [sflag:$0x9] =	stream.linear.gather [hbm4b:s18+s4], $0x4000, $0x38;
	[tilespmem:$0x1A2C0] =	vst v63  }
0x33: {  	_ =	swait.ge [sflag:s6], $0x4000  }
0x34: {  	[sflag:s6] =	ssyncset.done $0x0  }
0x35: {  	s5 =	rddreg [dreg:$0xc];
	[sflag:s6] =	ssyncadd.s32 $0xFFFFC000  }
0x36: {  	[tilespmem:s7], [sflag:$0x9] =	stream.linear.gather [hbm4b:s5+s4], $0x2800, $0x38;
	[tilespmem:$0x1A2C0] =	vst v63  }
0x37: {  	_ =	swait.ge [sflag:s6], $0x2800  }
0x38: {  	[sflag:s6] =	ssyncset.done $0x0  }
0x39: {  	[sflag:s6] =	ssyncadd.s32 $0xFFFFD800  }
0x3a: {  	[spmem:s19] =	stream.linear.scatter [tilespmem:s7], [sflag:$0x9], $0x2800, $0x38;
	[tilespmem:$0x1A2C0] =	vst v63  }
0x3b: {  	_ =	swait.ge [sflag:s6], $0x2800  }
0x3c: {  	[sflag:s6] =	ssyncset.done $0x0  }
0x3d: {  	[sflag:s6] =	ssyncadd.s32 $0xFFFFD800  }
0x3e: {  	[spmem:s20] =	stream.linear.scatter [tilespmem:s7], [sflag:$0x9], $0x2800, $0x38;
	[tilespmem:$0x1A2C0] =	vst v63  }
0x3f: {  	_ =	swait.ge [sflag:s6], $0x2800  }
0x40: {  	[sflag:s6] =	ssyncset.done $0x0  }
0x41: {  	[sflag:s6] =	ssyncadd.s32 $0xFFFFD800  }
0x42: {  	[spmem:s21] =	stream.linear.scatter [tilespmem:s7], [sflag:$0x9], $0x2800, $0x38;
	[tilespmem:$0x1A2C0] =	vst v63  }
0x43: {  	_ =	swait.ge [sflag:s6], $0x2800  }
0x44: {  	[sflag:s6] =	ssyncset.done $0x0  }
0x45: {  	s18 =	smov.u32 s28;
	[sflag:s6] =	ssyncadd.s32 $0xFFFFD800  }
0x46: {  	[spmem:s18] =	stream.linear.scatter [tilespmem:s7], [sflag:$0x9], $0x2800, $0x38;
	[tilespmem:$0x1A2C0] =	vst v63  }
0x47: {  	_ =	swait.ge [sflag:s6], $0x2800  }
0x48: {  	[sflag:s6] =	ssyncset.done $0x0  }
0x49: {  	s5 =	smov.u32 s22;
	[sflag:s6] =	ssyncadd.s32 $0xFFFFD800  }
0x4a: {  	[spmem:s5] =	stream.linear.scatter [tilespmem:s7], [sflag:$0x9], $0x2800, $0x38;
	[tilespmem:$0x1A2C0] =	vst v63  }
0x4b: {  	_ =	swait.ge [sflag:s6], $0x2800  }
0x4c: {  	[sflag:s6] =	ssyncset.done $0x0  }
0x4d: {  	[sflag:s6] =	ssyncadd.s32 $0xFFFFD800  }
0x4e: {  	[spmem:s24] =	stream.linear.scatter [tilespmem:s7], [sflag:$0x9], $0x2800, $0x38;
	[tilespmem:$0x1A2C0] =	vst v63  }
0x4f: {  	_ =	swait.ge [sflag:s6], $0x2800  }
0x50: {  	[sflag:s6] =	ssyncset.done $0x0  }
0x51: {  	s22 =	smov.u32 s19;
	s19 =	smov.u32 s23;
	[sflag:s6] =	ssyncadd.s32 $0xFFFFD800  }
0x52: {  	[spmem:s19] =	stream.linear.scatter [tilespmem:s7], [sflag:$0x9], $0x2800, $0x38;
	[tilespmem:$0x1A2C0] =	vst v63  }
0x53: {  	_ =	swait.ge [sflag:s6], $0x2800  }
0x54: {  	[sflag:s6] =	ssyncset.done $0x0  }
0x55: {  	[sflag:s6] =	ssyncadd.s32 $0xFFFFD800  }
0x56: {  	[spmem:s16] =	stream.linear.scatter [tilespmem:s7], [sflag:$0x9], $0x2800, $0x38;
	[tilespmem:$0x1A2C0] =	vst v63  }
0x57: {  	_ =	swait.ge [sflag:s6], $0x2800  }
0x58: {  	[sflag:s6] =	ssyncset.done $0x0  }
0x59: {  	[sflag:s6] =	ssyncadd.s32 $0xFFFFD800  }
0x5a: {  	[bflag:$0x0] =	sbarrier.arrive $0xFFFF  }
0x5b: {  	s16 =	rddreg [dreg:$0xd]  }
0x5c: {  	[tilespmem:s8], [sflag:$0x1] =	stream.linear.gather [hbm4b:s16+s4], $0x80, $0x38;
	[tilespmem:$0x1A2C0] =	vst v63  }
0x5d: {  	s19 =	rddreg [dreg:$0x14]  }
0x5e: {  	[tilespmem:s9], [sflag:$0x2] =	stream.linear.gather [hbm4b:s19+s4], $0x80, $0x38;
	[tilespmem:$0x1A2C0] =	vst v63  }
0x5f: {  	s23 =	smov.u32 s20;
	s20 =	rddreg [dreg:$0x15]  }
0x60: {  	[tilespmem:s10], [sflag:$0x3] =	stream.linear.gather [hbm4b:s20+s4], $0x80, $0x38;
	[tilespmem:$0x1A2C0] =	vst v63  }
0x61: {  	s28 =	smov.u32 s21;
	s21 =	rddreg [dreg:$0x16]  }
0x62: {  	[tilespmem:s11], [sflag:$0x4] =	stream.linear.gather [hbm4b:s21+s4], $0x80, $0x38;
	[tilespmem:$0x1A2C0] =	vst v63  }
0x63: {  	_ =	swait.ge [sflag:s12], $0x80  }
0x64: {  	[sflag:s12] =	ssyncset.done $0x0  }
0x65: {  	[sflag:s12] =	ssyncadd.s32 $0xFFFFFF80  }
0x66: {  	[spmem:s3] =	stream.indirect.scatter.add.f32 [tilespmem:s4], [sflag:$0x5], $0x80, s8, s14, $0xb8;
	[tilespmem:$0x1A2C0] =	vst v63  }
0x67: {  	_ =	swait.ge [sflag:s17], $0x4000  }
0x68: {  	s16 =	rddreg [dreg:$0x13]  }
0x69: {  	[sflag:s17] =	ssyncset.done $0x0;
	s19 =	sshrl.u32 s16, $0x3  }
0x6a: {  	[sflag:s17] =	ssyncadd.s32 $0xFFFFC000;
	s18 =	sadd.s32 s13, s19  }
0x6b: {  	[tilespmem:s8], [sflag:$0x1] =	stream.linear.gather [hbm4b:s18+s4], $0x80, $0x38;
	[tilespmem:$0x1A2C0] =	vst v63  }
0x6c: {  	_ =	swait.ge [sflag:s30], $0x80  }
0x6d: {  	[sflag:s30] =	ssyncset.done $0x0  }
0x6e: {  	[sflag:s30] =	ssyncadd.s32 $0xFFFFFF80  }
0x6f: {  	[spmem:s3] =	stream.indirect.scatter.add.f32 [tilespmem:s4], [sflag:$0x6], $0x80, s9, s14, $0xb8;
	[tilespmem:$0x1A2C0] =	vst v63  }
0x70: {  	_ =	swait.ge [sflag:s31], $0x4000  }
0x71: {  	[sflag:s31] =	ssyncset.done $0x0  }
0x72: {  	s20 =	sadd.s32 $0x0, s26;
	[sflag:s31] =	ssyncadd.s32 $0xFFFFC000  }
0x73: {  	[tilespmem:s9], [sflag:$0x2] =	stream.linear.gather [hbm4b:s20+s4], $0x80, $0x38;
	[tilespmem:$0x1A2C0] =	vst v63  }
0x74: {  	_ =	swait.ge [sflag:s0], $0x80  }
0x75: {  	[sflag:s0] =	ssyncset.done $0x0  }
0x76: {  	[sflag:s0] =	ssyncadd.s32 $0xFFFFFF80  }
0x77: {  	[spmem:s3] =	stream.indirect.scatter.add.f32 [tilespmem:s4], [sflag:$0x7], $0x80, s10, s14, $0xb8;
	[tilespmem:$0x1A2C0] =	vst v63  }
0x78: {  	_ =	swait.ge [sflag:s1], $0x4000  }
0x79: {  	[sflag:s1] =	ssyncset.done $0x0  }
0x7a: {  	s21 =	sadd.s32 $0x0, s25;
	[sflag:s1] =	ssyncadd.s32 $0xFFFFC000  }
0x7b: {  	[tilespmem:s10], [sflag:$0x3] =	stream.linear.gather [hbm4b:s21+s4], $0x80, $0x38;
	[tilespmem:$0x1A2C0] =	vst v63  }
0x7c: {  	_ =	swait.ge [sflag:s2], $0x80  }
0x7d: {  	[sflag:s2] =	ssyncset.done $0x0  }
0x7e: {  	[sflag:s2] =	ssyncadd.s32 $0xFFFFFF80  }
0x7f: {  	[spmem:s3] =	stream.indirect.scatter.add.f32 [tilespmem:s4], [sflag:$0x8], $0x80, s11, s14, $0xb8;
	[tilespmem:$0x1A2C0] =	vst v63  }
0x80: {  	_ =	swait.ge [sflag:s15], $0x4000  }
0x81: {  	s5 =	smov.u32 s24;
	s19 =	sadd.s32 $0x200, s16;
	[sflag:s15] =	ssyncset.done $0x0  }
0x82: {  	s18 =	simm.s32 $0x40;
	s20 =	sadd.s32 $0x0, s29;
	[sflag:s15] =	ssyncadd.s32 $0xFFFFC000  }
.LBB2_2:
0x83: {  	[tilespmem:s11], [sflag:$0x4] =	stream.linear.gather [hbm4b:s20+s4], $0x80, $0x38;
	[tilespmem:$0x1A2C0] =	vst v63  }
0x84: {  	s20 =	smov.u32 s18  }
0x85: {  	p0 =	sne.s32 s18, $0x440;
	s18 =	sadd.s32 $0x40, s18;
	_ =	swait.ge [sflag:s12], $0x80  }
0x86: {  	[sflag:s12] =	ssyncset.done $0x0  }
0x87: {  	[sflag:s12] =	ssyncadd.s32 $0xFFFFFF80  }
0x88: {  	[spmem:s3] =	stream.indirect.scatter.add.f32 [tilespmem:s4], [sflag:$0x5], $0x80, s8, s14, $0xb8;
	[tilespmem:$0x1A2C0] =	vst v63  }
0x89: {  	_ =	swait.ge [sflag:s17], $0x4000  }
0x8a: {  	s21 =	sshrl.u32 s19, $0x3;
	[sflag:s17] =	ssyncset.done $0x0  }
0x8b: {  	s21 =	sadd.s32 s13, s21;
	[sflag:s17] =	ssyncadd.s32 $0xFFFFC000  }
0x8c: {  	[tilespmem:s8], [sflag:$0x1] =	stream.linear.gather [hbm4b:s21+s4], $0x80, $0x38;
	[tilespmem:$0x1A2C0] =	vst v63  }
0x8d: {  	_ =	swait.ge [sflag:s30], $0x80  }
0x8e: {  	[sflag:s30] =	ssyncset.done $0x0  }
0x8f: {  	[sflag:s30] =	ssyncadd.s32 $0xFFFFFF80  }
0x90: {  	[spmem:s3] =	stream.indirect.scatter.add.f32 [tilespmem:s4], [sflag:$0x6], $0x80, s9, s14, $0xb8;
	[tilespmem:$0x1A2C0] =	vst v63  }
0x91: {  	_ =	swait.ge [sflag:s31], $0x4000  }
0x92: {  	[sflag:s31] =	ssyncset.done $0x0  }
0x93: {  	s21 =	sadd.s32 s20, s26;
	[sflag:s31] =	ssyncadd.s32 $0xFFFFC000  }
0x94: {  	[tilespmem:s9], [sflag:$0x2] =	stream.linear.gather [hbm4b:s21+s4], $0x80, $0x38;
	[tilespmem:$0x1A2C0] =	vst v63  }
0x95: {  	_ =	swait.ge [sflag:s0], $0x80  }
0x96: {  	[sflag:s0] =	ssyncset.done $0x0  }
0x97: {  	[sflag:s0] =	ssyncadd.s32 $0xFFFFFF80  }
0x98: {  	[spmem:s3] =	stream.indirect.scatter.add.f32 [tilespmem:s4], [sflag:$0x7], $0x80, s10, s14, $0xb8;
	[tilespmem:$0x1A2C0] =	vst v63  }
0x99: {  	_ =	swait.ge [sflag:s1], $0x4000  }
0x9a: {  	[sflag:s1] =	ssyncset.done $0x0  }
0x9b: {  	s21 =	sadd.s32 s20, s25;
	[sflag:s1] =	ssyncadd.s32 $0xFFFFC000  }
0x9c: {  	[tilespmem:s10], [sflag:$0x3] =	stream.linear.gather [hbm4b:s21+s4], $0x80, $0x38;
	[tilespmem:$0x1A2C0] =	vst v63  }
0x9d: {  	_ =	swait.ge [sflag:s2], $0x80  }
0x9e: {  	[sflag:s2] =	ssyncset.done $0x0  }
.Ltmp0:
0x9f: {  	[sflag:s2] =	ssyncadd.s32 $0xFFFFFF80;
	(pc) =	sbr.rel @p0 .LBB2_2-.Ltmp0, $4  }
0xa0: {  	[spmem:s3] =	stream.indirect.scatter.add.f32 [tilespmem:s4], [sflag:$0x8], $0x80, s11, s14, $0xb8;
	[tilespmem:$0x1A2C0] =	vst v63  }
0xa1: {  	_ =	swait.ge [sflag:s15], $0x4000  }
0xa2: {  	[sflag:s15] =	ssyncset.done $0x0  }
0xa3: {  	s19 =	sadd.s32 $0x200, s19;
	s20 =	sadd.s32 s20, s29;
	[sflag:s15] =	ssyncadd.s32 $0xFFFFC000  }
0xa4: {  	[tilespmem:s11], [sflag:$0x4] =	stream.linear.gather [hbm4b:s20+s4], $0x80, $0x38;
	[tilespmem:$0x1A2C0] =	vst v63  }
0xa5: {  	_ =	swait.ge [sflag:s12], $0x80  }
0xa6: {  	[sflag:s12] =	ssyncset.done $0x0  }
0xa7: {  	[sflag:s12] =	ssyncadd.s32 $0xFFFFFF80  }
0xa8: {  	[spmem:s3] =	stream.indirect.scatter.add.f32 [tilespmem:s4], [sflag:$0x5], $0x80, s8, s14, $0xb8;
	[tilespmem:$0x1A2C0] =	vst v63  }
0xa9: {  	_ =	swait.ge [sflag:s17], $0x4000  }
0xaa: {  	[sflag:s17] =	ssyncset.done $0x0  }
0xab: {  	s16 =	rddreg [dreg:$0x17];
	[sflag:s17] =	ssyncadd.s32 $0xFFFFC000  }
0xac: {  	[tilespmem:s8], [sflag:$0x1] =	stream.linear.gather [hbm4b:s16+s4], $0x80, $0x38;
	[tilespmem:$0x1A2C0] =	vst v63  }
0xad: {  	_ =	swait.ge [sflag:s30], $0x80  }
0xae: {  	[sflag:s30] =	ssyncset.done $0x0  }
0xaf: {  	[sflag:s30] =	ssyncadd.s32 $0xFFFFFF80  }
0xb0: {  	[spmem:s3] =	stream.indirect.scatter.add.f32 [tilespmem:s4], [sflag:$0x6], $0x80, s9, s14, $0xb8;
	[tilespmem:$0x1A2C0] =	vst v63  }
0xb1: {  	_ =	swait.ge [sflag:s31], $0x4000  }
0xb2: {  	[sflag:s31] =	ssyncset.done $0x0  }
0xb3: {  	s20 =	rddreg [dreg:$0x18];
	[sflag:s31] =	ssyncadd.s32 $0xFFFFC000  }
0xb4: {  	[tilespmem:s9], [sflag:$0x2] =	stream.linear.gather [hbm4b:s20+s4], $0x80, $0x38;
	[tilespmem:$0x1A2C0] =	vst v63  }
0xb5: {  	_ =	swait.ge [sflag:s0], $0x80  }
0xb6: {  	[sflag:s0] =	ssyncset.done $0x0  }
0xb7: {  	[sflag:s0] =	ssyncadd.s32 $0xFFFFFF80  }
0xb8: {  	[spmem:s3] =	stream.indirect.scatter.add.f32 [tilespmem:s4], [sflag:$0x7], $0x80, s10, s14, $0xb8;
	[tilespmem:$0x1A2C0] =	vst v63  }
0xb9: {  	_ =	swait.ge [sflag:s1], $0x4000  }
0xba: {  	[sflag:s1] =	ssyncset.done $0x0  }
0xbb: {  	s21 =	rddreg [dreg:$0x19];
	[sflag:s1] =	ssyncadd.s32 $0xFFFFC000  }
0xbc: {  	[tilespmem:s10], [sflag:$0x3] =	stream.linear.gather [hbm4b:s21+s4], $0x80, $0x38;
	[tilespmem:$0x1A2C0] =	vst v63  }
0xbd: {  	_ =	swait.ge [sflag:s2], $0x80  }
0xbe: {  	[sflag:s2] =	ssyncset.done $0x0  }
0xbf: {  	[sflag:s2] =	ssyncadd.s32 $0xFFFFFF80  }
0xc0: {  	[spmem:s3] =	stream.indirect.scatter.add.f32 [tilespmem:s4], [sflag:$0x8], $0x80, s11, s14, $0xb8;
	[tilespmem:$0x1A2C0] =	vst v63  }
0xc1: {  	_ =	swait.ge [sflag:s15], $0x4000  }
0xc2: {  	[sflag:s15] =	ssyncset.done $0x0  }
0xc3: {  	[sflag:s15] =	ssyncadd.s32 $0xFFFFC000  }
0xc4: {  	[tilespmem:s11], [sflag:$0x4] =	stream.linear.gather [hbm4b:s21+s4], $0x80, $0x38;
	[tilespmem:$0x1A2C0] =	vst v63  }
0xc5: {  	_ =	swait.ge [sflag:s12], $0x80  }
0xc6: {  	[sflag:s12] =	ssyncset.done $0x0  }
0xc7: {  	[sflag:s12] =	ssyncadd.s32 $0xFFFFFF80  }
0xc8: {  	[spmem:s3] =	stream.indirect.scatter.add.f32 [tilespmem:s4], [sflag:$0x9], $0x80, s8, s14, $0xb8;
	[tilespmem:$0x1A2C0] =	vst v63  }
0xc9: {  	_ =	swait.ge [sflag:s6], $0x4000  }
0xca: {  	[sflag:s6] =	ssyncset.done $0x0  }
0xcb: {  	[sflag:s6] =	ssyncadd.s32 $0xFFFFC000  }
0xcc: {  	_ =	swait.ge [sflag:s30], $0x80  }
0xcd: {  	[sflag:s30] =	ssyncset.done $0x0  }
0xce: {  	[sflag:s30] =	ssyncadd.s32 $0xFFFFFF80  }
0xcf: {  	[spmem:s3] =	stream.indirect.scatter.add.f32 [tilespmem:s4], [sflag:$0x9], $0x80, s9, s14, $0xb8;
	[tilespmem:$0x1A2C0] =	vst v63  }
0xd0: {  	_ =	swait.ge [sflag:s6], $0x4000  }
0xd1: {  	[sflag:s6] =	ssyncset.done $0x0  }
0xd2: {  	[sflag:s6] =	ssyncadd.s32 $0xFFFFC000  }
0xd3: {  	_ =	swait.ge [sflag:s0], $0x80  }
0xd4: {  	[sflag:s0] =	ssyncset.done $0x0  }
0xd5: {  	[sflag:s0] =	ssyncadd.s32 $0xFFFFFF80  }
0xd6: {  	[spmem:s3] =	stream.indirect.scatter.add.f32 [tilespmem:s4], [sflag:$0x9], $0x80, s10, s14, $0xb8;
	[tilespmem:$0x1A2C0] =	vst v63  }
0xd7: {  	_ =	swait.ge [sflag:s6], $0x4000  }
0xd8: {  	[sflag:s6] =	ssyncset.done $0x0  }
0xd9: {  	[sflag:s6] =	ssyncadd.s32 $0xFFFFC000  }
0xda: {  	_ =	swait.ge [sflag:s2], $0x80  }
0xdb: {  	[sflag:s2] =	ssyncset.done $0x0  }
0xdc: {  	[sflag:s2] =	ssyncadd.s32 $0xFFFFFF80  }
0xdd: {  	[bflag:$0x0] =	sbarrier.arrive $0xFFFF  }
0xde: {  	[tilespmem:s7], [sflag:$0x9] =	stream.linear.gather [spmem:s22], $0x2800, $0x38;
	[tilespmem:$0x1A2C0] =	vst v63  }
0xdf: {  	_ =	swait.ge [sflag:s6], $0x2800  }
0xe0: {  	[sflag:s6] =	ssyncset.done $0x0  }
0xe1: {  	s18 =	rddreg [dreg:$0x4];
	[sflag:s6] =	ssyncadd.s32 $0xFFFFD800  }
0xe2: {  	[hbm4b:s18+s4] =	stream.linear.scatter [tilespmem:s7], [sflag:$0x9], $0x2800, $0x38;
	[tilespmem:$0x1A2C0] =	vst v63  }
0xe3: {  	_ =	swait.ge [sflag:s6], $0x2800  }
0xe4: {  	[sflag:s6] =	ssyncset.done $0x0  }
0xe5: {  	[sflag:s6] =	ssyncadd.s32 $0xFFFFD800  }
0xe6: {  	[tilespmem:s7], [sflag:$0x9] =	stream.linear.gather [spmem:s23], $0x2800, $0x38;
	[tilespmem:$0x1A2C0] =	vst v63  }
0xe7: {  	_ =	swait.ge [sflag:s6], $0x2800  }
0xe8: {  	[sflag:s6] =	ssyncset.done $0x0  }
0xe9: {  	s24 =	rddreg [dreg:$0x5];
	[sflag:s6] =	ssyncadd.s32 $0xFFFFD800  }
0xea: {  	[hbm4b:s24+s4] =	stream.linear.scatter [tilespmem:s7], [sflag:$0x9], $0x2800, $0x38;
	[tilespmem:$0x1A2C0] =	vst v63  }
0xeb: {  	_ =	swait.ge [sflag:s6], $0x2800  }
0xec: {  	[sflag:s6] =	ssyncset.done $0x0  }
0xed: {  	[sflag:s6] =	ssyncadd.s32 $0xFFFFD800  }
0xee: {  	[tilespmem:s7], [sflag:$0x9] =	stream.linear.gather [spmem:s28], $0x2800, $0x38;
	[tilespmem:$0x1A2C0] =	vst v63  }
0xef: {  	_ =	swait.ge [sflag:s6], $0x2800  }
0xf0: {  	[sflag:s6] =	ssyncset.done $0x0  }
0xf1: {  	s16 =	rddreg [dreg:$0x6];
	[sflag:s6] =	ssyncadd.s32 $0xFFFFD800  }
0xf2: {  	[hbm4b:s16+s4] =	stream.linear.scatter [tilespmem:s7], [sflag:$0x9], $0x2800, $0x38;
	[tilespmem:$0x1A2C0] =	vst v63  }
0xf3: {  	_ =	swait.ge [sflag:s6], $0x2800  }
0xf4: {  	[sflag:s6] =	ssyncset.done $0x0  }
0xf5: {  	s21 =	smov.u32 s28;
	s28 =	rddreg [dreg:$0x10];
	[sflag:s6] =	ssyncadd.s32 $0xFFFFD800  }
0xf6: {  	[tilespmem:s7], [sflag:$0x9] =	stream.linear.gather [spmem:s28], $0x2800, $0x38;
	[tilespmem:$0x1A2C0] =	vst v63  }
0xf7: {  	_ =	swait.ge [sflag:s6], $0x2800  }
0xf8: {  	[sflag:s6] =	ssyncset.done $0x0  }
0xf9: {  	s19 =	smov.u32 s22;
	s22 =	rddreg [dreg:$0x7];
	[sflag:s6] =	ssyncadd.s32 $0xFFFFD800  }
0xfa: {  	[hbm4b:s22+s4] =	stream.linear.scatter [tilespmem:s7], [sflag:$0x9], $0x2800, $0x38;
	[tilespmem:$0x1A2C0] =	vst v63  }
0xfb: {  	_ =	swait.ge [sflag:s6], $0x2800  }
0xfc: {  	[sflag:s6] =	ssyncset.done $0x0  }
0xfd: {  	s22 =	rddreg [dreg:$0xf];
	[sflag:s6] =	ssyncadd.s32 $0xFFFFD800  }
0xfe: {  	[tilespmem:s7], [sflag:$0x9] =	stream.linear.gather [spmem:s22], $0x2800, $0x38;
	[tilespmem:$0x1A2C0] =	vst v63  }
0xff: {  	_ =	swait.ge [sflag:s6], $0x2800  }
0x100: {  	[sflag:s6] =	ssyncset.done $0x0  }
0x101: {  	s20 =	smov.u32 s23;
	s23 =	rddreg [dreg:$0x8];
	[sflag:s6] =	ssyncadd.s32 $0xFFFFD800  }
0x102: {  	[hbm4b:s23+s4] =	stream.linear.scatter [tilespmem:s7], [sflag:$0x9], $0x2800, $0x38;
	[tilespmem:$0x1A2C0] =	vst v63  }
0x103: {  	_ =	swait.ge [sflag:s6], $0x2800  }
0x104: {  	[sflag:s6] =	ssyncset.done $0x0  }
0x105: {  	[sflag:s6] =	ssyncadd.s32 $0xFFFFD800  }
0x106: {  	[tilespmem:s7], [sflag:$0x9] =	stream.linear.gather [spmem:s5], $0x2800, $0x38;
	[tilespmem:$0x1A2C0] =	vst v63  }
0x107: {  	_ =	swait.ge [sflag:s6], $0x2800  }
0x108: {  	[sflag:s6] =	ssyncset.done $0x0  }
0x109: {  	s24 =	rddreg [dreg:$0x9];
	[sflag:s6] =	ssyncadd.s32 $0xFFFFD800  }
0x10a: {  	[hbm4b:s24+s4] =	stream.linear.scatter [tilespmem:s7], [sflag:$0x9], $0x2800, $0x38;
	[tilespmem:$0x1A2C0] =	vst v63  }
0x10b: {  	_ =	swait.ge [sflag:s6], $0x2800  }
0x10c: {  	[sflag:s6] =	ssyncset.done $0x0  }
0x10d: {  	s23 =	rddreg [dreg:$0x11];
	[sflag:s6] =	ssyncadd.s32 $0xFFFFD800  }
0x10e: {  	[tilespmem:s7], [sflag:$0x9] =	stream.linear.gather [spmem:s23], $0x2800, $0x38;
	[tilespmem:$0x1A2C0] =	vst v63  }
0x10f: {  	_ =	swait.ge [sflag:s6], $0x2800  }
0x110: {  	[sflag:s6] =	ssyncset.done $0x0  }
0x111: {  	s16 =	rddreg [dreg:$0xa];
	[sflag:s6] =	ssyncadd.s32 $0xFFFFD800  }
0x112: {  	[hbm4b:s16+s4] =	stream.linear.scatter [tilespmem:s7], [sflag:$0x9], $0x2800, $0x38;
	[tilespmem:$0x1A2C0] =	vst v63  }
0x113: {  	_ =	swait.ge [sflag:s6], $0x2800  }
0x114: {  	[sflag:s6] =	ssyncset.done $0x0  }
0x115: {  	s16 =	rddreg [dreg:$0x12];
	[sflag:s6] =	ssyncadd.s32 $0xFFFFD800  }
0x116: {  	[tilespmem:s7], [sflag:$0x9] =	stream.linear.gather [spmem:s16], $0x2800, $0x38;
	[tilespmem:$0x1A2C0] =	vst v63  }
0x117: {  	_ =	swait.ge [sflag:s6], $0x2800  }
0x118: {  	[sflag:s6] =	ssyncset.done $0x0  }
0x119: {  	s24 =	rddreg [dreg:$0xb];
	[sflag:s6] =	ssyncadd.s32 $0xFFFFD800  }
0x11a: {  	[hbm4b:s24+s4] =	stream.linear.scatter [tilespmem:s7], [sflag:$0x9], $0x2800, $0x38;
	[tilespmem:$0x1A2C0] =	vst v63  }
0x11b: {  	_ =	swait.ge [sflag:s6], $0x2800  }
0x11c: {  	s24 =	rddreg [dreg:$0x1a]  }
0x11d: {  	s18 =	rddreg [dreg:$0xe];
	s24 =	sadd.s32 $0x1, s24  }
0x11e: {  	p0 =	sne.s32 s24, s18  }
.Ltmp1:
0x11f: {  	_ = 	snop;
	(pc) =	sbr.rel @p0 .LBB2_1-.Ltmp1, $3  }
0x120: {  	_ =	sdelay $0x1  }
0x121: {  	[sflag:s6] =	ssyncset.done $0x0  }
0x122: {  	[sflag:s6] =	ssyncadd.s32 $0xFFFFD800;
	[dreg:$0x1a] =	wrdreg s24;
	s24 =	smov.u32 s5  }
0x123: {  	_ =	sfence.sel $0x180000  }
0x124: {  	[bflag:$0x0] =	sbarrier.arrive $0xFFFF  }
0x125: {  	_ =	strace $0x90000047  }
0x126: {  	s0 =	stileid.u32;
	[bflag:$0x2] =	sbarrier.arrive $0xFFFF  }
0x127: {  	p0 =	sne.s32 s0, $0x0;
	s0 =	rddreg [dreg:$0x3]  }
0x128: {  	s0 =	sadd.s32 @!p0 $0x100000, s0  }
0x129: {  	[sflag:s0] =	ssyncadd.tile.s32 @!p0 $0x1;
	_ =	shalt  }
.Lfunc_end2:
_tile_overlayer_lowered:
.L_overlay_start_2:
0x12a: {  	(tag) =	ssettag $0x2  }
0x12b: {  	s0 =	rddreg [dreg:$0x0];
	s2 =	stileid.u32  }
0x12c: {  	s1 =	rddreg [dreg:$0x1];
	p0 =	sne.s32 s2, $0x0  }
0x12d: {  	s3 =	rddreg [dreg:$0x2];
	[bflag:$0x3] =	sbarrier.arrive $0xFFFF;
	s2 =	simm.s32 @!p0 $0x1C09  }
0x12e: {  	[timem:s3], [sflag:s2] =	dma.local @!p0 [hbm:s0], s1  }
0x12f: {  	s0 =	simm.s32 @!p0 $0x9  }
0x130: {  	_ =	swait.ge @!p0 [sflag:s0], s1  }
0x131: {  	s1 =	ssub.s32 @!p0 $0x0, s1;
	[sflag:s0] =	ssyncset.done @!p0 $0x0  }
0x132: {  	[sflag:s0] =	ssyncadd.s32 @!p0 s1  }
0x133: {  	[bflag:$0x3] =	sbarrier.arrive $0xFFFF  }
0x134: {  	_ =	shalt  }

</sc_bundles>
